<compile_context>
chip_gen: v7x
topology: tpu7x:2x2x1
jax: 0.10.2.dev20260603
libtpu: 0.0.44.dev20260713+nightly
codegen_flags: <defaults>
</compile_context>

<pallas_src>
import functools

import jax
import jax.numpy as jnp
from jax import lax
from jax.experimental import pallas as pl
from jax.experimental.pallas import tpu as pltpu
from jax.experimental.pallas import tpu_sc as plsc

MAXLEN = 200
EMBED_DIM = 128
BATCH = 1024
NC = 2
NS = 16
NW = NC * NS
CHUNK = 40
SPLITS = MAXLEN // CHUNK
SEQ_PER_W = BATCH // NW
CPW = SEQ_PER_W * SPLITS
NBUF = SPLITS
NIT = CPW // NBUF
LANES = 16


def kernel(x, y, token_table, pos_table, parent_table):
    mesh = plsc.VectorSubcoreMesh(core_axis_name="c", subcore_axis_name="s")

    @functools.partial(
        pl.kernel,
        out_type=jax.ShapeDtypeStruct((BATCH, MAXLEN, EMBED_DIM), jnp.float32),
        mesh=mesh,
        compiler_params=pltpu.CompilerParams(use_tc_tiling_on_sc=False),
        scratch_types=[
            pltpu.VMEM((CPW, CHUNK), jnp.int32),
            pltpu.VMEM((CPW, CHUNK), jnp.int32),
            [pltpu.VMEM((CHUNK, EMBED_DIM), jnp.float32) for _ in range(NBUF)],
            [pltpu.VMEM((CHUNK, EMBED_DIM), jnp.float32) for _ in range(NBUF)],
            pltpu.VMEM((MAXLEN, EMBED_DIM), jnp.float32),
            [pltpu.SemaphoreType.DMA for _ in range(NBUF)],
            [pltpu.SemaphoreType.DMA for _ in range(NBUF)],
        ],
    )
    def k(x_hbm, y_hbm, tok_hbm, pos_hbm, par_hbm, out_hbm,
          idx_x, idx_y, tok_v, par_v, pos_v, sem_g, sem_o):
        wid = lax.axis_index("s") * NC + lax.axis_index("c")
        seq0 = wid * SEQ_PER_W
        chunk0 = wid * CPW
        pltpu.sync_copy(x_hbm.at[pl.ds(chunk0, CPW)], idx_x)
        pltpu.sync_copy(y_hbm.at[pl.ds(chunk0, CPW)], idx_y)
        pltpu.sync_copy(pos_hbm, pos_v)

        def issue(it, p, q):
            c = it * NBUF + p
            pltpu.async_copy(tok_hbm.at[idx_x.at[c]], tok_v[q], sem_g[q])
            pltpu.async_copy(par_hbm.at[idx_y.at[c]], par_v[q], sem_g[q])

        def wait_gather(q):
            pltpu.make_async_copy(
                tok_hbm.at[idx_x.at[0]], tok_v[q], sem_g[q]).wait()
            pltpu.make_async_copy(
                par_hbm.at[idx_y.at[0]], par_v[q], sem_g[q]).wait()

        def wait_out(q):
            pltpu.make_async_copy(
                tok_v[q], out_hbm.at[0, pl.ds(0, CHUNK)], sem_o[q]).wait()

        issue(0, 0, 0)
        issue(0, 1, 1)

        @pl.loop(0, NIT)
        def _it(it):
            for p in range(NBUF):
                q = (p + 2) % NBUF
                it2 = it + (p + 2) // NBUF
                if p < NBUF - 2:
                    @pl.when(it > 0)
                    def _():
                        wait_out(q)
                    issue(it2, q, q)
                else:
                    @pl.when(it < NIT - 1)
                    def _():
                        wait_out(q)
                        issue(it2, q, q)

                wait_gather(p)

                @pl.loop(0, CHUNK, unroll=2)
                def _row(r):
                    for cb in range(EMBED_DIM // LANES):
                        sl = pl.ds(cb * LANES, LANES)
                        plsc.addupdate(
                            tok_v[p].at[r, sl],
                            par_v[p][r, sl] + pos_v[p * CHUNK + r, sl])

                pltpu.async_copy(
                    tok_v[p],
                    out_hbm.at[seq0 + it, pl.ds(p * CHUNK, CHUNK)],
                    sem_o[p])

        for p in range(NBUF):
            wait_out(p)

    x2 = x.reshape(BATCH * SPLITS, CHUNK)
    y2 = y.reshape(BATCH * SPLITS, CHUNK)
    return k(x2, y2, token_table, pos_table, parent_table)

# --- scband reference (transcript-rebuilt; emitter-appended) ---
"""Pipeline reference for scband-token-and-position-embedding-86801289052171 (READ-ONLY COPY).

The authoritative reference and input builder live on the scoring server;
editing this copy changes nothing except your own understanding.
"""

import jax, jax.numpy as jnp
import numpy as np

MAXLEN = 200
VOCAB_TOKEN = 100000
VOCAB_PARENT = 1000
EMBED_DIM = 128
BATCH = 1024

def setup_inputs(seed: int = 0) -> dict:
    key = jax.random.key(seed)
    k1, k2, k3, k4, k5 = jax.random.split(key, 5)
    x = jax.random.randint(k1, (BATCH, MAXLEN), 0, VOCAB_TOKEN, dtype=jnp.int32)
    y = jax.random.randint(k2, (BATCH, MAXLEN), 0, VOCAB_PARENT, dtype=jnp.int32)
    token_table = jax.random.normal(k3, (VOCAB_TOKEN, EMBED_DIM), dtype=jnp.float32) * 0.05
    pos_table = jax.random.normal(k4, (MAXLEN, EMBED_DIM), dtype=jnp.float32) * 0.05
    parent_table = jax.random.normal(k5, (VOCAB_PARENT, EMBED_DIM), dtype=jnp.float32) * 0.05
    return {"x": x, "y": y, "token_table": token_table, "pos_table": pos_table, "parent_table": parent_table}

def reference(x, y, token_table, pos_table, parent_table):
    maxlen = x.shape[-1]
    positions = jnp.arange(0, maxlen)
    pos_e = jnp.take(pos_table, positions, axis=0)          # [L, D]
    tok_e = jnp.take(token_table, x, axis=0)                # [B, L, D]
    par_e = jnp.take(parent_table, y, axis=0)               # [B, L, D]
    return tok_e + par_e + pos_e[None, :, :]

if __name__ == "__main__":
    import jax
    _d = setup_inputs()
    print(jax.jit(kernel)(*tuple(_d.values())))

</pallas_src>

<mosaic_0001>
#map = affine_map<(d0, d1) -> (0, 0)>
#map1 = affine_map<(d0, d1) -> (0, 0, 0)>
module attributes {stable_mosaic.version = 14 : i64} {
  func.func @k(%arg0: i32, %arg1: i32, %arg2: memref<5120x40xi32, #tpu.memory_space<hbm>>, %arg3: memref<5120x40xi32, #tpu.memory_space<hbm>>, %arg4: memref<100000x128xf32, #tpu.memory_space<hbm>>, %arg5: memref<200x128xf32, #tpu.memory_space<hbm>>, %arg6: memref<1000x128xf32, #tpu.memory_space<hbm>>, %arg7: memref<1024x200x128xf32, #tpu.memory_space<hbm>>, %arg8: memref<160x40xi32, #tpu.memory_space<vmem>>, %arg9: memref<160x40xi32, #tpu.memory_space<vmem>>, %arg10: memref<40x128xf32, #tpu.memory_space<vmem>>, %arg11: memref<40x128xf32, #tpu.memory_space<vmem>>, %arg12: memref<40x128xf32, #tpu.memory_space<vmem>>, %arg13: memref<40x128xf32, #tpu.memory_space<vmem>>, %arg14: memref<40x128xf32, #tpu.memory_space<vmem>>, %arg15: memref<40x128xf32, #tpu.memory_space<vmem>>, %arg16: memref<40x128xf32, #tpu.memory_space<vmem>>, %arg17: memref<40x128xf32, #tpu.memory_space<vmem>>, %arg18: memref<40x128xf32, #tpu.memory_space<vmem>>, %arg19: memref<40x128xf32, #tpu.memory_space<vmem>>, %arg20: memref<200x128xf32, #tpu.memory_space<vmem>>, %arg21: memref<!tpu.dma_semaphore, #tpu.memory_space<semaphore_mem>>, %arg22: memref<!tpu.dma_semaphore, #tpu.memory_space<semaphore_mem>>, %arg23: memref<!tpu.dma_semaphore, #tpu.memory_space<semaphore_mem>>, %arg24: memref<!tpu.dma_semaphore, #tpu.memory_space<semaphore_mem>>, %arg25: memref<!tpu.dma_semaphore, #tpu.memory_space<semaphore_mem>>, %arg26: memref<!tpu.dma_semaphore, #tpu.memory_space<semaphore_mem>>, %arg27: memref<!tpu.dma_semaphore, #tpu.memory_space<semaphore_mem>>, %arg28: memref<!tpu.dma_semaphore, #tpu.memory_space<semaphore_mem>>, %arg29: memref<!tpu.dma_semaphore, #tpu.memory_space<semaphore_mem>>, %arg30: memref<!tpu.dma_semaphore, #tpu.memory_space<semaphore_mem>>) attributes {dimension_semantics = [#tpu.dimension_semantics<core_parallel>, #tpu.dimension_semantics<subcore_parallel>], iteration_bounds = array<i64: 2, 16>, scalar_prefetch = 0 : i64, scratch_operands = 23 : i64, tpu.core_type = #tpu.core_type<sc_vector_subcore>, window_params = [{transform_indices = #map}, {transform_indices = #map}, {transform_indices = #map}, {transform_indices = #map}, {transform_indices = #map}, {transform_indices = #map1}]} {
    %mul3A = arith.constant 2 : i32
    %mul3A_0 = arith.muli %arg1, %mul3A : i32
    %add3A = arith.addi %mul3A_0, %arg0 : i32
    %mul3A_1 = arith.constant 32 : i32
    %mul3A_2 = arith.muli %add3A, %mul3A_1 : i32
    %mul3A_3 = arith.constant 160 : i32
    %mul3A_4 = arith.muli %add3A, %mul3A_3 : i32
    "tpu.region"() ({
      %run_scoped3A = tpu.sem_alloc : memref<!tpu.dma_semaphore, #tpu.memory_space<semaphore_mem>>
      %dma_start3A_80 = arith.constant 0 : i32
      %dma_start3A_81 = tpu.memref_slice %arg2[%mul3A_4, %dma_start3A_80] : memref<5120x40xi32, #tpu.memory_space<hbm>> -> memref<160x40xi32, #tpu.memory_space<hbm>>
      %dma_start3A_82 = arith.constant 0 : i32
      %dma_start3A_83 = tpu.memref_slice %arg2[%mul3A_4, %dma_start3A_82] : memref<5120x40xi32, #tpu.memory_space<hbm>> -> memref<160x40xi32, #tpu.memory_space<hbm>>
      tpu.enqueue_dma source(%dma_start3A_83 : memref<160x40xi32, #tpu.memory_space<hbm>>) target(%arg8 : memref<160x40xi32, #tpu.memory_space<vmem>>) target_semaphore(%run_scoped3A : memref<!tpu.dma_semaphore, #tpu.memory_space<semaphore_mem>>)
      %dma_wait3A_84 = arith.constant 0 : i32
      %dma_wait3A_85 = tpu.memref_slice %arg2[%mul3A_4, %dma_wait3A_84] : memref<5120x40xi32, #tpu.memory_space<hbm>> -> memref<160x40xi32, #tpu.memory_space<hbm>>
      %dma_wait3A_86 = arith.constant 0 : i32
      %dma_wait3A_87 = tpu.memref_slice %arg2[%mul3A_4, %dma_wait3A_86] : memref<5120x40xi32, #tpu.memory_space<hbm>> -> memref<160x40xi32, #tpu.memory_space<hbm>>
      tpu.wait_dma2 semaphore(%run_scoped3A : memref<!tpu.dma_semaphore, #tpu.memory_space<semaphore_mem>>) src(%dma_wait3A_87 : memref<160x40xi32, #tpu.memory_space<hbm>>) dst(%arg8 : memref<160x40xi32, #tpu.memory_space<vmem>>)
      tpu.yield
    }) : () -> ()
    "tpu.region"() ({
      %run_scoped3A = tpu.sem_alloc : memref<!tpu.dma_semaphore, #tpu.memory_space<semaphore_mem>>
      %dma_start3A_80 = arith.constant 0 : i32
      %dma_start3A_81 = tpu.memref_slice %arg3[%mul3A_4, %dma_start3A_80] : memref<5120x40xi32, #tpu.memory_space<hbm>> -> memref<160x40xi32, #tpu.memory_space<hbm>>
      %dma_start3A_82 = arith.constant 0 : i32
      %dma_start3A_83 = tpu.memref_slice %arg3[%mul3A_4, %dma_start3A_82] : memref<5120x40xi32, #tpu.memory_space<hbm>> -> memref<160x40xi32, #tpu.memory_space<hbm>>
      tpu.enqueue_dma source(%dma_start3A_83 : memref<160x40xi32, #tpu.memory_space<hbm>>) target(%arg9 : memref<160x40xi32, #tpu.memory_space<vmem>>) target_semaphore(%run_scoped3A : memref<!tpu.dma_semaphore, #tpu.memory_space<semaphore_mem>>)
      %dma_wait3A_84 = arith.constant 0 : i32
      %dma_wait3A_85 = tpu.memref_slice %arg3[%mul3A_4, %dma_wait3A_84] : memref<5120x40xi32, #tpu.memory_space<hbm>> -> memref<160x40xi32, #tpu.memory_space<hbm>>
      %dma_wait3A_86 = arith.constant 0 : i32
      %dma_wait3A_87 = tpu.memref_slice %arg3[%mul3A_4, %dma_wait3A_86] : memref<5120x40xi32, #tpu.memory_space<hbm>> -> memref<160x40xi32, #tpu.memory_space<hbm>>
      tpu.wait_dma2 semaphore(%run_scoped3A : memref<!tpu.dma_semaphore, #tpu.memory_space<semaphore_mem>>) src(%dma_wait3A_87 : memref<160x40xi32, #tpu.memory_space<hbm>>) dst(%arg9 : memref<160x40xi32, #tpu.memory_space<vmem>>)
      tpu.yield
    }) : () -> ()
    "tpu.region"() ({
      %run_scoped3A = tpu.sem_alloc : memref<!tpu.dma_semaphore, #tpu.memory_space<semaphore_mem>>
      tpu.enqueue_dma source(%arg5 : memref<200x128xf32, #tpu.memory_space<hbm>>) target(%arg20 : memref<200x128xf32, #tpu.memory_space<vmem>>) target_semaphore(%run_scoped3A : memref<!tpu.dma_semaphore, #tpu.memory_space<semaphore_mem>>)
      tpu.wait_dma2 semaphore(%run_scoped3A : memref<!tpu.dma_semaphore, #tpu.memory_space<semaphore_mem>>) src(%arg5 : memref<200x128xf32, #tpu.memory_space<hbm>>) dst(%arg20 : memref<200x128xf32, #tpu.memory_space<vmem>>)
      tpu.yield
    }) : () -> ()
    %dma_start3A = arith.constant 0 : i32
    %dma_start3A_5 = arith.constant 0 : i32
    %dma_start3A_6 = tpu.memref_slice %arg8[%dma_start3A, %dma_start3A_5] : memref<160x40xi32, #tpu.memory_space<vmem>> -> memref<1x40xi32, #tpu.memory_space<vmem>>
    %dma_start3A_7 = tpu.memref_squeeze %dma_start3A_6 : memref<1x40xi32, #tpu.memory_space<vmem>> -> memref<40xi32, #tpu.memory_space<vmem>>
    %dma_start3A_8 = arith.constant 0 : i32
    %dma_start3A_9 = arith.constant 0 : i32
    %dma_start3A_10 = tpu.memref_slice %arg4[%dma_start3A_8, %dma_start3A_9] : memref<100000x128xf32, #tpu.memory_space<hbm>> -> memref<100000x128xf32, #tpu.memory_space<hbm>>
    tpu.enqueue_indirect_dma source(%dma_start3A_10 : memref<100000x128xf32, #tpu.memory_space<hbm>>) target(%arg10 : memref<40x128xf32, #tpu.memory_space<vmem>>) offsets(%dma_start3A_7 : memref<40xi32, #tpu.memory_space<vmem>>) semaphore(%arg21 : memref<!tpu.dma_semaphore, #tpu.memory_space<semaphore_mem>>)
    %dma_start3A_11 = arith.constant 0 : i32
    %dma_start3A_12 = arith.constant 0 : i32
    %dma_start3A_13 = tpu.memref_slice %arg9[%dma_start3A_11, %dma_start3A_12] : memref<160x40xi32, #tpu.memory_space<vmem>> -> memref<1x40xi32, #tpu.memory_space<vmem>>
    %dma_start3A_14 = tpu.memref_squeeze %dma_start3A_13 : memref<1x40xi32, #tpu.memory_space<vmem>> -> memref<40xi32, #tpu.memory_space<vmem>>
    %dma_start3A_15 = arith.constant 0 : i32
    %dma_start3A_16 = arith.constant 0 : i32
    %dma_start3A_17 = tpu.memref_slice %arg6[%dma_start3A_15, %dma_start3A_16] : memref<1000x128xf32, #tpu.memory_space<hbm>> -> memref<1000x128xf32, #tpu.memory_space<hbm>>
    tpu.enqueue_indirect_dma source(%dma_start3A_17 : memref<1000x128xf32, #tpu.memory_space<hbm>>) target(%arg15 : memref<40x128xf32, #tpu.memory_space<vmem>>) offsets(%dma_start3A_14 : memref<40xi32, #tpu.memory_space<vmem>>) semaphore(%arg21 : memref<!tpu.dma_semaphore, #tpu.memory_space<semaphore_mem>>)
    %dma_start3A_18 = arith.constant 1 : i32
    %dma_start3A_19 = arith.constant 0 : i32
    %dma_start3A_20 = tpu.memref_slice %arg8[%dma_start3A_18, %dma_start3A_19] : memref<160x40xi32, #tpu.memory_space<vmem>> -> memref<1x40xi32, #tpu.memory_space<vmem>>
    %dma_start3A_21 = tpu.memref_squeeze %dma_start3A_20 : memref<1x40xi32, #tpu.memory_space<vmem>> -> memref<40xi32, #tpu.memory_space<vmem>>
    %dma_start3A_22 = arith.constant 0 : i32
    %dma_start3A_23 = arith.constant 0 : i32
    %dma_start3A_24 = tpu.memref_slice %arg4[%dma_start3A_22, %dma_start3A_23] : memref<100000x128xf32, #tpu.memory_space<hbm>> -> memref<100000x128xf32, #tpu.memory_space<hbm>>
    tpu.enqueue_indirect_dma source(%dma_start3A_24 : memref<100000x128xf32, #tpu.memory_space<hbm>>) target(%arg11 : memref<40x128xf32, #tpu.memory_space<vmem>>) offsets(%dma_start3A_21 : memref<40xi32, #tpu.memory_space<vmem>>) semaphore(%arg22 : memref<!tpu.dma_semaphore, #tpu.memory_space<semaphore_mem>>)
    %dma_start3A_25 = arith.constant 1 : i32
    %dma_start3A_26 = arith.constant 0 : i32
    %dma_start3A_27 = tpu.memref_slice %arg9[%dma_start3A_25, %dma_start3A_26] : memref<160x40xi32, #tpu.memory_space<vmem>> -> memref<1x40xi32, #tpu.memory_space<vmem>>
    %dma_start3A_28 = tpu.memref_squeeze %dma_start3A_27 : memref<1x40xi32, #tpu.memory_space<vmem>> -> memref<40xi32, #tpu.memory_space<vmem>>
    %dma_start3A_29 = arith.constant 0 : i32
    %dma_start3A_30 = arith.constant 0 : i32
    %dma_start3A_31 = tpu.memref_slice %arg6[%dma_start3A_29, %dma_start3A_30] : memref<1000x128xf32, #tpu.memory_space<hbm>> -> memref<1000x128xf32, #tpu.memory_space<hbm>>
    tpu.enqueue_indirect_dma source(%dma_start3A_31 : memref<1000x128xf32, #tpu.memory_space<hbm>>) target(%arg16 : memref<40x128xf32, #tpu.memory_space<vmem>>) offsets(%dma_start3A_28 : memref<40xi32, #tpu.memory_space<vmem>>) semaphore(%arg22 : memref<!tpu.dma_semaphore, #tpu.memory_space<semaphore_mem>>)
    %scan3A = arith.constant 0 : i32
    %scan3A_32 = arith.constant 32 : i32
    %scan3A_33 = arith.addi %scan3A, %scan3A_32 : i32
    %scan3A_34 = arith.constant 1 : i32
    scf.for %scan3A_80 = %scan3A to %scan3A_33 step %scan3A_34  : i32 {
      %mul3A_81 = arith.constant 1 : i32
      %mul3A_82 = arith.muli %scan3A_80, %mul3A_81 : i32
      %add3A_83 = arith.constant 0 : i32
      %add3A_84 = arith.addi %add3A_83, %mul3A_82 : i32
      %add3A_85 = arith.constant 0 : i32
      %add3A_86 = arith.addi %add3A_84, %add3A_85 : i32
      %gt3A = arith.constant 0 : i32
      %gt3A_87 = arith.cmpi sgt, %add3A_84, %gt3A : i32
      %convert_element_type3A = arith.extui %gt3A_87 : i1 to i32
      %cond3A = arith.constant 0 : i32
      %cond3A_88 = arith.cmpi ne, %convert_element_type3A, %cond3A : i32
      scf.if %cond3A_88 {
        %dma_wait3A_304 = arith.constant 0 : i32
        %dma_wait3A_305 = arith.constant 0 : i32
        %dma_wait3A_306 = arith.constant 0 : i32
        %dma_wait3A_307 = tpu.memref_slice %arg7[%dma_wait3A_304, %dma_wait3A_305, %dma_wait3A_306] : memref<1024x200x128xf32, #tpu.memory_space<hbm>> -> memref<1x40x128xf32, #tpu.memory_space<hbm>>
        %dma_wait3A_308 = tpu.memref_squeeze %dma_wait3A_307 : memref<1x40x128xf32, #tpu.memory_space<hbm>> -> memref<40x128xf32, #tpu.memory_space<hbm>>
        %dma_wait3A_309 = arith.constant 0 : i32
        %dma_wait3A_310 = arith.constant 0 : i32
        %dma_wait3A_311 = tpu.memref_slice %arg7[%dma_wait3A_304, %dma_wait3A_309, %dma_wait3A_310] : memref<1024x200x128xf32, #tpu.memory_space<hbm>> -> memref<1x40x128xf32, #tpu.memory_space<hbm>>
        %dma_wait3A_312 = tpu.memref_squeeze %dma_wait3A_311 : memref<1x40x128xf32, #tpu.memory_space<hbm>> -> memref<40x128xf32, #tpu.memory_space<hbm>>
        tpu.wait_dma2 semaphore(%arg28 : memref<!tpu.dma_semaphore, #tpu.memory_space<semaphore_mem>>) src(%arg12 : memref<40x128xf32, #tpu.memory_space<vmem>>) dst(%dma_wait3A_312 : memref<40x128xf32, #tpu.memory_space<hbm>>)
      } else {
      }
      %mul3A_89 = arith.constant 5 : i32
      %mul3A_90 = arith.muli %add3A_86, %mul3A_89 : i32
      %add3A_91 = arith.constant 2 : i32
      %add3A_92 = arith.addi %mul3A_90, %add3A_91 : i32
      %dma_start3A_93 = arith.constant 0 : i32
      %dma_start3A_94 = tpu.memref_slice %arg8[%add3A_92, %dma_start3A_93] : memref<160x40xi32, #tpu.memory_space<vmem>> -> memref<1x40xi32, #tpu.memory_space<vmem>>
      %dma_start3A_95 = tpu.memref_squeeze %dma_start3A_94 : memref<1x40xi32, #tpu.memory_space<vmem>> -> memref<40xi32, #tpu.memory_space<vmem>>
      %dma_start3A_96 = arith.constant 0 : i32
      %dma_start3A_97 = arith.constant 0 : i32
      %dma_start3A_98 = tpu.memref_slice %arg4[%dma_start3A_96, %dma_start3A_97] : memref<100000x128xf32, #tpu.memory_space<hbm>> -> memref<100000x128xf32, #tpu.memory_space<hbm>>
      tpu.enqueue_indirect_dma source(%dma_start3A_98 : memref<100000x128xf32, #tpu.memory_space<hbm>>) target(%arg12 : memref<40x128xf32, #tpu.memory_space<vmem>>) offsets(%dma_start3A_95 : memref<40xi32, #tpu.memory_space<vmem>>) semaphore(%arg23 : memref<!tpu.dma_semaphore, #tpu.memory_space<semaphore_mem>>)
      %dma_start3A_99 = arith.constant 0 : i32
      %dma_start3A_100 = tpu.memref_slice %arg9[%add3A_92, %dma_start3A_99] : memref<160x40xi32, #tpu.memory_space<vmem>> -> memref<1x40xi32, #tpu.memory_space<vmem>>
      %dma_start3A_101 = tpu.memref_squeeze %dma_start3A_100 : memref<1x40xi32, #tpu.memory_space<vmem>> -> memref<40xi32, #tpu.memory_space<vmem>>
      %dma_start3A_102 = arith.constant 0 : i32
      %dma_start3A_103 = arith.constant 0 : i32
      %dma_start3A_104 = tpu.memref_slice %arg6[%dma_start3A_102, %dma_start3A_103] : memref<1000x128xf32, #tpu.memory_space<hbm>> -> memref<1000x128xf32, #tpu.memory_space<hbm>>
      tpu.enqueue_indirect_dma source(%dma_start3A_104 : memref<1000x128xf32, #tpu.memory_space<hbm>>) target(%arg17 : memref<40x128xf32, #tpu.memory_space<vmem>>) offsets(%dma_start3A_101 : memref<40xi32, #tpu.memory_space<vmem>>) semaphore(%arg23 : memref<!tpu.dma_semaphore, #tpu.memory_space<semaphore_mem>>)
      %dma_wait3A_105 = arith.constant 0 : i32
      %dma_wait3A_106 = arith.constant 0 : i32
      %dma_wait3A_107 = tpu.memref_slice %arg8[%dma_wait3A_105, %dma_wait3A_106] : memref<160x40xi32, #tpu.memory_space<vmem>> -> memref<1x40xi32, #tpu.memory_space<vmem>>
      %dma_wait3A_108 = tpu.memref_squeeze %dma_wait3A_107 : memref<1x40xi32, #tpu.memory_space<vmem>> -> memref<40xi32, #tpu.memory_space<vmem>>
      %dma_wait3A_109 = arith.constant 0 : i32
      %dma_wait3A_110 = arith.constant 0 : i32
      %dma_wait3A_111 = tpu.memref_slice %arg4[%dma_wait3A_109, %dma_wait3A_110] : memref<100000x128xf32, #tpu.memory_space<hbm>> -> memref<100000x128xf32, #tpu.memory_space<hbm>>
      tpu.wait_indirect_dma semaphore(%arg21 : memref<!tpu.dma_semaphore, #tpu.memory_space<semaphore_mem>>) src(%dma_wait3A_111 : memref<100000x128xf32, #tpu.memory_space<hbm>>) dst(%arg10 : memref<40x128xf32, #tpu.memory_space<vmem>>)
      %dma_wait3A_112 = arith.constant 0 : i32
      %dma_wait3A_113 = arith.constant 0 : i32
      %dma_wait3A_114 = tpu.memref_slice %arg9[%dma_wait3A_112, %dma_wait3A_113] : memref<160x40xi32, #tpu.memory_space<vmem>> -> memref<1x40xi32, #tpu.memory_space<vmem>>
      %dma_wait3A_115 = tpu.memref_squeeze %dma_wait3A_114 : memref<1x40xi32, #tpu.memory_space<vmem>> -> memref<40xi32, #tpu.memory_space<vmem>>
      %dma_wait3A_116 = arith.constant 0 : i32
      %dma_wait3A_117 = arith.constant 0 : i32
      %dma_wait3A_118 = tpu.memref_slice %arg6[%dma_wait3A_116, %dma_wait3A_117] : memref<1000x128xf32, #tpu.memory_space<hbm>> -> memref<1000x128xf32, #tpu.memory_space<hbm>>
      tpu.wait_indirect_dma semaphore(%arg21 : memref<!tpu.dma_semaphore, #tpu.memory_space<semaphore_mem>>) src(%dma_wait3A_118 : memref<1000x128xf32, #tpu.memory_space<hbm>>) dst(%arg15 : memref<40x128xf32, #tpu.memory_space<vmem>>)
      %scan3A_119 = arith.constant 0 : i32
      %scan3A_120 = arith.constant 40 : i32
      %scan3A_121 = arith.addi %scan3A_119, %scan3A_120 : i32
      %scan3A_122 = arith.constant 2 : i32
      scf.for %scan3A_304 = %scan3A_119 to %scan3A_121 step %scan3A_122  : i32 {
        %mul3A_305 = arith.constant 1 : i32
        %mul3A_306 = arith.muli %scan3A_304, %mul3A_305 : i32
        %add3A_307 = arith.constant 0 : i32
        %add3A_308 = arith.addi %add3A_307, %mul3A_306 : i32
        %get3A = arith.index_cast %add3A_308 : i32 to index
        %get3A_309 = arith.constant 0 : index
        %get3A_310 = tpu.vector_load %arg15[%get3A, %get3A_309] {strides = array<i32>} : memref<40x128xf32, #tpu.memory_space<vmem>>, vector<1x16xf32>,
        %get3A_311 = vector.shape_cast %get3A_310 : vector<1x16xf32> to vector<16xf32>
        %add3A_312 = arith.constant 0 : i32
        %add3A_313 = arith.addi %add3A_312, %add3A_308 : i32
        %get3A_314 = arith.index_cast %add3A_313 : i32 to index
        %get3A_315 = arith.constant 0 : index
        %get3A_316 = tpu.vector_load %arg20[%get3A_314, %get3A_315] {strides = array<i32>} : memref<200x128xf32, #tpu.memory_space<vmem>>, vector<1x16xf32>,
        %get3A_317 = vector.shape_cast %get3A_316 : vector<1x16xf32> to vector<16xf32>
        %add3A_318 = arith.addf %get3A_311, %get3A_317 : vector<16xf32>
        %swap3A = arith.index_cast %add3A_308 : i32 to index
        %swap3A_319 = arith.constant 0 : index
        %swap3A_320 = tpu.vector_load %arg10[%swap3A, %swap3A_319] {strides = array<i32>} : memref<40x128xf32, #tpu.memory_space<vmem>>, vector<1x16xf32>,
        %swap3A_321 = vector.shape_cast %swap3A_320 : vector<1x16xf32> to vector<16xf32>
        %swap3A_322 = vector.shape_cast %add3A_318 : vector<16xf32> to vector<1x16xf32>
        tpu.vector_store %arg10[%swap3A, %swap3A_319], %swap3A_322 {add = true, strides = array<i32>} : memref<40x128xf32, #tpu.memory_space<vmem>>, vector<1x16xf32>,
        %get3A_323 = arith.index_cast %add3A_308 : i32 to index
        %get3A_324 = arith.constant 16 : index
        %get3A_325 = tpu.vector_load %arg15[%get3A_323, %get3A_324] {strides = array<i32>} : memref<40x128xf32, #tpu.memory_space<vmem>>, vector<1x16xf32>,
        %get3A_326 = vector.shape_cast %get3A_325 : vector<1x16xf32> to vector<16xf32>
        %add3A_327 = arith.constant 0 : i32
        %add3A_328 = arith.addi %add3A_327, %add3A_308 : i32
        %get3A_329 = arith.index_cast %add3A_328 : i32 to index
        %get3A_330 = arith.constant 16 : index
        %get3A_331 = tpu.vector_load %arg20[%get3A_329, %get3A_330] {strides = array<i32>} : memref<200x128xf32, #tpu.memory_space<vmem>>, vector<1x16xf32>,
        %get3A_332 = vector.shape_cast %get3A_331 : vector<1x16xf32> to vector<16xf32>
        %add3A_333 = arith.addf %get3A_326, %get3A_332 : vector<16xf32>
        %swap3A_334 = arith.index_cast %add3A_308 : i32 to index
        %swap3A_335 = arith.constant 16 : index
        %swap3A_336 = tpu.vector_load %arg10[%swap3A_334, %swap3A_335] {strides = array<i32>} : memref<40x128xf32, #tpu.memory_space<vmem>>, vector<1x16xf32>,
        %swap3A_337 = vector.shape_cast %swap3A_336 : vector<1x16xf32> to vector<16xf32>
        %swap3A_338 = vector.shape_cast %add3A_333 : vector<16xf32> to vector<1x16xf32>
        tpu.vector_store %arg10[%swap3A_334, %swap3A_335], %swap3A_338 {add = true, strides = array<i32>} : memref<40x128xf32, #tpu.memory_space<vmem>>, vector<1x16xf32>,
        %get3A_339 = arith.index_cast %add3A_308 : i32 to index
        %get3A_340 = arith.constant 32 : index
        %get3A_341 = tpu.vector_load %arg15[%get3A_339, %get3A_340] {strides = array<i32>} : memref<40x128xf32, #tpu.memory_space<vmem>>, vector<1x16xf32>,
        %get3A_342 = vector.shape_cast %get3A_341 : vector<1x16xf32> to vector<16xf32>
        %add3A_343 = arith.constant 0 : i32
        %add3A_344 = arith.addi %add3A_343, %add3A_308 : i32
        %get3A_345 = arith.index_cast %add3A_344 : i32 to index
        %get3A_346 = arith.constant 32 : index
        %get3A_347 = tpu.vector_load %arg20[%get3A_345, %get3A_346] {strides = array<i32>} : memref<200x128xf32, #tpu.memory_space<vmem>>, vector<1x16xf32>,
        %get3A_348 = vector.shape_cast %get3A_347 : vector<1x16xf32> to vector<16xf32>
        %add3A_349 = arith.addf %get3A_342, %get3A_348 : vector<16xf32>
        %swap3A_350 = arith.index_cast %add3A_308 : i32 to index
        %swap3A_351 = arith.constant 32 : index
        %swap3A_352 = tpu.vector_load %arg10[%swap3A_350, %swap3A_351] {strides = array<i32>} : memref<40x128xf32, #tpu.memory_space<vmem>>, vector<1x16xf32>,
        %swap3A_353 = vector.shape_cast %swap3A_352 : vector<1x16xf32> to vector<16xf32>
        %swap3A_354 = vector.shape_cast %add3A_349 : vector<16xf32> to vector<1x16xf32>
        tpu.vector_store %arg10[%swap3A_350, %swap3A_351], %swap3A_354 {add = true, strides = array<i32>} : memref<40x128xf32, #tpu.memory_space<vmem>>, vector<1x16xf32>,
        %get3A_355 = arith.index_cast %add3A_308 : i32 to index
        %get3A_356 = arith.constant 48 : index
        %get3A_357 = tpu.vector_load %arg15[%get3A_355, %get3A_356] {strides = array<i32>} : memref<40x128xf32, #tpu.memory_space<vmem>>, vector<1x16xf32>,
        %get3A_358 = vector.shape_cast %get3A_357 : vector<1x16xf32> to vector<16xf32>
        %add3A_359 = arith.constant 0 : i32
        %add3A_360 = arith.addi %add3A_359, %add3A_308 : i32
        %get3A_361 = arith.index_cast %add3A_360 : i32 to index
        %get3A_362 = arith.constant 48 : index
        %get3A_363 = tpu.vector_load %arg20[%get3A_361, %get3A_362] {strides = array<i32>} : memref<200x128xf32, #tpu.memory_space<vmem>>, vector<1x16xf32>,
        %get3A_364 = vector.shape_cast %get3A_363 : vector<1x16xf32> to vector<16xf32>
        %add3A_365 = arith.addf %get3A_358, %get3A_364 : vector<16xf32>
        %swap3A_366 = arith.index_cast %add3A_308 : i32 to index
        %swap3A_367 = arith.constant 48 : index
        %swap3A_368 = tpu.vector_load %arg10[%swap3A_366, %swap3A_367] {strides = array<i32>} : memref<40x128xf32, #tpu.memory_space<vmem>>, vector<1x16xf32>,
        %swap3A_369 = vector.shape_cast %swap3A_368 : vector<1x16xf32> to vector<16xf32>
        %swap3A_370 = vector.shape_cast %add3A_365 : vector<16xf32> to vector<1x16xf32>
        tpu.vector_store %arg10[%swap3A_366, %swap3A_367], %swap3A_370 {add = true, strides = array<i32>} : memref<40x128xf32, #tpu.memory_space<vmem>>, vector<1x16xf32>,
        %get3A_371 = arith.index_cast %add3A_308 : i32 to index
        %get3A_372 = arith.constant 64 : index
        %get3A_373 = tpu.vector_load %arg15[%get3A_371, %get3A_372] {strides = array<i32>} : memref<40x128xf32, #tpu.memory_space<vmem>>, vector<1x16xf32>,
        %get3A_374 = vector.shape_cast %get3A_373 : vector<1x16xf32> to vector<16xf32>
        %add3A_375 = arith.constant 0 : i32
        %add3A_376 = arith.addi %add3A_375, %add3A_308 : i32
        %get3A_377 = arith.index_cast %add3A_376 : i32 to index
        %get3A_378 = arith.constant 64 : index
        %get3A_379 = tpu.vector_load %arg20[%get3A_377, %get3A_378] {strides = array<i32>} : memref<200x128xf32, #tpu.memory_space<vmem>>, vector<1x16xf32>,
        %get3A_380 = vector.shape_cast %get3A_379 : vector<1x16xf32> to vector<16xf32>
        %add3A_381 = arith.addf %get3A_374, %get3A_380 : vector<16xf32>
        %swap3A_382 = arith.index_cast %add3A_308 : i32 to index
        %swap3A_383 = arith.constant 64 : index
        %swap3A_384 = tpu.vector_load %arg10[%swap3A_382, %swap3A_383] {strides = array<i32>} : memref<40x128xf32, #tpu.memory_space<vmem>>, vector<1x16xf32>,
        %swap3A_385 = vector.shape_cast %swap3A_384 : vector<1x16xf32> to vector<16xf32>
        %swap3A_386 = vector.shape_cast %add3A_381 : vector<16xf32> to vector<1x16xf32>
        tpu.vector_store %arg10[%swap3A_382, %swap3A_383], %swap3A_386 {add = true, strides = array<i32>} : memref<40x128xf32, #tpu.memory_space<vmem>>, vector<1x16xf32>,
        %get3A_387 = arith.index_cast %add3A_308 : i32 to index
        %get3A_388 = arith.constant 80 : index
        %get3A_389 = tpu.vector_load %arg15[%get3A_387, %get3A_388] {strides = array<i32>} : memref<40x128xf32, #tpu.memory_space<vmem>>, vector<1x16xf32>,
        %get3A_390 = vector.shape_cast %get3A_389 : vector<1x16xf32> to vector<16xf32>
        %add3A_391 = arith.constant 0 : i32
        %add3A_392 = arith.addi %add3A_391, %add3A_308 : i32
        %get3A_393 = arith.index_cast %add3A_392 : i32 to index
        %get3A_394 = arith.constant 80 : index
        %get3A_395 = tpu.vector_load %arg20[%get3A_393, %get3A_394] {strides = array<i32>} : memref<200x128xf32, #tpu.memory_space<vmem>>, vector<1x16xf32>,
        %get3A_396 = vector.shape_cast %get3A_395 : vector<1x16xf32> to vector<16xf32>
        %add3A_397 = arith.addf %get3A_390, %get3A_396 : vector<16xf32>
        %swap3A_398 = arith.index_cast %add3A_308 : i32 to index
        %swap3A_399 = arith.constant 80 : index
        %swap3A_400 = tpu.vector_load %arg10[%swap3A_398, %swap3A_399] {strides = array<i32>} : memref<40x128xf32, #tpu.memory_space<vmem>>, vector<1x16xf32>,
        %swap3A_401 = vector.shape_cast %swap3A_400 : vector<1x16xf32> to vector<16xf32>
        %swap3A_402 = vector.shape_cast %add3A_397 : vector<16xf32> to vector<1x16xf32>
        tpu.vector_store %arg10[%swap3A_398, %swap3A_399], %swap3A_402 {add = true, strides = array<i32>} : memref<40x128xf32, #tpu.memory_space<vmem>>, vector<1x16xf32>,
        %get3A_403 = arith.index_cast %add3A_308 : i32 to index
        %get3A_404 = arith.constant 96 : index
        %get3A_405 = tpu.vector_load %arg15[%get3A_403, %get3A_404] {strides = array<i32>} : memref<40x128xf32, #tpu.memory_space<vmem>>, vector<1x16xf32>,
        %get3A_406 = vector.shape_cast %get3A_405 : vector<1x16xf32> to vector<16xf32>
        %add3A_407 = arith.constant 0 : i32
        %add3A_408 = arith.addi %add3A_407, %add3A_308 : i32
        %get3A_409 = arith.index_cast %add3A_408 : i32 to index
        %get3A_410 = arith.constant 96 : index
        %get3A_411 = tpu.vector_load %arg20[%get3A_409, %get3A_410] {strides = array<i32>} : memref<200x128xf32, #tpu.memory_space<vmem>>, vector<1x16xf32>,
        %get3A_412 = vector.shape_cast %get3A_411 : vector<1x16xf32> to vector<16xf32>
        %add3A_413 = arith.addf %get3A_406, %get3A_412 : vector<16xf32>
        %swap3A_414 = arith.index_cast %add3A_308 : i32 to index
        %swap3A_415 = arith.constant 96 : index
        %swap3A_416 = tpu.vector_load %arg10[%swap3A_414, %swap3A_415] {strides = array<i32>} : memref<40x128xf32, #tpu.memory_space<vmem>>, vector<1x16xf32>,
        %swap3A_417 = vector.shape_cast %swap3A_416 : vector<1x16xf32> to vector<16xf32>
        %swap3A_418 = vector.shape_cast %add3A_413 : vector<16xf32> to vector<1x16xf32>
        tpu.vector_store %arg10[%swap3A_414, %swap3A_415], %swap3A_418 {add = true, strides = array<i32>} : memref<40x128xf32, #tpu.memory_space<vmem>>, vector<1x16xf32>,
        %get3A_419 = arith.index_cast %add3A_308 : i32 to index
        %get3A_420 = arith.constant 112 : index
        %get3A_421 = tpu.vector_load %arg15[%get3A_419, %get3A_420] {strides = array<i32>} : memref<40x128xf32, #tpu.memory_space<vmem>>, vector<1x16xf32>,
        %get3A_422 = vector.shape_cast %get3A_421 : vector<1x16xf32> to vector<16xf32>
        %add3A_423 = arith.constant 0 : i32
        %add3A_424 = arith.addi %add3A_423, %add3A_308 : i32
        %get3A_425 = arith.index_cast %add3A_424 : i32 to index
        %get3A_426 = arith.constant 112 : index
        %get3A_427 = tpu.vector_load %arg20[%get3A_425, %get3A_426] {strides = array<i32>} : memref<200x128xf32, #tpu.memory_space<vmem>>, vector<1x16xf32>,
        %get3A_428 = vector.shape_cast %get3A_427 : vector<1x16xf32> to vector<16xf32>
        %add3A_429 = arith.addf %get3A_422, %get3A_428 : vector<16xf32>
        %swap3A_430 = arith.index_cast %add3A_308 : i32 to index
        %swap3A_431 = arith.constant 112 : index
        %swap3A_432 = tpu.vector_load %arg10[%swap3A_430, %swap3A_431] {strides = array<i32>} : memref<40x128xf32, #tpu.memory_space<vmem>>, vector<1x16xf32>,
        %swap3A_433 = vector.shape_cast %swap3A_432 : vector<1x16xf32> to vector<16xf32>
        %swap3A_434 = vector.shape_cast %add3A_429 : vector<16xf32> to vector<1x16xf32>
        tpu.vector_store %arg10[%swap3A_430, %swap3A_431], %swap3A_434 {add = true, strides = array<i32>} : memref<40x128xf32, #tpu.memory_space<vmem>>, vector<1x16xf32>,
        %scan3A_435 = arith.constant 1 : i32
        %scan3A_436 = arith.addi %scan3A_304, %scan3A_435 : i32
        %mul3A_437 = arith.constant 1 : i32
        %mul3A_438 = arith.muli %scan3A_436, %mul3A_437 : i32
        %add3A_439 = arith.constant 0 : i32
        %add3A_440 = arith.addi %add3A_439, %mul3A_438 : i32
        %get3A_441 = arith.index_cast %add3A_440 : i32 to index
        %get3A_442 = arith.constant 0 : index
        %get3A_443 = tpu.vector_load %arg15[%get3A_441, %get3A_442] {strides = array<i32>} : memref<40x128xf32, #tpu.memory_space<vmem>>, vector<1x16xf32>,
        %get3A_444 = vector.shape_cast %get3A_443 : vector<1x16xf32> to vector<16xf32>
        %add3A_445 = arith.constant 0 : i32
        %add3A_446 = arith.addi %add3A_445, %add3A_440 : i32
        %get3A_447 = arith.index_cast %add3A_446 : i32 to index
        %get3A_448 = arith.constant 0 : index
        %get3A_449 = tpu.vector_load %arg20[%get3A_447, %get3A_448] {strides = array<i32>} : memref<200x128xf32, #tpu.memory_space<vmem>>, vector<1x16xf32>,
        %get3A_450 = vector.shape_cast %get3A_449 : vector<1x16xf32> to vector<16xf32>
        %add3A_451 = arith.addf %get3A_444, %get3A_450 : vector<16xf32>
        %swap3A_452 = arith.index_cast %add3A_440 : i32 to index
        %swap3A_453 = arith.constant 0 : index
        %swap3A_454 = tpu.vector_load %arg10[%swap3A_452, %swap3A_453] {strides = array<i32>} : memref<40x128xf32, #tpu.memory_space<vmem>>, vector<1x16xf32>,
        %swap3A_455 = vector.shape_cast %swap3A_454 : vector<1x16xf32> to vector<16xf32>
        %swap3A_456 = vector.shape_cast %add3A_451 : vector<16xf32> to vector<1x16xf32>
        tpu.vector_store %arg10[%swap3A_452, %swap3A_453], %swap3A_456 {add = true, strides = array<i32>} : memref<40x128xf32, #tpu.memory_space<vmem>>, vector<1x16xf32>,
        %get3A_457 = arith.index_cast %add3A_440 : i32 to index
        %get3A_458 = arith.constant 16 : index
        %get3A_459 = tpu.vector_load %arg15[%get3A_457, %get3A_458] {strides = array<i32>} : memref<40x128xf32, #tpu.memory_space<vmem>>, vector<1x16xf32>,
        %get3A_460 = vector.shape_cast %get3A_459 : vector<1x16xf32> to vector<16xf32>
        %add3A_461 = arith.constant 0 : i32
        %add3A_462 = arith.addi %add3A_461, %add3A_440 : i32
        %get3A_463 = arith.index_cast %add3A_462 : i32 to index
        %get3A_464 = arith.constant 16 : index
        %get3A_465 = tpu.vector_load %arg20[%get3A_463, %get3A_464] {strides = array<i32>} : memref<200x128xf32, #tpu.memory_space<vmem>>, vector<1x16xf32>,
        %get3A_466 = vector.shape_cast %get3A_465 : vector<1x16xf32> to vector<16xf32>
        %add3A_467 = arith.addf %get3A_460, %get3A_466 : vector<16xf32>
        %swap3A_468 = arith.index_cast %add3A_440 : i32 to index
        %swap3A_469 = arith.constant 16 : index
        %swap3A_470 = tpu.vector_load %arg10[%swap3A_468, %swap3A_469] {strides = array<i32>} : memref<40x128xf32, #tpu.memory_space<vmem>>, vector<1x16xf32>,
        %swap3A_471 = vector.shape_cast %swap3A_470 : vector<1x16xf32> to vector<16xf32>
        %swap3A_472 = vector.shape_cast %add3A_467 : vector<16xf32> to vector<1x16xf32>
        tpu.vector_store %arg10[%swap3A_468, %swap3A_469], %swap3A_472 {add = true, strides = array<i32>} : memref<40x128xf32, #tpu.memory_space<vmem>>, vector<1x16xf32>,
        %get3A_473 = arith.index_cast %add3A_440 : i32 to index
        %get3A_474 = arith.constant 32 : index
        %get3A_475 = tpu.vector_load %arg15[%get3A_473, %get3A_474] {strides = array<i32>} : memref<40x128xf32, #tpu.memory_space<vmem>>, vector<1x16xf32>,
        %get3A_476 = vector.shape_cast %get3A_475 : vector<1x16xf32> to vector<16xf32>
        %add3A_477 = arith.constant 0 : i32
        %add3A_478 = arith.addi %add3A_477, %add3A_440 : i32
        %get3A_479 = arith.index_cast %add3A_478 : i32 to index
        %get3A_480 = arith.constant 32 : index
        %get3A_481 = tpu.vector_load %arg20[%get3A_479, %get3A_480] {strides = array<i32>} : memref<200x128xf32, #tpu.memory_space<vmem>>, vector<1x16xf32>,
        %get3A_482 = vector.shape_cast %get3A_481 : vector<1x16xf32> to vector<16xf32>
        %add3A_483 = arith.addf %get3A_476, %get3A_482 : vector<16xf32>
        %swap3A_484 = arith.index_cast %add3A_440 : i32 to index
        %swap3A_485 = arith.constant 32 : index
        %swap3A_486 = tpu.vector_load %arg10[%swap3A_484, %swap3A_485] {strides = array<i32>} : memref<40x128xf32, #tpu.memory_space<vmem>>, vector<1x16xf32>,
        %swap3A_487 = vector.shape_cast %swap3A_486 : vector<1x16xf32> to vector<16xf32>
        %swap3A_488 = vector.shape_cast %add3A_483 : vector<16xf32> to vector<1x16xf32>
        tpu.vector_store %arg10[%swap3A_484, %swap3A_485], %swap3A_488 {add = true, strides = array<i32>} : memref<40x128xf32, #tpu.memory_space<vmem>>, vector<1x16xf32>,
        %get3A_489 = arith.index_cast %add3A_440 : i32 to index
        %get3A_490 = arith.constant 48 : index
        %get3A_491 = tpu.vector_load %arg15[%get3A_489, %get3A_490] {strides = array<i32>} : memref<40x128xf32, #tpu.memory_space<vmem>>, vector<1x16xf32>,
        %get3A_492 = vector.shape_cast %get3A_491 : vector<1x16xf32> to vector<16xf32>
        %add3A_493 = arith.constant 0 : i32
        %add3A_494 = arith.addi %add3A_493, %add3A_440 : i32
        %get3A_495 = arith.index_cast %add3A_494 : i32 to index
        %get3A_496 = arith.constant 48 : index
        %get3A_497 = tpu.vector_load %arg20[%get3A_495, %get3A_496] {strides = array<i32>} : memref<200x128xf32, #tpu.memory_space<vmem>>, vector<1x16xf32>,
        %get3A_498 = vector.shape_cast %get3A_497 : vector<1x16xf32> to vector<16xf32>
        %add3A_499 = arith.addf %get3A_492, %get3A_498 : vector<16xf32>
        %swap3A_500 = arith.index_cast %add3A_440 : i32 to index
        %swap3A_501 = arith.constant 48 : index
        %swap3A_502 = tpu.vector_load %arg10[%swap3A_500, %swap3A_501] {strides = array<i32>} : memref<40x128xf32, #tpu.memory_space<vmem>>, vector<1x16xf32>,
        %swap3A_503 = vector.shape_cast %swap3A_502 : vector<1x16xf32> to vector<16xf32>
        %swap3A_504 = vector.shape_cast %add3A_499 : vector<16xf32> to vector<1x16xf32>
        tpu.vector_store %arg10[%swap3A_500, %swap3A_501], %swap3A_504 {add = true, strides = array<i32>} : memref<40x128xf32, #tpu.memory_space<vmem>>, vector<1x16xf32>,
        %get3A_505 = arith.index_cast %add3A_440 : i32 to index
        %get3A_506 = arith.constant 64 : index
        %get3A_507 = tpu.vector_load %arg15[%get3A_505, %get3A_506] {strides = array<i32>} : memref<40x128xf32, #tpu.memory_space<vmem>>, vector<1x16xf32>,
        %get3A_508 = vector.shape_cast %get3A_507 : vector<1x16xf32> to vector<16xf32>
        %add3A_509 = arith.constant 0 : i32
        %add3A_510 = arith.addi %add3A_509, %add3A_440 : i32
        %get3A_511 = arith.index_cast %add3A_510 : i32 to index
        %get3A_512 = arith.constant 64 : index
        %get3A_513 = tpu.vector_load %arg20[%get3A_511, %get3A_512] {strides = array<i32>} : memref<200x128xf32, #tpu.memory_space<vmem>>, vector<1x16xf32>,
        %get3A_514 = vector.shape_cast %get3A_513 : vector<1x16xf32> to vector<16xf32>
        %add3A_515 = arith.addf %get3A_508, %get3A_514 : vector<16xf32>
        %swap3A_516 = arith.index_cast %add3A_440 : i32 to index
        %swap3A_517 = arith.constant 64 : index
        %swap3A_518 = tpu.vector_load %arg10[%swap3A_516, %swap3A_517] {strides = array<i32>} : memref<40x128xf32, #tpu.memory_space<vmem>>, vector<1x16xf32>,
        %swap3A_519 = vector.shape_cast %swap3A_518 : vector<1x16xf32> to vector<16xf32>
        %swap3A_520 = vector.shape_cast %add3A_515 : vector<16xf32> to vector<1x16xf32>
        tpu.vector_store %arg10[%swap3A_516, %swap3A_517], %swap3A_520 {add = true, strides = array<i32>} : memref<40x128xf32, #tpu.memory_space<vmem>>, vector<1x16xf32>,
        %get3A_521 = arith.index_cast %add3A_440 : i32 to index
        %get3A_522 = arith.constant 80 : index
        %get3A_523 = tpu.vector_load %arg15[%get3A_521, %get3A_522] {strides = array<i32>} : memref<40x128xf32, #tpu.memory_space<vmem>>, vector<1x16xf32>,
        %get3A_524 = vector.shape_cast %get3A_523 : vector<1x16xf32> to vector<16xf32>
        %add3A_525 = arith.constant 0 : i32
        %add3A_526 = arith.addi %add3A_525, %add3A_440 : i32
        %get3A_527 = arith.index_cast %add3A_526 : i32 to index
        %get3A_528 = arith.constant 80 : index
        %get3A_529 = tpu.vector_load %arg20[%get3A_527, %get3A_528] {strides = array<i32>} : memref<200x128xf32, #tpu.memory_space<vmem>>, vector<1x16xf32>,
        %get3A_530 = vector.shape_cast %get3A_529 : vector<1x16xf32> to vector<16xf32>
        %add3A_531 = arith.addf %get3A_524, %get3A_530 : vector<16xf32>
        %swap3A_532 = arith.index_cast %add3A_440 : i32 to index
        %swap3A_533 = arith.constant 80 : index
        %swap3A_534 = tpu.vector_load %arg10[%swap3A_532, %swap3A_533] {strides = array<i32>} : memref<40x128xf32, #tpu.memory_space<vmem>>, vector<1x16xf32>,
        %swap3A_535 = vector.shape_cast %swap3A_534 : vector<1x16xf32> to vector<16xf32>
        %swap3A_536 = vector.shape_cast %add3A_531 : vector<16xf32> to vector<1x16xf32>
        tpu.vector_store %arg10[%swap3A_532, %swap3A_533], %swap3A_536 {add = true, strides = array<i32>} : memref<40x128xf32, #tpu.memory_space<vmem>>, vector<1x16xf32>,
        %get3A_537 = arith.index_cast %add3A_440 : i32 to index
        %get3A_538 = arith.constant 96 : index
        %get3A_539 = tpu.vector_load %arg15[%get3A_537, %get3A_538] {strides = array<i32>} : memref<40x128xf32, #tpu.memory_space<vmem>>, vector<1x16xf32>,
        %get3A_540 = vector.shape_cast %get3A_539 : vector<1x16xf32> to vector<16xf32>
        %add3A_541 = arith.constant 0 : i32
        %add3A_542 = arith.addi %add3A_541, %add3A_440 : i32
        %get3A_543 = arith.index_cast %add3A_542 : i32 to index
        %get3A_544 = arith.constant 96 : index
        %get3A_545 = tpu.vector_load %arg20[%get3A_543, %get3A_544] {strides = array<i32>} : memref<200x128xf32, #tpu.memory_space<vmem>>, vector<1x16xf32>,
        %get3A_546 = vector.shape_cast %get3A_545 : vector<1x16xf32> to vector<16xf32>
        %add3A_547 = arith.addf %get3A_540, %get3A_546 : vector<16xf32>
        %swap3A_548 = arith.index_cast %add3A_440 : i32 to index
        %swap3A_549 = arith.constant 96 : index
        %swap3A_550 = tpu.vector_load %arg10[%swap3A_548, %swap3A_549] {strides = array<i32>} : memref<40x128xf32, #tpu.memory_space<vmem>>, vector<1x16xf32>,
        %swap3A_551 = vector.shape_cast %swap3A_550 : vector<1x16xf32> to vector<16xf32>
        %swap3A_552 = vector.shape_cast %add3A_547 : vector<16xf32> to vector<1x16xf32>
        tpu.vector_store %arg10[%swap3A_548, %swap3A_549], %swap3A_552 {add = true, strides = array<i32>} : memref<40x128xf32, #tpu.memory_space<vmem>>, vector<1x16xf32>,
        %get3A_553 = arith.index_cast %add3A_440 : i32 to index
        %get3A_554 = arith.constant 112 : index
        %get3A_555 = tpu.vector_load %arg15[%get3A_553, %get3A_554] {strides = array<i32>} : memref<40x128xf32, #tpu.memory_space<vmem>>, vector<1x16xf32>,
        %get3A_556 = vector.shape_cast %get3A_555 : vector<1x16xf32> to vector<16xf32>
        %add3A_557 = arith.constant 0 : i32
        %add3A_558 = arith.addi %add3A_557, %add3A_440 : i32
        %get3A_559 = arith.index_cast %add3A_558 : i32 to index
        %get3A_560 = arith.constant 112 : index
        %get3A_561 = tpu.vector_load %arg20[%get3A_559, %get3A_560] {strides = array<i32>} : memref<200x128xf32, #tpu.memory_space<vmem>>, vector<1x16xf32>,
        %get3A_562 = vector.shape_cast %get3A_561 : vector<1x16xf32> to vector<16xf32>
        %add3A_563 = arith.addf %get3A_556, %get3A_562 : vector<16xf32>
        %swap3A_564 = arith.index_cast %add3A_440 : i32 to index
        %swap3A_565 = arith.constant 112 : index
        %swap3A_566 = tpu.vector_load %arg10[%swap3A_564, %swap3A_565] {strides = array<i32>} : memref<40x128xf32, #tpu.memory_space<vmem>>, vector<1x16xf32>,
        %swap3A_567 = vector.shape_cast %swap3A_566 : vector<1x16xf32> to vector<16xf32>
        %swap3A_568 = vector.shape_cast %add3A_563 : vector<16xf32> to vector<1x16xf32>
        tpu.vector_store %arg10[%swap3A_564, %swap3A_565], %swap3A_568 {add = true, strides = array<i32>} : memref<40x128xf32, #tpu.memory_space<vmem>>, vector<1x16xf32>,
      }
      %scan3A_123 = arith.constant 40 : i32
      %add3A_124 = arith.addi %mul3A_2, %add3A_84 : i32
      %dma_start3A_125 = arith.constant 0 : i32
      %dma_start3A_126 = arith.constant 0 : i32
      %dma_start3A_127 = tpu.memref_slice %arg7[%add3A_124, %dma_start3A_125, %dma_start3A_126] : memref<1024x200x128xf32, #tpu.memory_space<hbm>> -> memref<1x40x128xf32, #tpu.memory_space<hbm>>
      %dma_start3A_128 = tpu.memref_squeeze %dma_start3A_127 : memref<1x40x128xf32, #tpu.memory_space<hbm>> -> memref<40x128xf32, #tpu.memory_space<hbm>>
      %dma_start3A_129 = arith.constant 0 : i32
      %dma_start3A_130 = arith.constant 0 : i32
      %dma_start3A_131 = tpu.memref_slice %arg7[%add3A_124, %dma_start3A_129, %dma_start3A_130] : memref<1024x200x128xf32, #tpu.memory_space<hbm>> -> memref<1x40x128xf32, #tpu.memory_space<hbm>>
      %dma_start3A_132 = tpu.memref_squeeze %dma_start3A_131 : memref<1x40x128xf32, #tpu.memory_space<hbm>> -> memref<40x128xf32, #tpu.memory_space<hbm>>
      tpu.enqueue_dma source(%arg10 : memref<40x128xf32, #tpu.memory_space<vmem>>) target(%dma_start3A_132 : memref<40x128xf32, #tpu.memory_space<hbm>>) target_semaphore(%arg26 : memref<!tpu.dma_semaphore, #tpu.memory_space<semaphore_mem>>)
      %add3A_133 = arith.constant 0 : i32
      %add3A_134 = arith.addi %add3A_84, %add3A_133 : i32
      %gt3A_135 = arith.constant 0 : i32
      %gt3A_136 = arith.cmpi sgt, %add3A_84, %gt3A_135 : i32
      %convert_element_type3A_137 = arith.extui %gt3A_136 : i1 to i32
      %cond3A_138 = arith.constant 0 : i32
      %cond3A_139 = arith.cmpi ne, %convert_element_type3A_137, %cond3A_138 : i32
      scf.if %cond3A_139 {
        %dma_wait3A_304 = arith.constant 0 : i32
        %dma_wait3A_305 = arith.constant 0 : i32
        %dma_wait3A_306 = arith.constant 0 : i32
        %dma_wait3A_307 = tpu.memref_slice %arg7[%dma_wait3A_304, %dma_wait3A_305, %dma_wait3A_306] : memref<1024x200x128xf32, #tpu.memory_space<hbm>> -> memref<1x40x128xf32, #tpu.memory_space<hbm>>
        %dma_wait3A_308 = tpu.memref_squeeze %dma_wait3A_307 : memref<1x40x128xf32, #tpu.memory_space<hbm>> -> memref<40x128xf32, #tpu.memory_space<hbm>>
        %dma_wait3A_309 = arith.constant 0 : i32
        %dma_wait3A_310 = arith.constant 0 : i32
        %dma_wait3A_311 = tpu.memref_slice %arg7[%dma_wait3A_304, %dma_wait3A_309, %dma_wait3A_310] : memref<1024x200x128xf32, #tpu.memory_space<hbm>> -> memref<1x40x128xf32, #tpu.memory_space<hbm>>
        %dma_wait3A_312 = tpu.memref_squeeze %dma_wait3A_311 : memref<1x40x128xf32, #tpu.memory_space<hbm>> -> memref<40x128xf32, #tpu.memory_space<hbm>>
        tpu.wait_dma2 semaphore(%arg29 : memref<!tpu.dma_semaphore, #tpu.memory_space<semaphore_mem>>) src(%arg13 : memref<40x128xf32, #tpu.memory_space<vmem>>) dst(%dma_wait3A_312 : memref<40x128xf32, #tpu.memory_space<hbm>>)
      } else {
      }
      %mul3A_140 = arith.constant 5 : i32
      %mul3A_141 = arith.muli %add3A_134, %mul3A_140 : i32
      %add3A_142 = arith.constant 3 : i32
      %add3A_143 = arith.addi %mul3A_141, %add3A_142 : i32
      %dma_start3A_144 = arith.constant 0 : i32
      %dma_start3A_145 = tpu.memref_slice %arg8[%add3A_143, %dma_start3A_144] : memref<160x40xi32, #tpu.memory_space<vmem>> -> memref<1x40xi32, #tpu.memory_space<vmem>>
      %dma_start3A_146 = tpu.memref_squeeze %dma_start3A_145 : memref<1x40xi32, #tpu.memory_space<vmem>> -> memref<40xi32, #tpu.memory_space<vmem>>
      %dma_start3A_147 = arith.constant 0 : i32
      %dma_start3A_148 = arith.constant 0 : i32
      %dma_start3A_149 = tpu.memref_slice %arg4[%dma_start3A_147, %dma_start3A_148] : memref<100000x128xf32, #tpu.memory_space<hbm>> -> memref<100000x128xf32, #tpu.memory_space<hbm>>
      tpu.enqueue_indirect_dma source(%dma_start3A_149 : memref<100000x128xf32, #tpu.memory_space<hbm>>) target(%arg13 : memref<40x128xf32, #tpu.memory_space<vmem>>) offsets(%dma_start3A_146 : memref<40xi32, #tpu.memory_space<vmem>>) semaphore(%arg24 : memref<!tpu.dma_semaphore, #tpu.memory_space<semaphore_mem>>)
      %dma_start3A_150 = arith.constant 0 : i32
      %dma_start3A_151 = tpu.memref_slice %arg9[%add3A_143, %dma_start3A_150] : memref<160x40xi32, #tpu.memory_space<vmem>> -> memref<1x40xi32, #tpu.memory_space<vmem>>
      %dma_start3A_152 = tpu.memref_squeeze %dma_start3A_151 : memref<1x40xi32, #tpu.memory_space<vmem>> -> memref<40xi32, #tpu.memory_space<vmem>>
      %dma_start3A_153 = arith.constant 0 : i32
      %dma_start3A_154 = arith.constant 0 : i32
      %dma_start3A_155 = tpu.memref_slice %arg6[%dma_start3A_153, %dma_start3A_154] : memref<1000x128xf32, #tpu.memory_space<hbm>> -> memref<1000x128xf32, #tpu.memory_space<hbm>>
      tpu.enqueue_indirect_dma source(%dma_start3A_155 : memref<1000x128xf32, #tpu.memory_space<hbm>>) target(%arg18 : memref<40x128xf32, #tpu.memory_space<vmem>>) offsets(%dma_start3A_152 : memref<40xi32, #tpu.memory_space<vmem>>) semaphore(%arg24 : memref<!tpu.dma_semaphore, #tpu.memory_space<semaphore_mem>>)
      %dma_wait3A_156 = arith.constant 0 : i32
      %dma_wait3A_157 = arith.constant 0 : i32
      %dma_wait3A_158 = tpu.memref_slice %arg8[%dma_wait3A_156, %dma_wait3A_157] : memref<160x40xi32, #tpu.memory_space<vmem>> -> memref<1x40xi32, #tpu.memory_space<vmem>>
      %dma_wait3A_159 = tpu.memref_squeeze %dma_wait3A_158 : memref<1x40xi32, #tpu.memory_space<vmem>> -> memref<40xi32, #tpu.memory_space<vmem>>
      %dma_wait3A_160 = arith.constant 0 : i32
      %dma_wait3A_161 = arith.constant 0 : i32
      %dma_wait3A_162 = tpu.memref_slice %arg4[%dma_wait3A_160, %dma_wait3A_161] : memref<100000x128xf32, #tpu.memory_space<hbm>> -> memref<100000x128xf32, #tpu.memory_space<hbm>>
      tpu.wait_indirect_dma semaphore(%arg22 : memref<!tpu.dma_semaphore, #tpu.memory_space<semaphore_mem>>) src(%dma_wait3A_162 : memref<100000x128xf32, #tpu.memory_space<hbm>>) dst(%arg11 : memref<40x128xf32, #tpu.memory_space<vmem>>)
      %dma_wait3A_163 = arith.constant 0 : i32
      %dma_wait3A_164 = arith.constant 0 : i32
      %dma_wait3A_165 = tpu.memref_slice %arg9[%dma_wait3A_163, %dma_wait3A_164] : memref<160x40xi32, #tpu.memory_space<vmem>> -> memref<1x40xi32, #tpu.memory_space<vmem>>
      %dma_wait3A_166 = tpu.memref_squeeze %dma_wait3A_165 : memref<1x40xi32, #tpu.memory_space<vmem>> -> memref<40xi32, #tpu.memory_space<vmem>>
      %dma_wait3A_167 = arith.constant 0 : i32
      %dma_wait3A_168 = arith.constant 0 : i32
      %dma_wait3A_169 = tpu.memref_slice %arg6[%dma_wait3A_167, %dma_wait3A_168] : memref<1000x128xf32, #tpu.memory_space<hbm>> -> memref<1000x128xf32, #tpu.memory_space<hbm>>
      tpu.wait_indirect_dma semaphore(%arg22 : memref<!tpu.dma_semaphore, #tpu.memory_space<semaphore_mem>>) src(%dma_wait3A_169 : memref<1000x128xf32, #tpu.memory_space<hbm>>) dst(%arg16 : memref<40x128xf32, #tpu.memory_space<vmem>>)
      %scan3A_170 = arith.constant 0 : i32
      %scan3A_171 = arith.constant 40 : i32
      %scan3A_172 = arith.addi %scan3A_170, %scan3A_171 : i32
      %scan3A_173 = arith.constant 2 : i32
      scf.for %scan3A_304 = %scan3A_170 to %scan3A_172 step %scan3A_173  : i32 {
        %mul3A_305 = arith.constant 1 : i32
        %mul3A_306 = arith.muli %scan3A_304, %mul3A_305 : i32
        %add3A_307 = arith.constant 0 : i32
        %add3A_308 = arith.addi %add3A_307, %mul3A_306 : i32
        %get3A = arith.index_cast %add3A_308 : i32 to index
        %get3A_309 = arith.constant 0 : index
        %get3A_310 = tpu.vector_load %arg16[%get3A, %get3A_309] {strides = array<i32>} : memref<40x128xf32, #tpu.memory_space<vmem>>, vector<1x16xf32>,
        %get3A_311 = vector.shape_cast %get3A_310 : vector<1x16xf32> to vector<16xf32>
        %add3A_312 = arith.constant 40 : i32
        %add3A_313 = arith.addi %add3A_312, %add3A_308 : i32
        %get3A_314 = arith.index_cast %add3A_313 : i32 to index
        %get3A_315 = arith.constant 0 : index
        %get3A_316 = tpu.vector_load %arg20[%get3A_314, %get3A_315] {strides = array<i32>} : memref<200x128xf32, #tpu.memory_space<vmem>>, vector<1x16xf32>,
        %get3A_317 = vector.shape_cast %get3A_316 : vector<1x16xf32> to vector<16xf32>
        %add3A_318 = arith.addf %get3A_311, %get3A_317 : vector<16xf32>
        %swap3A = arith.index_cast %add3A_308 : i32 to index
        %swap3A_319 = arith.constant 0 : index
        %swap3A_320 = tpu.vector_load %arg11[%swap3A, %swap3A_319] {strides = array<i32>} : memref<40x128xf32, #tpu.memory_space<vmem>>, vector<1x16xf32>,
        %swap3A_321 = vector.shape_cast %swap3A_320 : vector<1x16xf32> to vector<16xf32>
        %swap3A_322 = vector.shape_cast %add3A_318 : vector<16xf32> to vector<1x16xf32>
        tpu.vector_store %arg11[%swap3A, %swap3A_319], %swap3A_322 {add = true, strides = array<i32>} : memref<40x128xf32, #tpu.memory_space<vmem>>, vector<1x16xf32>,
        %get3A_323 = arith.index_cast %add3A_308 : i32 to index
        %get3A_324 = arith.constant 16 : index
        %get3A_325 = tpu.vector_load %arg16[%get3A_323, %get3A_324] {strides = array<i32>} : memref<40x128xf32, #tpu.memory_space<vmem>>, vector<1x16xf32>,
        %get3A_326 = vector.shape_cast %get3A_325 : vector<1x16xf32> to vector<16xf32>
        %add3A_327 = arith.constant 40 : i32
        %add3A_328 = arith.addi %add3A_327, %add3A_308 : i32
        %get3A_329 = arith.index_cast %add3A_328 : i32 to index
        %get3A_330 = arith.constant 16 : index
        %get3A_331 = tpu.vector_load %arg20[%get3A_329, %get3A_330] {strides = array<i32>} : memref<200x128xf32, #tpu.memory_space<vmem>>, vector<1x16xf32>,
        %get3A_332 = vector.shape_cast %get3A_331 : vector<1x16xf32> to vector<16xf32>
        %add3A_333 = arith.addf %get3A_326, %get3A_332 : vector<16xf32>
        %swap3A_334 = arith.index_cast %add3A_308 : i32 to index
        %swap3A_335 = arith.constant 16 : index
        %swap3A_336 = tpu.vector_load %arg11[%swap3A_334, %swap3A_335] {strides = array<i32>} : memref<40x128xf32, #tpu.memory_space<vmem>>, vector<1x16xf32>,
        %swap3A_337 = vector.shape_cast %swap3A_336 : vector<1x16xf32> to vector<16xf32>
        %swap3A_338 = vector.shape_cast %add3A_333 : vector<16xf32> to vector<1x16xf32>
        tpu.vector_store %arg11[%swap3A_334, %swap3A_335], %swap3A_338 {add = true, strides = array<i32>} : memref<40x128xf32, #tpu.memory_space<vmem>>, vector<1x16xf32>,
        %get3A_339 = arith.index_cast %add3A_308 : i32 to index
        %get3A_340 = arith.constant 32 : index
        %get3A_341 = tpu.vector_load %arg16[%get3A_339, %get3A_340] {strides = array<i32>} : memref<40x128xf32, #tpu.memory_space<vmem>>, vector<1x16xf32>,
        %get3A_342 = vector.shape_cast %get3A_341 : vector<1x16xf32> to vector<16xf32>
        %add3A_343 = arith.constant 40 : i32
        %add3A_344 = arith.addi %add3A_343, %add3A_308 : i32
        %get3A_345 = arith.index_cast %add3A_344 : i32 to index
        %get3A_346 = arith.constant 32 : index
        %get3A_347 = tpu.vector_load %arg20[%get3A_345, %get3A_346] {strides = array<i32>} : memref<200x128xf32, #tpu.memory_space<vmem>>, vector<1x16xf32>,
        %get3A_348 = vector.shape_cast %get3A_347 : vector<1x16xf32> to vector<16xf32>
        %add3A_349 = arith.addf %get3A_342, %get3A_348 : vector<16xf32>
        %swap3A_350 = arith.index_cast %add3A_308 : i32 to index
        %swap3A_351 = arith.constant 32 : index
        %swap3A_352 = tpu.vector_load %arg11[%swap3A_350, %swap3A_351] {strides = array<i32>} : memref<40x128xf32, #tpu.memory_space<vmem>>, vector<1x16xf32>,
        %swap3A_353 = vector.shape_cast %swap3A_352 : vector<1x16xf32> to vector<16xf32>
        %swap3A_354 = vector.shape_cast %add3A_349 : vector<16xf32> to vector<1x16xf32>
        tpu.vector_store %arg11[%swap3A_350, %swap3A_351], %swap3A_354 {add = true, strides = array<i32>} : memref<40x128xf32, #tpu.memory_space<vmem>>, vector<1x16xf32>,
        %get3A_355 = arith.index_cast %add3A_308 : i32 to index
        %get3A_356 = arith.constant 48 : index
        %get3A_357 = tpu.vector_load %arg16[%get3A_355, %get3A_356] {strides = array<i32>} : memref<40x128xf32, #tpu.memory_space<vmem>>, vector<1x16xf32>,
        %get3A_358 = vector.shape_cast %get3A_357 : vector<1x16xf32> to vector<16xf32>
        %add3A_359 = arith.constant 40 : i32
        %add3A_360 = arith.addi %add3A_359, %add3A_308 : i32
        %get3A_361 = arith.index_cast %add3A_360 : i32 to index
        %get3A_362 = arith.constant 48 : index
        %get3A_363 = tpu.vector_load %arg20[%get3A_361, %get3A_362] {strides = array<i32>} : memref<200x128xf32, #tpu.memory_space<vmem>>, vector<1x16xf32>,
        %get3A_364 = vector.shape_cast %get3A_363 : vector<1x16xf32> to vector<16xf32>
        %add3A_365 = arith.addf %get3A_358, %get3A_364 : vector<16xf32>
        %swap3A_366 = arith.index_cast %add3A_308 : i32 to index
        %swap3A_367 = arith.constant 48 : index
        %swap3A_368 = tpu.vector_load %arg11[%swap3A_366, %swap3A_367] {strides = array<i32>} : memref<40x128xf32, #tpu.memory_space<vmem>>, vector<1x16xf32>,
        %swap3A_369 = vector.shape_cast %swap3A_368 : vector<1x16xf32> to vector<16xf32>
        %swap3A_370 = vector.shape_cast %add3A_365 : vector<16xf32> to vector<1x16xf32>
        tpu.vector_store %arg11[%swap3A_366, %swap3A_367], %swap3A_370 {add = true, strides = array<i32>} : memref<40x128xf32, #tpu.memory_space<vmem>>, vector<1x16xf32>,
        %get3A_371 = arith.index_cast %add3A_308 : i32 to index
        %get3A_372 = arith.constant 64 : index
        %get3A_373 = tpu.vector_load %arg16[%get3A_371, %get3A_372] {strides = array<i32>} : memref<40x128xf32, #tpu.memory_space<vmem>>, vector<1x16xf32>,
        %get3A_374 = vector.shape_cast %get3A_373 : vector<1x16xf32> to vector<16xf32>
        %add3A_375 = arith.constant 40 : i32
        %add3A_376 = arith.addi %add3A_375, %add3A_308 : i32
        %get3A_377 = arith.index_cast %add3A_376 : i32 to index
        %get3A_378 = arith.constant 64 : index
        %get3A_379 = tpu.vector_load %arg20[%get3A_377, %get3A_378] {strides = array<i32>} : memref<200x128xf32, #tpu.memory_space<vmem>>, vector<1x16xf32>,
        %get3A_380 = vector.shape_cast %get3A_379 : vector<1x16xf32> to vector<16xf32>
        %add3A_381 = arith.addf %get3A_374, %get3A_380 : vector<16xf32>
        %swap3A_382 = arith.index_cast %add3A_308 : i32 to index
        %swap3A_383 = arith.constant 64 : index
        %swap3A_384 = tpu.vector_load %arg11[%swap3A_382, %swap3A_383] {strides = array<i32>} : memref<40x128xf32, #tpu.memory_space<vmem>>, vector<1x16xf32>,
        %swap3A_385 = vector.shape_cast %swap3A_384 : vector<1x16xf32> to vector<16xf32>
        %swap3A_386 = vector.shape_cast %add3A_381 : vector<16xf32> to vector<1x16xf32>
        tpu.vector_store %arg11[%swap3A_382, %swap3A_383], %swap3A_386 {add = true, strides = array<i32>} : memref<40x128xf32, #tpu.memory_space<vmem>>, vector<1x16xf32>,
        %get3A_387 = arith.index_cast %add3A_308 : i32 to index
        %get3A_388 = arith.constant 80 : index
        %get3A_389 = tpu.vector_load %arg16[%get3A_387, %get3A_388] {strides = array<i32>} : memref<40x128xf32, #tpu.memory_space<vmem>>, vector<1x16xf32>,
        %get3A_390 = vector.shape_cast %get3A_389 : vector<1x16xf32> to vector<16xf32>
        %add3A_391 = arith.constant 40 : i32
        %add3A_392 = arith.addi %add3A_391, %add3A_308 : i32
        %get3A_393 = arith.index_cast %add3A_392 : i32 to index
        %get3A_394 = arith.constant 80 : index
        %get3A_395 = tpu.vector_load %arg20[%get3A_393, %get3A_394] {strides = array<i32>} : memref<200x128xf32, #tpu.memory_space<vmem>>, vector<1x16xf32>,
        %get3A_396 = vector.shape_cast %get3A_395 : vector<1x16xf32> to vector<16xf32>
        %add3A_397 = arith.addf %get3A_390, %get3A_396 : vector<16xf32>
        %swap3A_398 = arith.index_cast %add3A_308 : i32 to index
        %swap3A_399 = arith.constant 80 : index
        %swap3A_400 = tpu.vector_load %arg11[%swap3A_398, %swap3A_399] {strides = array<i32>} : memref<40x128xf32, #tpu.memory_space<vmem>>, vector<1x16xf32>,
        %swap3A_401 = vector.shape_cast %swap3A_400 : vector<1x16xf32> to vector<16xf32>
        %swap3A_402 = vector.shape_cast %add3A_397 : vector<16xf32> to vector<1x16xf32>
        tpu.vector_store %arg11[%swap3A_398, %swap3A_399], %swap3A_402 {add = true, strides = array<i32>} : memref<40x128xf32, #tpu.memory_space<vmem>>, vector<1x16xf32>,
        %get3A_403 = arith.index_cast %add3A_308 : i32 to index
        %get3A_404 = arith.constant 96 : index
        %get3A_405 = tpu.vector_load %arg16[%get3A_403, %get3A_404] {strides = array<i32>} : memref<40x128xf32, #tpu.memory_space<vmem>>, vector<1x16xf32>,
        %get3A_406 = vector.shape_cast %get3A_405 : vector<1x16xf32> to vector<16xf32>
        %add3A_407 = arith.constant 40 : i32
        %add3A_408 = arith.addi %add3A_407, %add3A_308 : i32
        %get3A_409 = arith.index_cast %add3A_408 : i32 to index
        %get3A_410 = arith.constant 96 : index
        %get3A_411 = tpu.vector_load %arg20[%get3A_409, %get3A_410] {strides = array<i32>} : memref<200x128xf32, #tpu.memory_space<vmem>>, vector<1x16xf32>,
        %get3A_412 = vector.shape_cast %get3A_411 : vector<1x16xf32> to vector<16xf32>
        %add3A_413 = arith.addf %get3A_406, %get3A_412 : vector<16xf32>
        %swap3A_414 = arith.index_cast %add3A_308 : i32 to index
        %swap3A_415 = arith.constant 96 : index
        %swap3A_416 = tpu.vector_load %arg11[%swap3A_414, %swap3A_415] {strides = array<i32>} : memref<40x128xf32, #tpu.memory_space<vmem>>, vector<1x16xf32>,
        %swap3A_417 = vector.shape_cast %swap3A_416 : vector<1x16xf32> to vector<16xf32>
        %swap3A_418 = vector.shape_cast %add3A_413 : vector<16xf32> to vector<1x16xf32>
        tpu.vector_store %arg11[%swap3A_414, %swap3A_415], %swap3A_418 {add = true, strides = array<i32>} : memref<40x128xf32, #tpu.memory_space<vmem>>, vector<1x16xf32>,
        %get3A_419 = arith.index_cast %add3A_308 : i32 to index
        %get3A_420 = arith.constant 112 : index
        %get3A_421 = tpu.vector_load %arg16[%get3A_419, %get3A_420] {strides = array<i32>} : memref<40x128xf32, #tpu.memory_space<vmem>>, vector<1x16xf32>,
        %get3A_422 = vector.shape_cast %get3A_421 : vector<1x16xf32> to vector<16xf32>
        %add3A_423 = arith.constant 40 : i32
        %add3A_424 = arith.addi %add3A_423, %add3A_308 : i32
        %get3A_425 = arith.index_cast %add3A_424 : i32 to index
        %get3A_426 = arith.constant 112 : index
        %get3A_427 = tpu.vector_load %arg20[%get3A_425, %get3A_426] {strides = array<i32>} : memref<200x128xf32, #tpu.memory_space<vmem>>, vector<1x16xf32>,
        %get3A_428 = vector.shape_cast %get3A_427 : vector<1x16xf32> to vector<16xf32>
        %add3A_429 = arith.addf %get3A_422, %get3A_428 : vector<16xf32>
        %swap3A_430 = arith.index_cast %add3A_308 : i32 to index
        %swap3A_431 = arith.constant 112 : index
        %swap3A_432 = tpu.vector_load %arg11[%swap3A_430, %swap3A_431] {strides = array<i32>} : memref<40x128xf32, #tpu.memory_space<vmem>>, vector<1x16xf32>,
        %swap3A_433 = vector.shape_cast %swap3A_432 : vector<1x16xf32> to vector<16xf32>
        %swap3A_434 = vector.shape_cast %add3A_429 : vector<16xf32> to vector<1x16xf32>
        tpu.vector_store %arg11[%swap3A_430, %swap3A_431], %swap3A_434 {add = true, strides = array<i32>} : memref<40x128xf32, #tpu.memory_space<vmem>>, vector<1x16xf32>,
        %scan3A_435 = arith.constant 1 : i32
        %scan3A_436 = arith.addi %scan3A_304, %scan3A_435 : i32
        %mul3A_437 = arith.constant 1 : i32
        %mul3A_438 = arith.muli %scan3A_436, %mul3A_437 : i32
        %add3A_439 = arith.constant 0 : i32
        %add3A_440 = arith.addi %add3A_439, %mul3A_438 : i32
        %get3A_441 = arith.index_cast %add3A_440 : i32 to index
        %get3A_442 = arith.constant 0 : index
        %get3A_443 = tpu.vector_load %arg16[%get3A_441, %get3A_442] {strides = array<i32>} : memref<40x128xf32, #tpu.memory_space<vmem>>, vector<1x16xf32>,
        %get3A_444 = vector.shape_cast %get3A_443 : vector<1x16xf32> to vector<16xf32>
        %add3A_445 = arith.constant 40 : i32
        %add3A_446 = arith.addi %add3A_445, %add3A_440 : i32
        %get3A_447 = arith.index_cast %add3A_446 : i32 to index
        %get3A_448 = arith.constant 0 : index
        %get3A_449 = tpu.vector_load %arg20[%get3A_447, %get3A_448] {strides = array<i32>} : memref<200x128xf32, #tpu.memory_space<vmem>>, vector<1x16xf32>,
        %get3A_450 = vector.shape_cast %get3A_449 : vector<1x16xf32> to vector<16xf32>
        %add3A_451 = arith.addf %get3A_444, %get3A_450 : vector<16xf32>
        %swap3A_452 = arith.index_cast %add3A_440 : i32 to index
        %swap3A_453 = arith.constant 0 : index
        %swap3A_454 = tpu.vector_load %arg11[%swap3A_452, %swap3A_453] {strides = array<i32>} : memref<40x128xf32, #tpu.memory_space<vmem>>, vector<1x16xf32>,
        %swap3A_455 = vector.shape_cast %swap3A_454 : vector<1x16xf32> to vector<16xf32>
        %swap3A_456 = vector.shape_cast %add3A_451 : vector<16xf32> to vector<1x16xf32>
        tpu.vector_store %arg11[%swap3A_452, %swap3A_453], %swap3A_456 {add = true, strides = array<i32>} : memref<40x128xf32, #tpu.memory_space<vmem>>, vector<1x16xf32>,
        %get3A_457 = arith.index_cast %add3A_440 : i32 to index
        %get3A_458 = arith.constant 16 : index
        %get3A_459 = tpu.vector_load %arg16[%get3A_457, %get3A_458] {strides = array<i32>} : memref<40x128xf32, #tpu.memory_space<vmem>>, vector<1x16xf32>,
        %get3A_460 = vector.shape_cast %get3A_459 : vector<1x16xf32> to vector<16xf32>
        %add3A_461 = arith.constant 40 : i32
        %add3A_462 = arith.addi %add3A_461, %add3A_440 : i32
        %get3A_463 = arith.index_cast %add3A_462 : i32 to index
        %get3A_464 = arith.constant 16 : index
        %get3A_465 = tpu.vector_load %arg20[%get3A_463, %get3A_464] {strides = array<i32>} : memref<200x128xf32, #tpu.memory_space<vmem>>, vector<1x16xf32>,
        %get3A_466 = vector.shape_cast %get3A_465 : vector<1x16xf32> to vector<16xf32>
        %add3A_467 = arith.addf %get3A_460, %get3A_466 : vector<16xf32>
        %swap3A_468 = arith.index_cast %add3A_440 : i32 to index
        %swap3A_469 = arith.constant 16 : index
        %swap3A_470 = tpu.vector_load %arg11[%swap3A_468, %swap3A_469] {strides = array<i32>} : memref<40x128xf32, #tpu.memory_space<vmem>>, vector<1x16xf32>,
        %swap3A_471 = vector.shape_cast %swap3A_470 : vector<1x16xf32> to vector<16xf32>
        %swap3A_472 = vector.shape_cast %add3A_467 : vector<16xf32> to vector<1x16xf32>
        tpu.vector_store %arg11[%swap3A_468, %swap3A_469], %swap3A_472 {add = true, strides = array<i32>} : memref<40x128xf32, #tpu.memory_space<vmem>>, vector<1x16xf32>,
        %get3A_473 = arith.index_cast %add3A_440 : i32 to index
        %get3A_474 = arith.constant 32 : index
        %get3A_475 = tpu.vector_load %arg16[%get3A_473, %get3A_474] {strides = array<i32>} : memref<40x128xf32, #tpu.memory_space<vmem>>, vector<1x16xf32>,
        %get3A_476 = vector.shape_cast %get3A_475 : vector<1x16xf32> to vector<16xf32>
        %add3A_477 = arith.constant 40 : i32
        %add3A_478 = arith.addi %add3A_477, %add3A_440 : i32
        %get3A_479 = arith.index_cast %add3A_478 : i32 to index
        %get3A_480 = arith.constant 32 : index
        %get3A_481 = tpu.vector_load %arg20[%get3A_479, %get3A_480] {strides = array<i32>} : memref<200x128xf32, #tpu.memory_space<vmem>>, vector<1x16xf32>,
        %get3A_482 = vector.shape_cast %get3A_481 : vector<1x16xf32> to vector<16xf32>
        %add3A_483 = arith.addf %get3A_476, %get3A_482 : vector<16xf32>
        %swap3A_484 = arith.index_cast %add3A_440 : i32 to index
        %swap3A_485 = arith.constant 32 : index
        %swap3A_486 = tpu.vector_load %arg11[%swap3A_484, %swap3A_485] {strides = array<i32>} : memref<40x128xf32, #tpu.memory_space<vmem>>, vector<1x16xf32>,
        %swap3A_487 = vector.shape_cast %swap3A_486 : vector<1x16xf32> to vector<16xf32>
        %swap3A_488 = vector.shape_cast %add3A_483 : vector<16xf32> to vector<1x16xf32>
        tpu.vector_store %arg11[%swap3A_484, %swap3A_485], %swap3A_488 {add = true, strides = array<i32>} : memref<40x128xf32, #tpu.memory_space<vmem>>, vector<1x16xf32>,
        %get3A_489 = arith.index_cast %add3A_440 : i32 to index
        %get3A_490 = arith.constant 48 : index
        %get3A_491 = tpu.vector_load %arg16[%get3A_489, %get3A_490] {strides = array<i32>} : memref<40x128xf32, #tpu.memory_space<vmem>>, vector<1x16xf32>,
        %get3A_492 = vector.shape_cast %get3A_491 : vector<1x16xf32> to vector<16xf32>
        %add3A_493 = arith.constant 40 : i32
        %add3A_494 = arith.addi %add3A_493, %add3A_440 : i32
        %get3A_495 = arith.index_cast %add3A_494 : i32 to index
        %get3A_496 = arith.constant 48 : index
        %get3A_497 = tpu.vector_load %arg20[%get3A_495, %get3A_496] {strides = array<i32>} : memref<200x128xf32, #tpu.memory_space<vmem>>, vector<1x16xf32>,
        %get3A_498 = vector.shape_cast %get3A_497 : vector<1x16xf32> to vector<16xf32>
        %add3A_499 = arith.addf %get3A_492, %get3A_498 : vector<16xf32>
        %swap3A_500 = arith.index_cast %add3A_440 : i32 to index
        %swap3A_501 = arith.constant 48 : index
        %swap3A_502 = tpu.vector_load %arg11[%swap3A_500, %swap3A_501] {strides = array<i32>} : memref<40x128xf32, #tpu.memory_space<vmem>>, vector<1x16xf32>,
        %swap3A_503 = vector.shape_cast %swap3A_502 : vector<1x16xf32> to vector<16xf32>
        %swap3A_504 = vector.shape_cast %add3A_499 : vector<16xf32> to vector<1x16xf32>
        tpu.vector_store %arg11[%swap3A_500, %swap3A_501], %swap3A_504 {add = true, strides = array<i32>} : memref<40x128xf32, #tpu.memory_space<vmem>>, vector<1x16xf32>,
        %get3A_505 = arith.index_cast %add3A_440 : i32 to index
        %get3A_506 = arith.constant 64 : index
        %get3A_507 = tpu.vector_load %arg16[%get3A_505, %get3A_506] {strides = array<i32>} : memref<40x128xf32, #tpu.memory_space<vmem>>, vector<1x16xf32>,
        %get3A_508 = vector.shape_cast %get3A_507 : vector<1x16xf32> to vector<16xf32>
        %add3A_509 = arith.constant 40 : i32
        %add3A_510 = arith.addi %add3A_509, %add3A_440 : i32
        %get3A_511 = arith.index_cast %add3A_510 : i32 to index
        %get3A_512 = arith.constant 64 : index
        %get3A_513 = tpu.vector_load %arg20[%get3A_511, %get3A_512] {strides = array<i32>} : memref<200x128xf32, #tpu.memory_space<vmem>>, vector<1x16xf32>,
        %get3A_514 = vector.shape_cast %get3A_513 : vector<1x16xf32> to vector<16xf32>
        %add3A_515 = arith.addf %get3A_508, %get3A_514 : vector<16xf32>
        %swap3A_516 = arith.index_cast %add3A_440 : i32 to index
        %swap3A_517 = arith.constant 64 : index
        %swap3A_518 = tpu.vector_load %arg11[%swap3A_516, %swap3A_517] {strides = array<i32>} : memref<40x128xf32, #tpu.memory_space<vmem>>, vector<1x16xf32>,
        %swap3A_519 = vector.shape_cast %swap3A_518 : vector<1x16xf32> to vector<16xf32>
        %swap3A_520 = vector.shape_cast %add3A_515 : vector<16xf32> to vector<1x16xf32>
        tpu.vector_store %arg11[%swap3A_516, %swap3A_517], %swap3A_520 {add = true, strides = array<i32>} : memref<40x128xf32, #tpu.memory_space<vmem>>, vector<1x16xf32>,
        %get3A_521 = arith.index_cast %add3A_440 : i32 to index
        %get3A_522 = arith.constant 80 : index
        %get3A_523 = tpu.vector_load %arg16[%get3A_521, %get3A_522] {strides = array<i32>} : memref<40x128xf32, #tpu.memory_space<vmem>>, vector<1x16xf32>,
        %get3A_524 = vector.shape_cast %get3A_523 : vector<1x16xf32> to vector<16xf32>
        %add3A_525 = arith.constant 40 : i32
        %add3A_526 = arith.addi %add3A_525, %add3A_440 : i32
        %get3A_527 = arith.index_cast %add3A_526 : i32 to index
        %get3A_528 = arith.constant 80 : index
        %get3A_529 = tpu.vector_load %arg20[%get3A_527, %get3A_528] {strides = array<i32>} : memref<200x128xf32, #tpu.memory_space<vmem>>, vector<1x16xf32>,
        %get3A_530 = vector.shape_cast %get3A_529 : vector<1x16xf32> to vector<16xf32>
        %add3A_531 = arith.addf %get3A_524, %get3A_530 : vector<16xf32>
        %swap3A_532 = arith.index_cast %add3A_440 : i32 to index
        %swap3A_533 = arith.constant 80 : index
        %swap3A_534 = tpu.vector_load %arg11[%swap3A_532, %swap3A_533] {strides = array<i32>} : memref<40x128xf32, #tpu.memory_space<vmem>>, vector<1x16xf32>,
        %swap3A_535 = vector.shape_cast %swap3A_534 : vector<1x16xf32> to vector<16xf32>
        %swap3A_536 = vector.shape_cast %add3A_531 : vector<16xf32> to vector<1x16xf32>
        tpu.vector_store %arg11[%swap3A_532, %swap3A_533], %swap3A_536 {add = true, strides = array<i32>} : memref<40x128xf32, #tpu.memory_space<vmem>>, vector<1x16xf32>,
        %get3A_537 = arith.index_cast %add3A_440 : i32 to index
        %get3A_538 = arith.constant 96 : index
        %get3A_539 = tpu.vector_load %arg16[%get3A_537, %get3A_538] {strides = array<i32>} : memref<40x128xf32, #tpu.memory_space<vmem>>, vector<1x16xf32>,
        %get3A_540 = vector.shape_cast %get3A_539 : vector<1x16xf32> to vector<16xf32>
        %add3A_541 = arith.constant 40 : i32
        %add3A_542 = arith.addi %add3A_541, %add3A_440 : i32
        %get3A_543 = arith.index_cast %add3A_542 : i32 to index
        %get3A_544 = arith.constant 96 : index
        %get3A_545 = tpu.vector_load %arg20[%get3A_543, %get3A_544] {strides = array<i32>} : memref<200x128xf32, #tpu.memory_space<vmem>>, vector<1x16xf32>,
        %get3A_546 = vector.shape_cast %get3A_545 : vector<1x16xf32> to vector<16xf32>
        %add3A_547 = arith.addf %get3A_540, %get3A_546 : vector<16xf32>
        %swap3A_548 = arith.index_cast %add3A_440 : i32 to index
        %swap3A_549 = arith.constant 96 : index
        %swap3A_550 = tpu.vector_load %arg11[%swap3A_548, %swap3A_549] {strides = array<i32>} : memref<40x128xf32, #tpu.memory_space<vmem>>, vector<1x16xf32>,
        %swap3A_551 = vector.shape_cast %swap3A_550 : vector<1x16xf32> to vector<16xf32>
        %swap3A_552 = vector.shape_cast %add3A_547 : vector<16xf32> to vector<1x16xf32>
        tpu.vector_store %arg11[%swap3A_548, %swap3A_549], %swap3A_552 {add = true, strides = array<i32>} : memref<40x128xf32, #tpu.memory_space<vmem>>, vector<1x16xf32>,
        %get3A_553 = arith.index_cast %add3A_440 : i32 to index
        %get3A_554 = arith.constant 112 : index
        %get3A_555 = tpu.vector_load %arg16[%get3A_553, %get3A_554] {strides = array<i32>} : memref<40x128xf32, #tpu.memory_space<vmem>>, vector<1x16xf32>,
        %get3A_556 = vector.shape_cast %get3A_555 : vector<1x16xf32> to vector<16xf32>
        %add3A_557 = arith.constant 40 : i32
        %add3A_558 = arith.addi %add3A_557, %add3A_440 : i32
        %get3A_559 = arith.index_cast %add3A_558 : i32 to index
        %get3A_560 = arith.constant 112 : index
        %get3A_561 = tpu.vector_load %arg20[%get3A_559, %get3A_560] {strides = array<i32>} : memref<200x128xf32, #tpu.memory_space<vmem>>, vector<1x16xf32>,
        %get3A_562 = vector.shape_cast %get3A_561 : vector<1x16xf32> to vector<16xf32>
        %add3A_563 = arith.addf %get3A_556, %get3A_562 : vector<16xf32>
        %swap3A_564 = arith.index_cast %add3A_440 : i32 to index
        %swap3A_565 = arith.constant 112 : index
        %swap3A_566 = tpu.vector_load %arg11[%swap3A_564, %swap3A_565] {strides = array<i32>} : memref<40x128xf32, #tpu.memory_space<vmem>>, vector<1x16xf32>,
        %swap3A_567 = vector.shape_cast %swap3A_566 : vector<1x16xf32> to vector<16xf32>
        %swap3A_568 = vector.shape_cast %add3A_563 : vector<16xf32> to vector<1x16xf32>
        tpu.vector_store %arg11[%swap3A_564, %swap3A_565], %swap3A_568 {add = true, strides = array<i32>} : memref<40x128xf32, #tpu.memory_space<vmem>>, vector<1x16xf32>,
      }
      %scan3A_174 = arith.constant 40 : i32
      %add3A_175 = arith.addi %mul3A_2, %add3A_84 : i32
      %dma_start3A_176 = arith.constant 40 : i32
      %dma_start3A_177 = arith.constant 0 : i32
      %dma_start3A_178 = tpu.memref_slice %arg7[%add3A_175, %dma_start3A_176, %dma_start3A_177] : memref<1024x200x128xf32, #tpu.memory_space<hbm>> -> memref<1x40x128xf32, #tpu.memory_space<hbm>>
      %dma_start3A_179 = tpu.memref_squeeze %dma_start3A_178 : memref<1x40x128xf32, #tpu.memory_space<hbm>> -> memref<40x128xf32, #tpu.memory_space<hbm>>
      %dma_start3A_180 = arith.constant 40 : i32
      %dma_start3A_181 = arith.constant 0 : i32
      %dma_start3A_182 = tpu.memref_slice %arg7[%add3A_175, %dma_start3A_180, %dma_start3A_181] : memref<1024x200x128xf32, #tpu.memory_space<hbm>> -> memref<1x40x128xf32, #tpu.memory_space<hbm>>
      %dma_start3A_183 = tpu.memref_squeeze %dma_start3A_182 : memref<1x40x128xf32, #tpu.memory_space<hbm>> -> memref<40x128xf32, #tpu.memory_space<hbm>>
      tpu.enqueue_dma source(%arg11 : memref<40x128xf32, #tpu.memory_space<vmem>>) target(%dma_start3A_183 : memref<40x128xf32, #tpu.memory_space<hbm>>) target_semaphore(%arg27 : memref<!tpu.dma_semaphore, #tpu.memory_space<semaphore_mem>>)
      %add3A_184 = arith.constant 0 : i32
      %add3A_185 = arith.addi %add3A_84, %add3A_184 : i32
      %gt3A_186 = arith.constant 0 : i32
      %gt3A_187 = arith.cmpi sgt, %add3A_84, %gt3A_186 : i32
      %convert_element_type3A_188 = arith.extui %gt3A_187 : i1 to i32
      %cond3A_189 = arith.constant 0 : i32
      %cond3A_190 = arith.cmpi ne, %convert_element_type3A_188, %cond3A_189 : i32
      scf.if %cond3A_190 {
        %dma_wait3A_304 = arith.constant 0 : i32
        %dma_wait3A_305 = arith.constant 0 : i32
        %dma_wait3A_306 = arith.constant 0 : i32
        %dma_wait3A_307 = tpu.memref_slice %arg7[%dma_wait3A_304, %dma_wait3A_305, %dma_wait3A_306] : memref<1024x200x128xf32, #tpu.memory_space<hbm>> -> memref<1x40x128xf32, #tpu.memory_space<hbm>>
        %dma_wait3A_308 = tpu.memref_squeeze %dma_wait3A_307 : memref<1x40x128xf32, #tpu.memory_space<hbm>> -> memref<40x128xf32, #tpu.memory_space<hbm>>
        %dma_wait3A_309 = arith.constant 0 : i32
        %dma_wait3A_310 = arith.constant 0 : i32
        %dma_wait3A_311 = tpu.memref_slice %arg7[%dma_wait3A_304, %dma_wait3A_309, %dma_wait3A_310] : memref<1024x200x128xf32, #tpu.memory_space<hbm>> -> memref<1x40x128xf32, #tpu.memory_space<hbm>>
        %dma_wait3A_312 = tpu.memref_squeeze %dma_wait3A_311 : memref<1x40x128xf32, #tpu.memory_space<hbm>> -> memref<40x128xf32, #tpu.memory_space<hbm>>
        tpu.wait_dma2 semaphore(%arg30 : memref<!tpu.dma_semaphore, #tpu.memory_space<semaphore_mem>>) src(%arg14 : memref<40x128xf32, #tpu.memory_space<vmem>>) dst(%dma_wait3A_312 : memref<40x128xf32, #tpu.memory_space<hbm>>)
      } else {
      }
      %mul3A_191 = arith.constant 5 : i32
      %mul3A_192 = arith.muli %add3A_185, %mul3A_191 : i32
      %add3A_193 = arith.constant 4 : i32
      %add3A_194 = arith.addi %mul3A_192, %add3A_193 : i32
      %dma_start3A_195 = arith.constant 0 : i32
      %dma_start3A_196 = tpu.memref_slice %arg8[%add3A_194, %dma_start3A_195] : memref<160x40xi32, #tpu.memory_space<vmem>> -> memref<1x40xi32, #tpu.memory_space<vmem>>
      %dma_start3A_197 = tpu.memref_squeeze %dma_start3A_196 : memref<1x40xi32, #tpu.memory_space<vmem>> -> memref<40xi32, #tpu.memory_space<vmem>>
      %dma_start3A_198 = arith.constant 0 : i32
      %dma_start3A_199 = arith.constant 0 : i32
      %dma_start3A_200 = tpu.memref_slice %arg4[%dma_start3A_198, %dma_start3A_199] : memref<100000x128xf32, #tpu.memory_space<hbm>> -> memref<100000x128xf32, #tpu.memory_space<hbm>>
      tpu.enqueue_indirect_dma source(%dma_start3A_200 : memref<100000x128xf32, #tpu.memory_space<hbm>>) target(%arg14 : memref<40x128xf32, #tpu.memory_space<vmem>>) offsets(%dma_start3A_197 : memref<40xi32, #tpu.memory_space<vmem>>) semaphore(%arg25 : memref<!tpu.dma_semaphore, #tpu.memory_space<semaphore_mem>>)
      %dma_start3A_201 = arith.constant 0 : i32
      %dma_start3A_202 = tpu.memref_slice %arg9[%add3A_194, %dma_start3A_201] : memref<160x40xi32, #tpu.memory_space<vmem>> -> memref<1x40xi32, #tpu.memory_space<vmem>>
      %dma_start3A_203 = tpu.memref_squeeze %dma_start3A_202 : memref<1x40xi32, #tpu.memory_space<vmem>> -> memref<40xi32, #tpu.memory_space<vmem>>
      %dma_start3A_204 = arith.constant 0 : i32
      %dma_start3A_205 = arith.constant 0 : i32
      %dma_start3A_206 = tpu.memref_slice %arg6[%dma_start3A_204, %dma_start3A_205] : memref<1000x128xf32, #tpu.memory_space<hbm>> -> memref<1000x128xf32, #tpu.memory_space<hbm>>
      tpu.enqueue_indirect_dma source(%dma_start3A_206 : memref<1000x128xf32, #tpu.memory_space<hbm>>) target(%arg19 : memref<40x128xf32, #tpu.memory_space<vmem>>) offsets(%dma_start3A_203 : memref<40xi32, #tpu.memory_space<vmem>>) semaphore(%arg25 : memref<!tpu.dma_semaphore, #tpu.memory_space<semaphore_mem>>)
      %dma_wait3A_207 = arith.constant 0 : i32
      %dma_wait3A_208 = arith.constant 0 : i32
      %dma_wait3A_209 = tpu.memref_slice %arg8[%dma_wait3A_207, %dma_wait3A_208] : memref<160x40xi32, #tpu.memory_space<vmem>> -> memref<1x40xi32, #tpu.memory_space<vmem>>
      %dma_wait3A_210 = tpu.memref_squeeze %dma_wait3A_209 : memref<1x40xi32, #tpu.memory_space<vmem>> -> memref<40xi32, #tpu.memory_space<vmem>>
      %dma_wait3A_211 = arith.constant 0 : i32
      %dma_wait3A_212 = arith.constant 0 : i32
      %dma_wait3A_213 = tpu.memref_slice %arg4[%dma_wait3A_211, %dma_wait3A_212] : memref<100000x128xf32, #tpu.memory_space<hbm>> -> memref<100000x128xf32, #tpu.memory_space<hbm>>
      tpu.wait_indirect_dma semaphore(%arg23 : memref<!tpu.dma_semaphore, #tpu.memory_space<semaphore_mem>>) src(%dma_wait3A_213 : memref<100000x128xf32, #tpu.memory_space<hbm>>) dst(%arg12 : memref<40x128xf32, #tpu.memory_space<vmem>>)
      %dma_wait3A_214 = arith.constant 0 : i32
      %dma_wait3A_215 = arith.constant 0 : i32
      %dma_wait3A_216 = tpu.memref_slice %arg9[%dma_wait3A_214, %dma_wait3A_215] : memref<160x40xi32, #tpu.memory_space<vmem>> -> memref<1x40xi32, #tpu.memory_space<vmem>>
      %dma_wait3A_217 = tpu.memref_squeeze %dma_wait3A_216 : memref<1x40xi32, #tpu.memory_space<vmem>> -> memref<40xi32, #tpu.memory_space<vmem>>
      %dma_wait3A_218 = arith.constant 0 : i32
      %dma_wait3A_219 = arith.constant 0 : i32
      %dma_wait3A_220 = tpu.memref_slice %arg6[%dma_wait3A_218, %dma_wait3A_219] : memref<1000x128xf32, #tpu.memory_space<hbm>> -> memref<1000x128xf32, #tpu.memory_space<hbm>>
      tpu.wait_indirect_dma semaphore(%arg23 : memref<!tpu.dma_semaphore, #tpu.memory_space<semaphore_mem>>) src(%dma_wait3A_220 : memref<1000x128xf32, #tpu.memory_space<hbm>>) dst(%arg17 : memref<40x128xf32, #tpu.memory_space<vmem>>)
      %scan3A_221 = arith.constant 0 : i32
      %scan3A_222 = arith.constant 40 : i32
      %scan3A_223 = arith.addi %scan3A_221, %scan3A_222 : i32
      %scan3A_224 = arith.constant 2 : i32
      scf.for %scan3A_304 = %scan3A_221 to %scan3A_223 step %scan3A_224  : i32 {
        %mul3A_305 = arith.constant 1 : i32
        %mul3A_306 = arith.muli %scan3A_304, %mul3A_305 : i32
        %add3A_307 = arith.constant 0 : i32
        %add3A_308 = arith.addi %add3A_307, %mul3A_306 : i32
        %get3A = arith.index_cast %add3A_308 : i32 to index
        %get3A_309 = arith.constant 0 : index
        %get3A_310 = tpu.vector_load %arg17[%get3A, %get3A_309] {strides = array<i32>} : memref<40x128xf32, #tpu.memory_space<vmem>>, vector<1x16xf32>,
        %get3A_311 = vector.shape_cast %get3A_310 : vector<1x16xf32> to vector<16xf32>
        %add3A_312 = arith.constant 80 : i32
        %add3A_313 = arith.addi %add3A_312, %add3A_308 : i32
        %get3A_314 = arith.index_cast %add3A_313 : i32 to index
        %get3A_315 = arith.constant 0 : index
        %get3A_316 = tpu.vector_load %arg20[%get3A_314, %get3A_315] {strides = array<i32>} : memref<200x128xf32, #tpu.memory_space<vmem>>, vector<1x16xf32>,
        %get3A_317 = vector.shape_cast %get3A_316 : vector<1x16xf32> to vector<16xf32>
        %add3A_318 = arith.addf %get3A_311, %get3A_317 : vector<16xf32>
        %swap3A = arith.index_cast %add3A_308 : i32 to index
        %swap3A_319 = arith.constant 0 : index
        %swap3A_320 = tpu.vector_load %arg12[%swap3A, %swap3A_319] {strides = array<i32>} : memref<40x128xf32, #tpu.memory_space<vmem>>, vector<1x16xf32>,
        %swap3A_321 = vector.shape_cast %swap3A_320 : vector<1x16xf32> to vector<16xf32>
        %swap3A_322 = vector.shape_cast %add3A_318 : vector<16xf32> to vector<1x16xf32>
        tpu.vector_store %arg12[%swap3A, %swap3A_319], %swap3A_322 {add = true, strides = array<i32>} : memref<40x128xf32, #tpu.memory_space<vmem>>, vector<1x16xf32>,
        %get3A_323 = arith.index_cast %add3A_308 : i32 to index
        %get3A_324 = arith.constant 16 : index
        %get3A_325 = tpu.vector_load %arg17[%get3A_323, %get3A_324] {strides = array<i32>} : memref<40x128xf32, #tpu.memory_space<vmem>>, vector<1x16xf32>,
        %get3A_326 = vector.shape_cast %get3A_325 : vector<1x16xf32> to vector<16xf32>
        %add3A_327 = arith.constant 80 : i32
        %add3A_328 = arith.addi %add3A_327, %add3A_308 : i32
        %get3A_329 = arith.index_cast %add3A_328 : i32 to index
        %get3A_330 = arith.constant 16 : index
        %get3A_331 = tpu.vector_load %arg20[%get3A_329, %get3A_330] {strides = array<i32>} : memref<200x128xf32, #tpu.memory_space<vmem>>, vector<1x16xf32>,
        %get3A_332 = vector.shape_cast %get3A_331 : vector<1x16xf32> to vector<16xf32>
        %add3A_333 = arith.addf %get3A_326, %get3A_332 : vector<16xf32>
        %swap3A_334 = arith.index_cast %add3A_308 : i32 to index
        %swap3A_335 = arith.constant 16 : index
        %swap3A_336 = tpu.vector_load %arg12[%swap3A_334, %swap3A_335] {strides = array<i32>} : memref<40x128xf32, #tpu.memory_space<vmem>>, vector<1x16xf32>,
        %swap3A_337 = vector.shape_cast %swap3A_336 : vector<1x16xf32> to vector<16xf32>
        %swap3A_338 = vector.shape_cast %add3A_333 : vector<16xf32> to vector<1x16xf32>
        tpu.vector_store %arg12[%swap3A_334, %swap3A_335], %swap3A_338 {add = true, strides = array<i32>} : memref<40x128xf32, #tpu.memory_space<vmem>>, vector<1x16xf32>,
        %get3A_339 = arith.index_cast %add3A_308 : i32 to index
        %get3A_340 = arith.constant 32 : index
        %get3A_341 = tpu.vector_load %arg17[%get3A_339, %get3A_340] {strides = array<i32>} : memref<40x128xf32, #tpu.memory_space<vmem>>, vector<1x16xf32>,
        %get3A_342 = vector.shape_cast %get3A_341 : vector<1x16xf32> to vector<16xf32>
        %add3A_343 = arith.constant 80 : i32
        %add3A_344 = arith.addi %add3A_343, %add3A_308 : i32
        %get3A_345 = arith.index_cast %add3A_344 : i32 to index
        %get3A_346 = arith.constant 32 : index
        %get3A_347 = tpu.vector_load %arg20[%get3A_345, %get3A_346] {strides = array<i32>} : memref<200x128xf32, #tpu.memory_space<vmem>>, vector<1x16xf32>,
        %get3A_348 = vector.shape_cast %get3A_347 : vector<1x16xf32> to vector<16xf32>
        %add3A_349 = arith.addf %get3A_342, %get3A_348 : vector<16xf32>
        %swap3A_350 = arith.index_cast %add3A_308 : i32 to index
        %swap3A_351 = arith.constant 32 : index
        %swap3A_352 = tpu.vector_load %arg12[%swap3A_350, %swap3A_351] {strides = array<i32>} : memref<40x128xf32, #tpu.memory_space<vmem>>, vector<1x16xf32>,
        %swap3A_353 = vector.shape_cast %swap3A_352 : vector<1x16xf32> to vector<16xf32>
        %swap3A_354 = vector.shape_cast %add3A_349 : vector<16xf32> to vector<1x16xf32>
        tpu.vector_store %arg12[%swap3A_350, %swap3A_351], %swap3A_354 {add = true, strides = array<i32>} : memref<40x128xf32, #tpu.memory_space<vmem>>, vector<1x16xf32>,
        %get3A_355 = arith.index_cast %add3A_308 : i32 to index
        %get3A_356 = arith.constant 48 : index
        %get3A_357 = tpu.vector_load %arg17[%get3A_355, %get3A_356] {strides = array<i32>} : memref<40x128xf32, #tpu.memory_space<vmem>>, vector<1x16xf32>,
        %get3A_358 = vector.shape_cast %get3A_357 : vector<1x16xf32> to vector<16xf32>
        %add3A_359 = arith.constant 80 : i32
        %add3A_360 = arith.addi %add3A_359, %add3A_308 : i32
        %get3A_361 = arith.index_cast %add3A_360 : i32 to index
        %get3A_362 = arith.constant 48 : index
        %get3A_363 = tpu.vector_load %arg20[%get3A_361, %get3A_362] {strides = array<i32>} : memref<200x128xf32, #tpu.memory_space<vmem>>, vector<1x16xf32>,
        %get3A_364 = vector.shape_cast %get3A_363 : vector<1x16xf32> to vector<16xf32>
        %add3A_365 = arith.addf %get3A_358, %get3A_364 : vector<16xf32>
        %swap3A_366 = arith.index_cast %add3A_308 : i32 to index
        %swap3A_367 = arith.constant 48 : index
        %swap3A_368 = tpu.vector_load %arg12[%swap3A_366, %swap3A_367] {strides = array<i32>} : memref<40x128xf32, #tpu.memory_space<vmem>>, vector<1x16xf32>,
        %swap3A_369 = vector.shape_cast %swap3A_368 : vector<1x16xf32> to vector<16xf32>
        %swap3A_370 = vector.shape_cast %add3A_365 : vector<16xf32> to vector<1x16xf32>
        tpu.vector_store %arg12[%swap3A_366, %swap3A_367], %swap3A_370 {add = true, strides = array<i32>} : memref<40x128xf32, #tpu.memory_space<vmem>>, vector<1x16xf32>,
        %get3A_371 = arith.index_cast %add3A_308 : i32 to index
        %get3A_372 = arith.constant 64 : index
        %get3A_373 = tpu.vector_load %arg17[%get3A_371, %get3A_372] {strides = array<i32>} : memref<40x128xf32, #tpu.memory_space<vmem>>, vector<1x16xf32>,
        %get3A_374 = vector.shape_cast %get3A_373 : vector<1x16xf32> to vector<16xf32>
        %add3A_375 = arith.constant 80 : i32
        %add3A_376 = arith.addi %add3A_375, %add3A_308 : i32
        %get3A_377 = arith.index_cast %add3A_376 : i32 to index
        %get3A_378 = arith.constant 64 : index
        %get3A_379 = tpu.vector_load %arg20[%get3A_377, %get3A_378] {strides = array<i32>} : memref<200x128xf32, #tpu.memory_space<vmem>>, vector<1x16xf32>,
        %get3A_380 = vector.shape_cast %get3A_379 : vector<1x16xf32> to vector<16xf32>
        %add3A_381 = arith.addf %get3A_374, %get3A_380 : vector<16xf32>
        %swap3A_382 = arith.index_cast %add3A_308 : i32 to index
        %swap3A_383 = arith.constant 64 : index
        %swap3A_384 = tpu.vector_load %arg12[%swap3A_382, %swap3A_383] {strides = array<i32>} : memref<40x128xf32, #tpu.memory_space<vmem>>, vector<1x16xf32>,
        %swap3A_385 = vector.shape_cast %swap3A_384 : vector<1x16xf32> to vector<16xf32>
        %swap3A_386 = vector.shape_cast %add3A_381 : vector<16xf32> to vector<1x16xf32>
        tpu.vector_store %arg12[%swap3A_382, %swap3A_383], %swap3A_386 {add = true, strides = array<i32>} : memref<40x128xf32, #tpu.memory_space<vmem>>, vector<1x16xf32>,
        %get3A_387 = arith.index_cast %add3A_308 : i32 to index
        %get3A_388 = arith.constant 80 : index
        %get3A_389 = tpu.vector_load %arg17[%get3A_387, %get3A_388] {strides = array<i32>} : memref<40x128xf32, #tpu.memory_space<vmem>>, vector<1x16xf32>,
        %get3A_390 = vector.shape_cast %get3A_389 : vector<1x16xf32> to vector<16xf32>
        %add3A_391 = arith.constant 80 : i32
        %add3A_392 = arith.addi %add3A_391, %add3A_308 : i32
        %get3A_393 = arith.index_cast %add3A_392 : i32 to index
        %get3A_394 = arith.constant 80 : index
        %get3A_395 = tpu.vector_load %arg20[%get3A_393, %get3A_394] {strides = array<i32>} : memref<200x128xf32, #tpu.memory_space<vmem>>, vector<1x16xf32>,
        %get3A_396 = vector.shape_cast %get3A_395 : vector<1x16xf32> to vector<16xf32>
        %add3A_397 = arith.addf %get3A_390, %get3A_396 : vector<16xf32>
        %swap3A_398 = arith.index_cast %add3A_308 : i32 to index
        %swap3A_399 = arith.constant 80 : index
        %swap3A_400 = tpu.vector_load %arg12[%swap3A_398, %swap3A_399] {strides = array<i32>} : memref<40x128xf32, #tpu.memory_space<vmem>>, vector<1x16xf32>,
        %swap3A_401 = vector.shape_cast %swap3A_400 : vector<1x16xf32> to vector<16xf32>
        %swap3A_402 = vector.shape_cast %add3A_397 : vector<16xf32> to vector<1x16xf32>
        tpu.vector_store %arg12[%swap3A_398, %swap3A_399], %swap3A_402 {add = true, strides = array<i32>} : memref<40x128xf32, #tpu.memory_space<vmem>>, vector<1x16xf32>,
        %get3A_403 = arith.index_cast %add3A_308 : i32 to index
        %get3A_404 = arith.constant 96 : index
        %get3A_405 = tpu.vector_load %arg17[%get3A_403, %get3A_404] {strides = array<i32>} : memref<40x128xf32, #tpu.memory_space<vmem>>, vector<1x16xf32>,
        %get3A_406 = vector.shape_cast %get3A_405 : vector<1x16xf32> to vector<16xf32>
        %add3A_407 = arith.constant 80 : i32
        %add3A_408 = arith.addi %add3A_407, %add3A_308 : i32
        %get3A_409 = arith.index_cast %add3A_408 : i32 to index
        %get3A_410 = arith.constant 96 : index
        %get3A_411 = tpu.vector_load %arg20[%get3A_409, %get3A_410] {strides = array<i32>} : memref<200x128xf32, #tpu.memory_space<vmem>>, vector<1x16xf32>,
        %get3A_412 = vector.shape_cast %get3A_411 : vector<1x16xf32> to vector<16xf32>
        %add3A_413 = arith.addf %get3A_406, %get3A_412 : vector<16xf32>
        %swap3A_414 = arith.index_cast %add3A_308 : i32 to index
        %swap3A_415 = arith.constant 96 : index
        %swap3A_416 = tpu.vector_load %arg12[%swap3A_414, %swap3A_415] {strides = array<i32>} : memref<40x128xf32, #tpu.memory_space<vmem>>, vector<1x16xf32>,
        %swap3A_417 = vector.shape_cast %swap3A_416 : vector<1x16xf32> to vector<16xf32>
        %swap3A_418 = vector.shape_cast %add3A_413 : vector<16xf32> to vector<1x16xf32>
        tpu.vector_store %arg12[%swap3A_414, %swap3A_415], %swap3A_418 {add = true, strides = array<i32>} : memref<40x128xf32, #tpu.memory_space<vmem>>, vector<1x16xf32>,
        %get3A_419 = arith.index_cast %add3A_308 : i32 to index
        %get3A_420 = arith.constant 112 : index
        %get3A_421 = tpu.vector_load %arg17[%get3A_419, %get3A_420] {strides = array<i32>} : memref<40x128xf32, #tpu.memory_space<vmem>>, vector<1x16xf32>,
        %get3A_422 = vector.shape_cast %get3A_421 : vector<1x16xf32> to vector<16xf32>
        %add3A_423 = arith.constant 80 : i32
        %add3A_424 = arith.addi %add3A_423, %add3A_308 : i32
        %get3A_425 = arith.index_cast %add3A_424 : i32 to index
        %get3A_426 = arith.constant 112 : index
        %get3A_427 = tpu.vector_load %arg20[%get3A_425, %get3A_426] {strides = array<i32>} : memref<200x128xf32, #tpu.memory_space<vmem>>, vector<1x16xf32>,
        %get3A_428 = vector.shape_cast %get3A_427 : vector<1x16xf32> to vector<16xf32>
        %add3A_429 = arith.addf %get3A_422, %get3A_428 : vector<16xf32>
        %swap3A_430 = arith.index_cast %add3A_308 : i32 to index
        %swap3A_431 = arith.constant 112 : index
        %swap3A_432 = tpu.vector_load %arg12[%swap3A_430, %swap3A_431] {strides = array<i32>} : memref<40x128xf32, #tpu.memory_space<vmem>>, vector<1x16xf32>,
        %swap3A_433 = vector.shape_cast %swap3A_432 : vector<1x16xf32> to vector<16xf32>
        %swap3A_434 = vector.shape_cast %add3A_429 : vector<16xf32> to vector<1x16xf32>
        tpu.vector_store %arg12[%swap3A_430, %swap3A_431], %swap3A_434 {add = true, strides = array<i32>} : memref<40x128xf32, #tpu.memory_space<vmem>>, vector<1x16xf32>,
        %scan3A_435 = arith.constant 1 : i32
        %scan3A_436 = arith.addi %scan3A_304, %scan3A_435 : i32
        %mul3A_437 = arith.constant 1 : i32
        %mul3A_438 = arith.muli %scan3A_436, %mul3A_437 : i32
        %add3A_439 = arith.constant 0 : i32
        %add3A_440 = arith.addi %add3A_439, %mul3A_438 : i32
        %get3A_441 = arith.index_cast %add3A_440 : i32 to index
        %get3A_442 = arith.constant 0 : index
        %get3A_443 = tpu.vector_load %arg17[%get3A_441, %get3A_442] {strides = array<i32>} : memref<40x128xf32, #tpu.memory_space<vmem>>, vector<1x16xf32>,
        %get3A_444 = vector.shape_cast %get3A_443 : vector<1x16xf32> to vector<16xf32>
        %add3A_445 = arith.constant 80 : i32
        %add3A_446 = arith.addi %add3A_445, %add3A_440 : i32
        %get3A_447 = arith.index_cast %add3A_446 : i32 to index
        %get3A_448 = arith.constant 0 : index
        %get3A_449 = tpu.vector_load %arg20[%get3A_447, %get3A_448] {strides = array<i32>} : memref<200x128xf32, #tpu.memory_space<vmem>>, vector<1x16xf32>,
        %get3A_450 = vector.shape_cast %get3A_449 : vector<1x16xf32> to vector<16xf32>
        %add3A_451 = arith.addf %get3A_444, %get3A_450 : vector<16xf32>
        %swap3A_452 = arith.index_cast %add3A_440 : i32 to index
        %swap3A_453 = arith.constant 0 : index
        %swap3A_454 = tpu.vector_load %arg12[%swap3A_452, %swap3A_453] {strides = array<i32>} : memref<40x128xf32, #tpu.memory_space<vmem>>, vector<1x16xf32>,
        %swap3A_455 = vector.shape_cast %swap3A_454 : vector<1x16xf32> to vector<16xf32>
        %swap3A_456 = vector.shape_cast %add3A_451 : vector<16xf32> to vector<1x16xf32>
        tpu.vector_store %arg12[%swap3A_452, %swap3A_453], %swap3A_456 {add = true, strides = array<i32>} : memref<40x128xf32, #tpu.memory_space<vmem>>, vector<1x16xf32>,
        %get3A_457 = arith.index_cast %add3A_440 : i32 to index
        %get3A_458 = arith.constant 16 : index
        %get3A_459 = tpu.vector_load %arg17[%get3A_457, %get3A_458] {strides = array<i32>} : memref<40x128xf32, #tpu.memory_space<vmem>>, vector<1x16xf32>,
        %get3A_460 = vector.shape_cast %get3A_459 : vector<1x16xf32> to vector<16xf32>
        %add3A_461 = arith.constant 80 : i32
        %add3A_462 = arith.addi %add3A_461, %add3A_440 : i32
        %get3A_463 = arith.index_cast %add3A_462 : i32 to index
        %get3A_464 = arith.constant 16 : index
        %get3A_465 = tpu.vector_load %arg20[%get3A_463, %get3A_464] {strides = array<i32>} : memref<200x128xf32, #tpu.memory_space<vmem>>, vector<1x16xf32>,
        %get3A_466 = vector.shape_cast %get3A_465 : vector<1x16xf32> to vector<16xf32>
        %add3A_467 = arith.addf %get3A_460, %get3A_466 : vector<16xf32>
        %swap3A_468 = arith.index_cast %add3A_440 : i32 to index
        %swap3A_469 = arith.constant 16 : index
        %swap3A_470 = tpu.vector_load %arg12[%swap3A_468, %swap3A_469] {strides = array<i32>} : memref<40x128xf32, #tpu.memory_space<vmem>>, vector<1x16xf32>,
        %swap3A_471 = vector.shape_cast %swap3A_470 : vector<1x16xf32> to vector<16xf32>
        %swap3A_472 = vector.shape_cast %add3A_467 : vector<16xf32> to vector<1x16xf32>
        tpu.vector_store %arg12[%swap3A_468, %swap3A_469], %swap3A_472 {add = true, strides = array<i32>} : memref<40x128xf32, #tpu.memory_space<vmem>>, vector<1x16xf32>,
        %get3A_473 = arith.index_cast %add3A_440 : i32 to index
        %get3A_474 = arith.constant 32 : index
        %get3A_475 = tpu.vector_load %arg17[%get3A_473, %get3A_474] {strides = array<i32>} : memref<40x128xf32, #tpu.memory_space<vmem>>, vector<1x16xf32>,
        %get3A_476 = vector.shape_cast %get3A_475 : vector<1x16xf32> to vector<16xf32>
        %add3A_477 = arith.constant 80 : i32
        %add3A_478 = arith.addi %add3A_477, %add3A_440 : i32
        %get3A_479 = arith.index_cast %add3A_478 : i32 to index
        %get3A_480 = arith.constant 32 : index
        %get3A_481 = tpu.vector_load %arg20[%get3A_479, %get3A_480] {strides = array<i32>} : memref<200x128xf32, #tpu.memory_space<vmem>>, vector<1x16xf32>,
        %get3A_482 = vector.shape_cast %get3A_481 : vector<1x16xf32> to vector<16xf32>
        %add3A_483 = arith.addf %get3A_476, %get3A_482 : vector<16xf32>
        %swap3A_484 = arith.index_cast %add3A_440 : i32 to index
        %swap3A_485 = arith.constant 32 : index
        %swap3A_486 = tpu.vector_load %arg12[%swap3A_484, %swap3A_485] {strides = array<i32>} : memref<40x128xf32, #tpu.memory_space<vmem>>, vector<1x16xf32>,
        %swap3A_487 = vector.shape_cast %swap3A_486 : vector<1x16xf32> to vector<16xf32>
        %swap3A_488 = vector.shape_cast %add3A_483 : vector<16xf32> to vector<1x16xf32>
        tpu.vector_store %arg12[%swap3A_484, %swap3A_485], %swap3A_488 {add = true, strides = array<i32>} : memref<40x128xf32, #tpu.memory_space<vmem>>, vector<1x16xf32>,
        %get3A_489 = arith.index_cast %add3A_440 : i32 to index
        %get3A_490 = arith.constant 48 : index
        %get3A_491 = tpu.vector_load %arg17[%get3A_489, %get3A_490] {strides = array<i32>} : memref<40x128xf32, #tpu.memory_space<vmem>>, vector<1x16xf32>,
        %get3A_492 = vector.shape_cast %get3A_491 : vector<1x16xf32> to vector<16xf32>
        %add3A_493 = arith.constant 80 : i32
        %add3A_494 = arith.addi %add3A_493, %add3A_440 : i32
        %get3A_495 = arith.index_cast %add3A_494 : i32 to index
        %get3A_496 = arith.constant 48 : index
        %get3A_497 = tpu.vector_load %arg20[%get3A_495, %get3A_496] {strides = array<i32>} : memref<200x128xf32, #tpu.memory_space<vmem>>, vector<1x16xf32>,
        %get3A_498 = vector.shape_cast %get3A_497 : vector<1x16xf32> to vector<16xf32>
        %add3A_499 = arith.addf %get3A_492, %get3A_498 : vector<16xf32>
        %swap3A_500 = arith.index_cast %add3A_440 : i32 to index
        %swap3A_501 = arith.constant 48 : index
        %swap3A_502 = tpu.vector_load %arg12[%swap3A_500, %swap3A_501] {strides = array<i32>} : memref<40x128xf32, #tpu.memory_space<vmem>>, vector<1x16xf32>,
        %swap3A_503 = vector.shape_cast %swap3A_502 : vector<1x16xf32> to vector<16xf32>
        %swap3A_504 = vector.shape_cast %add3A_499 : vector<16xf32> to vector<1x16xf32>
        tpu.vector_store %arg12[%swap3A_500, %swap3A_501], %swap3A_504 {add = true, strides = array<i32>} : memref<40x128xf32, #tpu.memory_space<vmem>>, vector<1x16xf32>,
        %get3A_505 = arith.index_cast %add3A_440 : i32 to index
        %get3A_506 = arith.constant 64 : index
        %get3A_507 = tpu.vector_load %arg17[%get3A_505, %get3A_506] {strides = array<i32>} : memref<40x128xf32, #tpu.memory_space<vmem>>, vector<1x16xf32>,
        %get3A_508 = vector.shape_cast %get3A_507 : vector<1x16xf32> to vector<16xf32>
        %add3A_509 = arith.constant 80 : i32
        %add3A_510 = arith.addi %add3A_509, %add3A_440 : i32
        %get3A_511 = arith.index_cast %add3A_510 : i32 to index
        %get3A_512 = arith.constant 64 : index
        %get3A_513 = tpu.vector_load %arg20[%get3A_511, %get3A_512] {strides = array<i32>} : memref<200x128xf32, #tpu.memory_space<vmem>>, vector<1x16xf32>,
        %get3A_514 = vector.shape_cast %get3A_513 : vector<1x16xf32> to vector<16xf32>
        %add3A_515 = arith.addf %get3A_508, %get3A_514 : vector<16xf32>
        %swap3A_516 = arith.index_cast %add3A_440 : i32 to index
        %swap3A_517 = arith.constant 64 : index
        %swap3A_518 = tpu.vector_load %arg12[%swap3A_516, %swap3A_517] {strides = array<i32>} : memref<40x128xf32, #tpu.memory_space<vmem>>, vector<1x16xf32>,
        %swap3A_519 = vector.shape_cast %swap3A_518 : vector<1x16xf32> to vector<16xf32>
        %swap3A_520 = vector.shape_cast %add3A_515 : vector<16xf32> to vector<1x16xf32>
        tpu.vector_store %arg12[%swap3A_516, %swap3A_517], %swap3A_520 {add = true, strides = array<i32>} : memref<40x128xf32, #tpu.memory_space<vmem>>, vector<1x16xf32>,
        %get3A_521 = arith.index_cast %add3A_440 : i32 to index
        %get3A_522 = arith.constant 80 : index
        %get3A_523 = tpu.vector_load %arg17[%get3A_521, %get3A_522] {strides = array<i32>} : memref<40x128xf32, #tpu.memory_space<vmem>>, vector<1x16xf32>,
        %get3A_524 = vector.shape_cast %get3A_523 : vector<1x16xf32> to vector<16xf32>
        %add3A_525 = arith.constant 80 : i32
        %add3A_526 = arith.addi %add3A_525, %add3A_440 : i32
        %get3A_527 = arith.index_cast %add3A_526 : i32 to index
        %get3A_528 = arith.constant 80 : index
        %get3A_529 = tpu.vector_load %arg20[%get3A_527, %get3A_528] {strides = array<i32>} : memref<200x128xf32, #tpu.memory_space<vmem>>, vector<1x16xf32>,
        %get3A_530 = vector.shape_cast %get3A_529 : vector<1x16xf32> to vector<16xf32>
        %add3A_531 = arith.addf %get3A_524, %get3A_530 : vector<16xf32>
        %swap3A_532 = arith.index_cast %add3A_440 : i32 to index
        %swap3A_533 = arith.constant 80 : index
        %swap3A_534 = tpu.vector_load %arg12[%swap3A_532, %swap3A_533] {strides = array<i32>} : memref<40x128xf32, #tpu.memory_space<vmem>>, vector<1x16xf32>,
        %swap3A_535 = vector.shape_cast %swap3A_534 : vector<1x16xf32> to vector<16xf32>
        %swap3A_536 = vector.shape_cast %add3A_531 : vector<16xf32> to vector<1x16xf32>
        tpu.vector_store %arg12[%swap3A_532, %swap3A_533], %swap3A_536 {add = true, strides = array<i32>} : memref<40x128xf32, #tpu.memory_space<vmem>>, vector<1x16xf32>,
        %get3A_537 = arith.index_cast %add3A_440 : i32 to index
        %get3A_538 = arith.constant 96 : index
        %get3A_539 = tpu.vector_load %arg17[%get3A_537, %get3A_538] {strides = array<i32>} : memref<40x128xf32, #tpu.memory_space<vmem>>, vector<1x16xf32>,
        %get3A_540 = vector.shape_cast %get3A_539 : vector<1x16xf32> to vector<16xf32>
        %add3A_541 = arith.constant 80 : i32
        %add3A_542 = arith.addi %add3A_541, %add3A_440 : i32
        %get3A_543 = arith.index_cast %add3A_542 : i32 to index
        %get3A_544 = arith.constant 96 : index
        %get3A_545 = tpu.vector_load %arg20[%get3A_543, %get3A_544] {strides = array<i32>} : memref<200x128xf32, #tpu.memory_space<vmem>>, vector<1x16xf32>,
        %get3A_546 = vector.shape_cast %get3A_545 : vector<1x16xf32> to vector<16xf32>
        %add3A_547 = arith.addf %get3A_540, %get3A_546 : vector<16xf32>
        %swap3A_548 = arith.index_cast %add3A_440 : i32 to index
        %swap3A_549 = arith.constant 96 : index
        %swap3A_550 = tpu.vector_load %arg12[%swap3A_548, %swap3A_549] {strides = array<i32>} : memref<40x128xf32, #tpu.memory_space<vmem>>, vector<1x16xf32>,
        %swap3A_551 = vector.shape_cast %swap3A_550 : vector<1x16xf32> to vector<16xf32>
        %swap3A_552 = vector.shape_cast %add3A_547 : vector<16xf32> to vector<1x16xf32>
        tpu.vector_store %arg12[%swap3A_548, %swap3A_549], %swap3A_552 {add = true, strides = array<i32>} : memref<40x128xf32, #tpu.memory_space<vmem>>, vector<1x16xf32>,
        %get3A_553 = arith.index_cast %add3A_440 : i32 to index
        %get3A_554 = arith.constant 112 : index
        %get3A_555 = tpu.vector_load %arg17[%get3A_553, %get3A_554] {strides = array<i32>} : memref<40x128xf32, #tpu.memory_space<vmem>>, vector<1x16xf32>,
        %get3A_556 = vector.shape_cast %get3A_555 : vector<1x16xf32> to vector<16xf32>
        %add3A_557 = arith.constant 80 : i32
        %add3A_558 = arith.addi %add3A_557, %add3A_440 : i32
        %get3A_559 = arith.index_cast %add3A_558 : i32 to index
        %get3A_560 = arith.constant 112 : index
        %get3A_561 = tpu.vector_load %arg20[%get3A_559, %get3A_560] {strides = array<i32>} : memref<200x128xf32, #tpu.memory_space<vmem>>, vector<1x16xf32>,
        %get3A_562 = vector.shape_cast %get3A_561 : vector<1x16xf32> to vector<16xf32>
        %add3A_563 = arith.addf %get3A_556, %get3A_562 : vector<16xf32>
        %swap3A_564 = arith.index_cast %add3A_440 : i32 to index
        %swap3A_565 = arith.constant 112 : index
        %swap3A_566 = tpu.vector_load %arg12[%swap3A_564, %swap3A_565] {strides = array<i32>} : memref<40x128xf32, #tpu.memory_space<vmem>>, vector<1x16xf32>,
        %swap3A_567 = vector.shape_cast %swap3A_566 : vector<1x16xf32> to vector<16xf32>
        %swap3A_568 = vector.shape_cast %add3A_563 : vector<16xf32> to vector<1x16xf32>
        tpu.vector_store %arg12[%swap3A_564, %swap3A_565], %swap3A_568 {add = true, strides = array<i32>} : memref<40x128xf32, #tpu.memory_space<vmem>>, vector<1x16xf32>,
      }
      %scan3A_225 = arith.constant 40 : i32
      %add3A_226 = arith.addi %mul3A_2, %add3A_84 : i32
      %dma_start3A_227 = arith.constant 80 : i32
      %dma_start3A_228 = arith.constant 0 : i32
      %dma_start3A_229 = tpu.memref_slice %arg7[%add3A_226, %dma_start3A_227, %dma_start3A_228] : memref<1024x200x128xf32, #tpu.memory_space<hbm>> -> memref<1x40x128xf32, #tpu.memory_space<hbm>>
      %dma_start3A_230 = tpu.memref_squeeze %dma_start3A_229 : memref<1x40x128xf32, #tpu.memory_space<hbm>> -> memref<40x128xf32, #tpu.memory_space<hbm>>
      %dma_start3A_231 = arith.constant 80 : i32
      %dma_start3A_232 = arith.constant 0 : i32
      %dma_start3A_233 = tpu.memref_slice %arg7[%add3A_226, %dma_start3A_231, %dma_start3A_232] : memref<1024x200x128xf32, #tpu.memory_space<hbm>> -> memref<1x40x128xf32, #tpu.memory_space<hbm>>
      %dma_start3A_234 = tpu.memref_squeeze %dma_start3A_233 : memref<1x40x128xf32, #tpu.memory_space<hbm>> -> memref<40x128xf32, #tpu.memory_space<hbm>>
      tpu.enqueue_dma source(%arg12 : memref<40x128xf32, #tpu.memory_space<vmem>>) target(%dma_start3A_234 : memref<40x128xf32, #tpu.memory_space<hbm>>) target_semaphore(%arg28 : memref<!tpu.dma_semaphore, #tpu.memory_space<semaphore_mem>>)
      %add3A_235 = arith.constant 1 : i32
      %add3A_236 = arith.addi %add3A_84, %add3A_235 : i32
      %lt3A = arith.constant 31 : i32
      %lt3A_237 = arith.cmpi slt, %add3A_84, %lt3A : i32
      %convert_element_type3A_238 = arith.extui %lt3A_237 : i1 to i32
      %cond3A_239 = arith.constant 0 : i32
      %cond3A_240 = arith.cmpi ne, %convert_element_type3A_238, %cond3A_239 : i32
      scf.if %cond3A_240 {
        %dma_wait3A_304 = arith.constant 0 : i32
        %dma_wait3A_305 = arith.constant 0 : i32
        %dma_wait3A_306 = arith.constant 0 : i32
        %dma_wait3A_307 = tpu.memref_slice %arg7[%dma_wait3A_304, %dma_wait3A_305, %dma_wait3A_306] : memref<1024x200x128xf32, #tpu.memory_space<hbm>> -> memref<1x40x128xf32, #tpu.memory_space<hbm>>
        %dma_wait3A_308 = tpu.memref_squeeze %dma_wait3A_307 : memref<1x40x128xf32, #tpu.memory_space<hbm>> -> memref<40x128xf32, #tpu.memory_space<hbm>>
        %dma_wait3A_309 = arith.constant 0 : i32
        %dma_wait3A_310 = arith.constant 0 : i32
        %dma_wait3A_311 = tpu.memref_slice %arg7[%dma_wait3A_304, %dma_wait3A_309, %dma_wait3A_310] : memref<1024x200x128xf32, #tpu.memory_space<hbm>> -> memref<1x40x128xf32, #tpu.memory_space<hbm>>
        %dma_wait3A_312 = tpu.memref_squeeze %dma_wait3A_311 : memref<1x40x128xf32, #tpu.memory_space<hbm>> -> memref<40x128xf32, #tpu.memory_space<hbm>>
        tpu.wait_dma2 semaphore(%arg26 : memref<!tpu.dma_semaphore, #tpu.memory_space<semaphore_mem>>) src(%arg10 : memref<40x128xf32, #tpu.memory_space<vmem>>) dst(%dma_wait3A_312 : memref<40x128xf32, #tpu.memory_space<hbm>>)
        %mul3A_313 = arith.constant 5 : i32
        %mul3A_314 = arith.muli %add3A_236, %mul3A_313 : i32
        %add3A_315 = arith.constant 0 : i32
        %add3A_316 = arith.addi %mul3A_314, %add3A_315 : i32
        %dma_start3A_317 = arith.constant 0 : i32
        %dma_start3A_318 = tpu.memref_slice %arg8[%add3A_316, %dma_start3A_317] : memref<160x40xi32, #tpu.memory_space<vmem>> -> memref<1x40xi32, #tpu.memory_space<vmem>>
        %dma_start3A_319 = tpu.memref_squeeze %dma_start3A_318 : memref<1x40xi32, #tpu.memory_space<vmem>> -> memref<40xi32, #tpu.memory_space<vmem>>
        %dma_start3A_320 = arith.constant 0 : i32
        %dma_start3A_321 = arith.constant 0 : i32
        %dma_start3A_322 = tpu.memref_slice %arg4[%dma_start3A_320, %dma_start3A_321] : memref<100000x128xf32, #tpu.memory_space<hbm>> -> memref<100000x128xf32, #tpu.memory_space<hbm>>
        tpu.enqueue_indirect_dma source(%dma_start3A_322 : memref<100000x128xf32, #tpu.memory_space<hbm>>) target(%arg10 : memref<40x128xf32, #tpu.memory_space<vmem>>) offsets(%dma_start3A_319 : memref<40xi32, #tpu.memory_space<vmem>>) semaphore(%arg21 : memref<!tpu.dma_semaphore, #tpu.memory_space<semaphore_mem>>)
        %dma_start3A_323 = arith.constant 0 : i32
        %dma_start3A_324 = tpu.memref_slice %arg9[%add3A_316, %dma_start3A_323] : memref<160x40xi32, #tpu.memory_space<vmem>> -> memref<1x40xi32, #tpu.memory_space<vmem>>
        %dma_start3A_325 = tpu.memref_squeeze %dma_start3A_324 : memref<1x40xi32, #tpu.memory_space<vmem>> -> memref<40xi32, #tpu.memory_space<vmem>>
        %dma_start3A_326 = arith.constant 0 : i32
        %dma_start3A_327 = arith.constant 0 : i32
        %dma_start3A_328 = tpu.memref_slice %arg6[%dma_start3A_326, %dma_start3A_327] : memref<1000x128xf32, #tpu.memory_space<hbm>> -> memref<1000x128xf32, #tpu.memory_space<hbm>>
        tpu.enqueue_indirect_dma source(%dma_start3A_328 : memref<1000x128xf32, #tpu.memory_space<hbm>>) target(%arg15 : memref<40x128xf32, #tpu.memory_space<vmem>>) offsets(%dma_start3A_325 : memref<40xi32, #tpu.memory_space<vmem>>) semaphore(%arg21 : memref<!tpu.dma_semaphore, #tpu.memory_space<semaphore_mem>>)
      } else {
      }
      %dma_wait3A_241 = arith.constant 0 : i32
      %dma_wait3A_242 = arith.constant 0 : i32
      %dma_wait3A_243 = tpu.memref_slice %arg8[%dma_wait3A_241, %dma_wait3A_242] : memref<160x40xi32, #tpu.memory_space<vmem>> -> memref<1x40xi32, #tpu.memory_space<vmem>>
      %dma_wait3A_244 = tpu.memref_squeeze %dma_wait3A_243 : memref<1x40xi32, #tpu.memory_space<vmem>> -> memref<40xi32, #tpu.memory_space<vmem>>
      %dma_wait3A_245 = arith.constant 0 : i32
      %dma_wait3A_246 = arith.constant 0 : i32
      %dma_wait3A_247 = tpu.memref_slice %arg4[%dma_wait3A_245, %dma_wait3A_246] : memref<100000x128xf32, #tpu.memory_space<hbm>> -> memref<100000x128xf32, #tpu.memory_space<hbm>>
      tpu.wait_indirect_dma semaphore(%arg24 : memref<!tpu.dma_semaphore, #tpu.memory_space<semaphore_mem>>) src(%dma_wait3A_247 : memref<100000x128xf32, #tpu.memory_space<hbm>>) dst(%arg13 : memref<40x128xf32, #tpu.memory_space<vmem>>)
      %dma_wait3A_248 = arith.constant 0 : i32
      %dma_wait3A_249 = arith.constant 0 : i32
      %dma_wait3A_250 = tpu.memref_slice %arg9[%dma_wait3A_248, %dma_wait3A_249] : memref<160x40xi32, #tpu.memory_space<vmem>> -> memref<1x40xi32, #tpu.memory_space<vmem>>
      %dma_wait3A_251 = tpu.memref_squeeze %dma_wait3A_250 : memref<1x40xi32, #tpu.memory_space<vmem>> -> memref<40xi32, #tpu.memory_space<vmem>>
      %dma_wait3A_252 = arith.constant 0 : i32
      %dma_wait3A_253 = arith.constant 0 : i32
      %dma_wait3A_254 = tpu.memref_slice %arg6[%dma_wait3A_252, %dma_wait3A_253] : memref<1000x128xf32, #tpu.memory_space<hbm>> -> memref<1000x128xf32, #tpu.memory_space<hbm>>
      tpu.wait_indirect_dma semaphore(%arg24 : memref<!tpu.dma_semaphore, #tpu.memory_space<semaphore_mem>>) src(%dma_wait3A_254 : memref<1000x128xf32, #tpu.memory_space<hbm>>) dst(%arg18 : memref<40x128xf32, #tpu.memory_space<vmem>>)
      %scan3A_255 = arith.constant 0 : i32
      %scan3A_256 = arith.constant 40 : i32
      %scan3A_257 = arith.addi %scan3A_255, %scan3A_256 : i32
      %scan3A_258 = arith.constant 2 : i32
      scf.for %scan3A_304 = %scan3A_255 to %scan3A_257 step %scan3A_258  : i32 {
        %mul3A_305 = arith.constant 1 : i32
        %mul3A_306 = arith.muli %scan3A_304, %mul3A_305 : i32
        %add3A_307 = arith.constant 0 : i32
        %add3A_308 = arith.addi %add3A_307, %mul3A_306 : i32
        %get3A = arith.index_cast %add3A_308 : i32 to index
        %get3A_309 = arith.constant 0 : index
        %get3A_310 = tpu.vector_load %arg18[%get3A, %get3A_309] {strides = array<i32>} : memref<40x128xf32, #tpu.memory_space<vmem>>, vector<1x16xf32>,
        %get3A_311 = vector.shape_cast %get3A_310 : vector<1x16xf32> to vector<16xf32>
        %add3A_312 = arith.constant 120 : i32
        %add3A_313 = arith.addi %add3A_312, %add3A_308 : i32
        %get3A_314 = arith.index_cast %add3A_313 : i32 to index
        %get3A_315 = arith.constant 0 : index
        %get3A_316 = tpu.vector_load %arg20[%get3A_314, %get3A_315] {strides = array<i32>} : memref<200x128xf32, #tpu.memory_space<vmem>>, vector<1x16xf32>,
        %get3A_317 = vector.shape_cast %get3A_316 : vector<1x16xf32> to vector<16xf32>
        %add3A_318 = arith.addf %get3A_311, %get3A_317 : vector<16xf32>
        %swap3A = arith.index_cast %add3A_308 : i32 to index
        %swap3A_319 = arith.constant 0 : index
        %swap3A_320 = tpu.vector_load %arg13[%swap3A, %swap3A_319] {strides = array<i32>} : memref<40x128xf32, #tpu.memory_space<vmem>>, vector<1x16xf32>,
        %swap3A_321 = vector.shape_cast %swap3A_320 : vector<1x16xf32> to vector<16xf32>
        %swap3A_322 = vector.shape_cast %add3A_318 : vector<16xf32> to vector<1x16xf32>
        tpu.vector_store %arg13[%swap3A, %swap3A_319], %swap3A_322 {add = true, strides = array<i32>} : memref<40x128xf32, #tpu.memory_space<vmem>>, vector<1x16xf32>,
        %get3A_323 = arith.index_cast %add3A_308 : i32 to index
        %get3A_324 = arith.constant 16 : index
        %get3A_325 = tpu.vector_load %arg18[%get3A_323, %get3A_324] {strides = array<i32>} : memref<40x128xf32, #tpu.memory_space<vmem>>, vector<1x16xf32>,
        %get3A_326 = vector.shape_cast %get3A_325 : vector<1x16xf32> to vector<16xf32>
        %add3A_327 = arith.constant 120 : i32
        %add3A_328 = arith.addi %add3A_327, %add3A_308 : i32
        %get3A_329 = arith.index_cast %add3A_328 : i32 to index
        %get3A_330 = arith.constant 16 : index
        %get3A_331 = tpu.vector_load %arg20[%get3A_329, %get3A_330] {strides = array<i32>} : memref<200x128xf32, #tpu.memory_space<vmem>>, vector<1x16xf32>,
        %get3A_332 = vector.shape_cast %get3A_331 : vector<1x16xf32> to vector<16xf32>
        %add3A_333 = arith.addf %get3A_326, %get3A_332 : vector<16xf32>
        %swap3A_334 = arith.index_cast %add3A_308 : i32 to index
        %swap3A_335 = arith.constant 16 : index
        %swap3A_336 = tpu.vector_load %arg13[%swap3A_334, %swap3A_335] {strides = array<i32>} : memref<40x128xf32, #tpu.memory_space<vmem>>, vector<1x16xf32>,
        %swap3A_337 = vector.shape_cast %swap3A_336 : vector<1x16xf32> to vector<16xf32>
        %swap3A_338 = vector.shape_cast %add3A_333 : vector<16xf32> to vector<1x16xf32>
        tpu.vector_store %arg13[%swap3A_334, %swap3A_335], %swap3A_338 {add = true, strides = array<i32>} : memref<40x128xf32, #tpu.memory_space<vmem>>, vector<1x16xf32>,
        %get3A_339 = arith.index_cast %add3A_308 : i32 to index
        %get3A_340 = arith.constant 32 : index
        %get3A_341 = tpu.vector_load %arg18[%get3A_339, %get3A_340] {strides = array<i32>} : memref<40x128xf32, #tpu.memory_space<vmem>>, vector<1x16xf32>,
        %get3A_342 = vector.shape_cast %get3A_341 : vector<1x16xf32> to vector<16xf32>
        %add3A_343 = arith.constant 120 : i32
        %add3A_344 = arith.addi %add3A_343, %add3A_308 : i32
        %get3A_345 = arith.index_cast %add3A_344 : i32 to index
        %get3A_346 = arith.constant 32 : index
        %get3A_347 = tpu.vector_load %arg20[%get3A_345, %get3A_346] {strides = array<i32>} : memref<200x128xf32, #tpu.memory_space<vmem>>, vector<1x16xf32>,
        %get3A_348 = vector.shape_cast %get3A_347 : vector<1x16xf32> to vector<16xf32>
        %add3A_349 = arith.addf %get3A_342, %get3A_348 : vector<16xf32>
        %swap3A_350 = arith.index_cast %add3A_308 : i32 to index
        %swap3A_351 = arith.constant 32 : index
        %swap3A_352 = tpu.vector_load %arg13[%swap3A_350, %swap3A_351] {strides = array<i32>} : memref<40x128xf32, #tpu.memory_space<vmem>>, vector<1x16xf32>,
        %swap3A_353 = vector.shape_cast %swap3A_352 : vector<1x16xf32> to vector<16xf32>
        %swap3A_354 = vector.shape_cast %add3A_349 : vector<16xf32> to vector<1x16xf32>
        tpu.vector_store %arg13[%swap3A_350, %swap3A_351], %swap3A_354 {add = true, strides = array<i32>} : memref<40x128xf32, #tpu.memory_space<vmem>>, vector<1x16xf32>,
        %get3A_355 = arith.index_cast %add3A_308 : i32 to index
        %get3A_356 = arith.constant 48 : index
        %get3A_357 = tpu.vector_load %arg18[%get3A_355, %get3A_356] {strides = array<i32>} : memref<40x128xf32, #tpu.memory_space<vmem>>, vector<1x16xf32>,
        %get3A_358 = vector.shape_cast %get3A_357 : vector<1x16xf32> to vector<16xf32>
        %add3A_359 = arith.constant 120 : i32
        %add3A_360 = arith.addi %add3A_359, %add3A_308 : i32
        %get3A_361 = arith.index_cast %add3A_360 : i32 to index
        %get3A_362 = arith.constant 48 : index
        %get3A_363 = tpu.vector_load %arg20[%get3A_361, %get3A_362] {strides = array<i32>} : memref<200x128xf32, #tpu.memory_space<vmem>>, vector<1x16xf32>,
        %get3A_364 = vector.shape_cast %get3A_363 : vector<1x16xf32> to vector<16xf32>
        %add3A_365 = arith.addf %get3A_358, %get3A_364 : vector<16xf32>
        %swap3A_366 = arith.index_cast %add3A_308 : i32 to index
        %swap3A_367 = arith.constant 48 : index
        %swap3A_368 = tpu.vector_load %arg13[%swap3A_366, %swap3A_367] {strides = array<i32>} : memref<40x128xf32, #tpu.memory_space<vmem>>, vector<1x16xf32>,
        %swap3A_369 = vector.shape_cast %swap3A_368 : vector<1x16xf32> to vector<16xf32>
        %swap3A_370 = vector.shape_cast %add3A_365 : vector<16xf32> to vector<1x16xf32>
        tpu.vector_store %arg13[%swap3A_366, %swap3A_367], %swap3A_370 {add = true, strides = array<i32>} : memref<40x128xf32, #tpu.memory_space<vmem>>, vector<1x16xf32>,
        %get3A_371 = arith.index_cast %add3A_308 : i32 to index
        %get3A_372 = arith.constant 64 : index
        %get3A_373 = tpu.vector_load %arg18[%get3A_371, %get3A_372] {strides = array<i32>} : memref<40x128xf32, #tpu.memory_space<vmem>>, vector<1x16xf32>,
        %get3A_374 = vector.shape_cast %get3A_373 : vector<1x16xf32> to vector<16xf32>
        %add3A_375 = arith.constant 120 : i32
        %add3A_376 = arith.addi %add3A_375, %add3A_308 : i32
        %get3A_377 = arith.index_cast %add3A_376 : i32 to index
        %get3A_378 = arith.constant 64 : index
        %get3A_379 = tpu.vector_load %arg20[%get3A_377, %get3A_378] {strides = array<i32>} : memref<200x128xf32, #tpu.memory_space<vmem>>, vector<1x16xf32>,
        %get3A_380 = vector.shape_cast %get3A_379 : vector<1x16xf32> to vector<16xf32>
        %add3A_381 = arith.addf %get3A_374, %get3A_380 : vector<16xf32>
        %swap3A_382 = arith.index_cast %add3A_308 : i32 to index
        %swap3A_383 = arith.constant 64 : index
        %swap3A_384 = tpu.vector_load %arg13[%swap3A_382, %swap3A_383] {strides = array<i32>} : memref<40x128xf32, #tpu.memory_space<vmem>>, vector<1x16xf32>,
        %swap3A_385 = vector.shape_cast %swap3A_384 : vector<1x16xf32> to vector<16xf32>
        %swap3A_386 = vector.shape_cast %add3A_381 : vector<16xf32> to vector<1x16xf32>
        tpu.vector_store %arg13[%swap3A_382, %swap3A_383], %swap3A_386 {add = true, strides = array<i32>} : memref<40x128xf32, #tpu.memory_space<vmem>>, vector<1x16xf32>,
        %get3A_387 = arith.index_cast %add3A_308 : i32 to index
        %get3A_388 = arith.constant 80 : index
        %get3A_389 = tpu.vector_load %arg18[%get3A_387, %get3A_388] {strides = array<i32>} : memref<40x128xf32, #tpu.memory_space<vmem>>, vector<1x16xf32>,
        %get3A_390 = vector.shape_cast %get3A_389 : vector<1x16xf32> to vector<16xf32>
        %add3A_391 = arith.constant 120 : i32
        %add3A_392 = arith.addi %add3A_391, %add3A_308 : i32
        %get3A_393 = arith.index_cast %add3A_392 : i32 to index
        %get3A_394 = arith.constant 80 : index
        %get3A_395 = tpu.vector_load %arg20[%get3A_393, %get3A_394] {strides = array<i32>} : memref<200x128xf32, #tpu.memory_space<vmem>>, vector<1x16xf32>,
        %get3A_396 = vector.shape_cast %get3A_395 : vector<1x16xf32> to vector<16xf32>
        %add3A_397 = arith.addf %get3A_390, %get3A_396 : vector<16xf32>
        %swap3A_398 = arith.index_cast %add3A_308 : i32 to index
        %swap3A_399 = arith.constant 80 : index
        %swap3A_400 = tpu.vector_load %arg13[%swap3A_398, %swap3A_399] {strides = array<i32>} : memref<40x128xf32, #tpu.memory_space<vmem>>, vector<1x16xf32>,
        %swap3A_401 = vector.shape_cast %swap3A_400 : vector<1x16xf32> to vector<16xf32>
        %swap3A_402 = vector.shape_cast %add3A_397 : vector<16xf32> to vector<1x16xf32>
        tpu.vector_store %arg13[%swap3A_398, %swap3A_399], %swap3A_402 {add = true, strides = array<i32>} : memref<40x128xf32, #tpu.memory_space<vmem>>, vector<1x16xf32>,
        %get3A_403 = arith.index_cast %add3A_308 : i32 to index
        %get3A_404 = arith.constant 96 : index
        %get3A_405 = tpu.vector_load %arg18[%get3A_403, %get3A_404] {strides = array<i32>} : memref<40x128xf32, #tpu.memory_space<vmem>>, vector<1x16xf32>,
        %get3A_406 = vector.shape_cast %get3A_405 : vector<1x16xf32> to vector<16xf32>
        %add3A_407 = arith.constant 120 : i32
        %add3A_408 = arith.addi %add3A_407, %add3A_308 : i32
        %get3A_409 = arith.index_cast %add3A_408 : i32 to index
        %get3A_410 = arith.constant 96 : index
        %get3A_411 = tpu.vector_load %arg20[%get3A_409, %get3A_410] {strides = array<i32>} : memref<200x128xf32, #tpu.memory_space<vmem>>, vector<1x16xf32>,
        %get3A_412 = vector.shape_cast %get3A_411 : vector<1x16xf32> to vector<16xf32>
        %add3A_413 = arith.addf %get3A_406, %get3A_412 : vector<16xf32>
        %swap3A_414 = arith.index_cast %add3A_308 : i32 to index
        %swap3A_415 = arith.constant 96 : index
        %swap3A_416 = tpu.vector_load %arg13[%swap3A_414, %swap3A_415] {strides = array<i32>} : memref<40x128xf32, #tpu.memory_space<vmem>>, vector<1x16xf32>,
        %swap3A_417 = vector.shape_cast %swap3A_416 : vector<1x16xf32> to vector<16xf32>
        %swap3A_418 = vector.shape_cast %add3A_413 : vector<16xf32> to vector<1x16xf32>
        tpu.vector_store %arg13[%swap3A_414, %swap3A_415], %swap3A_418 {add = true, strides = array<i32>} : memref<40x128xf32, #tpu.memory_space<vmem>>, vector<1x16xf32>,
        %get3A_419 = arith.index_cast %add3A_308 : i32 to index
        %get3A_420 = arith.constant 112 : index
        %get3A_421 = tpu.vector_load %arg18[%get3A_419, %get3A_420] {strides = array<i32>} : memref<40x128xf32, #tpu.memory_space<vmem>>, vector<1x16xf32>,
        %get3A_422 = vector.shape_cast %get3A_421 : vector<1x16xf32> to vector<16xf32>
        %add3A_423 = arith.constant 120 : i32
        %add3A_424 = arith.addi %add3A_423, %add3A_308 : i32
        %get3A_425 = arith.index_cast %add3A_424 : i32 to index
        %get3A_426 = arith.constant 112 : index
        %get3A_427 = tpu.vector_load %arg20[%get3A_425, %get3A_426] {strides = array<i32>} : memref<200x128xf32, #tpu.memory_space<vmem>>, vector<1x16xf32>,
        %get3A_428 = vector.shape_cast %get3A_427 : vector<1x16xf32> to vector<16xf32>
        %add3A_429 = arith.addf %get3A_422, %get3A_428 : vector<16xf32>
        %swap3A_430 = arith.index_cast %add3A_308 : i32 to index
        %swap3A_431 = arith.constant 112 : index
        %swap3A_432 = tpu.vector_load %arg13[%swap3A_430, %swap3A_431] {strides = array<i32>} : memref<40x128xf32, #tpu.memory_space<vmem>>, vector<1x16xf32>,
        %swap3A_433 = vector.shape_cast %swap3A_432 : vector<1x16xf32> to vector<16xf32>
        %swap3A_434 = vector.shape_cast %add3A_429 : vector<16xf32> to vector<1x16xf32>
        tpu.vector_store %arg13[%swap3A_430, %swap3A_431], %swap3A_434 {add = true, strides = array<i32>} : memref<40x128xf32, #tpu.memory_space<vmem>>, vector<1x16xf32>,
        %scan3A_435 = arith.constant 1 : i32
        %scan3A_436 = arith.addi %scan3A_304, %scan3A_435 : i32
        %mul3A_437 = arith.constant 1 : i32
        %mul3A_438 = arith.muli %scan3A_436, %mul3A_437 : i32
        %add3A_439 = arith.constant 0 : i32
        %add3A_440 = arith.addi %add3A_439, %mul3A_438 : i32
        %get3A_441 = arith.index_cast %add3A_440 : i32 to index
        %get3A_442 = arith.constant 0 : index
        %get3A_443 = tpu.vector_load %arg18[%get3A_441, %get3A_442] {strides = array<i32>} : memref<40x128xf32, #tpu.memory_space<vmem>>, vector<1x16xf32>,
        %get3A_444 = vector.shape_cast %get3A_443 : vector<1x16xf32> to vector<16xf32>
        %add3A_445 = arith.constant 120 : i32
        %add3A_446 = arith.addi %add3A_445, %add3A_440 : i32
        %get3A_447 = arith.index_cast %add3A_446 : i32 to index
        %get3A_448 = arith.constant 0 : index
        %get3A_449 = tpu.vector_load %arg20[%get3A_447, %get3A_448] {strides = array<i32>} : memref<200x128xf32, #tpu.memory_space<vmem>>, vector<1x16xf32>,
        %get3A_450 = vector.shape_cast %get3A_449 : vector<1x16xf32> to vector<16xf32>
        %add3A_451 = arith.addf %get3A_444, %get3A_450 : vector<16xf32>
        %swap3A_452 = arith.index_cast %add3A_440 : i32 to index
        %swap3A_453 = arith.constant 0 : index
        %swap3A_454 = tpu.vector_load %arg13[%swap3A_452, %swap3A_453] {strides = array<i32>} : memref<40x128xf32, #tpu.memory_space<vmem>>, vector<1x16xf32>,
        %swap3A_455 = vector.shape_cast %swap3A_454 : vector<1x16xf32> to vector<16xf32>
        %swap3A_456 = vector.shape_cast %add3A_451 : vector<16xf32> to vector<1x16xf32>
        tpu.vector_store %arg13[%swap3A_452, %swap3A_453], %swap3A_456 {add = true, strides = array<i32>} : memref<40x128xf32, #tpu.memory_space<vmem>>, vector<1x16xf32>,
        %get3A_457 = arith.index_cast %add3A_440 : i32 to index
        %get3A_458 = arith.constant 16 : index
        %get3A_459 = tpu.vector_load %arg18[%get3A_457, %get3A_458] {strides = array<i32>} : memref<40x128xf32, #tpu.memory_space<vmem>>, vector<1x16xf32>,
        %get3A_460 = vector.shape_cast %get3A_459 : vector<1x16xf32> to vector<16xf32>
        %add3A_461 = arith.constant 120 : i32
        %add3A_462 = arith.addi %add3A_461, %add3A_440 : i32
        %get3A_463 = arith.index_cast %add3A_462 : i32 to index
        %get3A_464 = arith.constant 16 : index
        %get3A_465 = tpu.vector_load %arg20[%get3A_463, %get3A_464] {strides = array<i32>} : memref<200x128xf32, #tpu.memory_space<vmem>>, vector<1x16xf32>,
        %get3A_466 = vector.shape_cast %get3A_465 : vector<1x16xf32> to vector<16xf32>
        %add3A_467 = arith.addf %get3A_460, %get3A_466 : vector<16xf32>
        %swap3A_468 = arith.index_cast %add3A_440 : i32 to index
        %swap3A_469 = arith.constant 16 : index
        %swap3A_470 = tpu.vector_load %arg13[%swap3A_468, %swap3A_469] {strides = array<i32>} : memref<40x128xf32, #tpu.memory_space<vmem>>, vector<1x16xf32>,
        %swap3A_471 = vector.shape_cast %swap3A_470 : vector<1x16xf32> to vector<16xf32>
        %swap3A_472 = vector.shape_cast %add3A_467 : vector<16xf32> to vector<1x16xf32>
        tpu.vector_store %arg13[%swap3A_468, %swap3A_469], %swap3A_472 {add = true, strides = array<i32>} : memref<40x128xf32, #tpu.memory_space<vmem>>, vector<1x16xf32>,
        %get3A_473 = arith.index_cast %add3A_440 : i32 to index
        %get3A_474 = arith.constant 32 : index
        %get3A_475 = tpu.vector_load %arg18[%get3A_473, %get3A_474] {strides = array<i32>} : memref<40x128xf32, #tpu.memory_space<vmem>>, vector<1x16xf32>,
        %get3A_476 = vector.shape_cast %get3A_475 : vector<1x16xf32> to vector<16xf32>
        %add3A_477 = arith.constant 120 : i32
        %add3A_478 = arith.addi %add3A_477, %add3A_440 : i32
        %get3A_479 = arith.index_cast %add3A_478 : i32 to index
        %get3A_480 = arith.constant 32 : index
        %get3A_481 = tpu.vector_load %arg20[%get3A_479, %get3A_480] {strides = array<i32>} : memref<200x128xf32, #tpu.memory_space<vmem>>, vector<1x16xf32>,
        %get3A_482 = vector.shape_cast %get3A_481 : vector<1x16xf32> to vector<16xf32>
        %add3A_483 = arith.addf %get3A_476, %get3A_482 : vector<16xf32>
        %swap3A_484 = arith.index_cast %add3A_440 : i32 to index
        %swap3A_485 = arith.constant 32 : index
        %swap3A_486 = tpu.vector_load %arg13[%swap3A_484, %swap3A_485] {strides = array<i32>} : memref<40x128xf32, #tpu.memory_space<vmem>>, vector<1x16xf32>,
        %swap3A_487 = vector.shape_cast %swap3A_486 : vector<1x16xf32> to vector<16xf32>
        %swap3A_488 = vector.shape_cast %add3A_483 : vector<16xf32> to vector<1x16xf32>
        tpu.vector_store %arg13[%swap3A_484, %swap3A_485], %swap3A_488 {add = true, strides = array<i32>} : memref<40x128xf32, #tpu.memory_space<vmem>>, vector<1x16xf32>,
        %get3A_489 = arith.index_cast %add3A_440 : i32 to index
        %get3A_490 = arith.constant 48 : index
        %get3A_491 = tpu.vector_load %arg18[%get3A_489, %get3A_490] {strides = array<i32>} : memref<40x128xf32, #tpu.memory_space<vmem>>, vector<1x16xf32>,
        %get3A_492 = vector.shape_cast %get3A_491 : vector<1x16xf32> to vector<16xf32>
        %add3A_493 = arith.constant 120 : i32
        %add3A_494 = arith.addi %add3A_493, %add3A_440 : i32
        %get3A_495 = arith.index_cast %add3A_494 : i32 to index
        %get3A_496 = arith.constant 48 : index
        %get3A_497 = tpu.vector_load %arg20[%get3A_495, %get3A_496] {strides = array<i32>} : memref<200x128xf32, #tpu.memory_space<vmem>>, vector<1x16xf32>,
        %get3A_498 = vector.shape_cast %get3A_497 : vector<1x16xf32> to vector<16xf32>
        %add3A_499 = arith.addf %get3A_492, %get3A_498 : vector<16xf32>
        %swap3A_500 = arith.index_cast %add3A_440 : i32 to index
        %swap3A_501 = arith.constant 48 : index
        %swap3A_502 = tpu.vector_load %arg13[%swap3A_500, %swap3A_501] {strides = array<i32>} : memref<40x128xf32, #tpu.memory_space<vmem>>, vector<1x16xf32>,
        %swap3A_503 = vector.shape_cast %swap3A_502 : vector<1x16xf32> to vector<16xf32>
        %swap3A_504 = vector.shape_cast %add3A_499 : vector<16xf32> to vector<1x16xf32>
        tpu.vector_store %arg13[%swap3A_500, %swap3A_501], %swap3A_504 {add = true, strides = array<i32>} : memref<40x128xf32, #tpu.memory_space<vmem>>, vector<1x16xf32>,
        %get3A_505 = arith.index_cast %add3A_440 : i32 to index
        %get3A_506 = arith.constant 64 : index
        %get3A_507 = tpu.vector_load %arg18[%get3A_505, %get3A_506] {strides = array<i32>} : memref<40x128xf32, #tpu.memory_space<vmem>>, vector<1x16xf32>,
        %get3A_508 = vector.shape_cast %get3A_507 : vector<1x16xf32> to vector<16xf32>
        %add3A_509 = arith.constant 120 : i32
        %add3A_510 = arith.addi %add3A_509, %add3A_440 : i32
        %get3A_511 = arith.index_cast %add3A_510 : i32 to index
        %get3A_512 = arith.constant 64 : index
        %get3A_513 = tpu.vector_load %arg20[%get3A_511, %get3A_512] {strides = array<i32>} : memref<200x128xf32, #tpu.memory_space<vmem>>, vector<1x16xf32>,
        %get3A_514 = vector.shape_cast %get3A_513 : vector<1x16xf32> to vector<16xf32>
        %add3A_515 = arith.addf %get3A_508, %get3A_514 : vector<16xf32>
        %swap3A_516 = arith.index_cast %add3A_440 : i32 to index
        %swap3A_517 = arith.constant 64 : index
        %swap3A_518 = tpu.vector_load %arg13[%swap3A_516, %swap3A_517] {strides = array<i32>} : memref<40x128xf32, #tpu.memory_space<vmem>>, vector<1x16xf32>,
        %swap3A_519 = vector.shape_cast %swap3A_518 : vector<1x16xf32> to vector<16xf32>
        %swap3A_520 = vector.shape_cast %add3A_515 : vector<16xf32> to vector<1x16xf32>
        tpu.vector_store %arg13[%swap3A_516, %swap3A_517], %swap3A_520 {add = true, strides = array<i32>} : memref<40x128xf32, #tpu.memory_space<vmem>>, vector<1x16xf32>,
        %get3A_521 = arith.index_cast %add3A_440 : i32 to index
        %get3A_522 = arith.constant 80 : index
        %get3A_523 = tpu.vector_load %arg18[%get3A_521, %get3A_522] {strides = array<i32>} : memref<40x128xf32, #tpu.memory_space<vmem>>, vector<1x16xf32>,
        %get3A_524 = vector.shape_cast %get3A_523 : vector<1x16xf32> to vector<16xf32>
        %add3A_525 = arith.constant 120 : i32
        %add3A_526 = arith.addi %add3A_525, %add3A_440 : i32
        %get3A_527 = arith.index_cast %add3A_526 : i32 to index
        %get3A_528 = arith.constant 80 : index
        %get3A_529 = tpu.vector_load %arg20[%get3A_527, %get3A_528] {strides = array<i32>} : memref<200x128xf32, #tpu.memory_space<vmem>>, vector<1x16xf32>,
        %get3A_530 = vector.shape_cast %get3A_529 : vector<1x16xf32> to vector<16xf32>
        %add3A_531 = arith.addf %get3A_524, %get3A_530 : vector<16xf32>
        %swap3A_532 = arith.index_cast %add3A_440 : i32 to index
        %swap3A_533 = arith.constant 80 : index
        %swap3A_534 = tpu.vector_load %arg13[%swap3A_532, %swap3A_533] {strides = array<i32>} : memref<40x128xf32, #tpu.memory_space<vmem>>, vector<1x16xf32>,
        %swap3A_535 = vector.shape_cast %swap3A_534 : vector<1x16xf32> to vector<16xf32>
        %swap3A_536 = vector.shape_cast %add3A_531 : vector<16xf32> to vector<1x16xf32>
        tpu.vector_store %arg13[%swap3A_532, %swap3A_533], %swap3A_536 {add = true, strides = array<i32>} : memref<40x128xf32, #tpu.memory_space<vmem>>, vector<1x16xf32>,
        %get3A_537 = arith.index_cast %add3A_440 : i32 to index
        %get3A_538 = arith.constant 96 : index
        %get3A_539 = tpu.vector_load %arg18[%get3A_537, %get3A_538] {strides = array<i32>} : memref<40x128xf32, #tpu.memory_space<vmem>>, vector<1x16xf32>,
        %get3A_540 = vector.shape_cast %get3A_539 : vector<1x16xf32> to vector<16xf32>
        %add3A_541 = arith.constant 120 : i32
        %add3A_542 = arith.addi %add3A_541, %add3A_440 : i32
        %get3A_543 = arith.index_cast %add3A_542 : i32 to index
        %get3A_544 = arith.constant 96 : index
        %get3A_545 = tpu.vector_load %arg20[%get3A_543, %get3A_544] {strides = array<i32>} : memref<200x128xf32, #tpu.memory_space<vmem>>, vector<1x16xf32>,
        %get3A_546 = vector.shape_cast %get3A_545 : vector<1x16xf32> to vector<16xf32>
        %add3A_547 = arith.addf %get3A_540, %get3A_546 : vector<16xf32>
        %swap3A_548 = arith.index_cast %add3A_440 : i32 to index
        %swap3A_549 = arith.constant 96 : index
        %swap3A_550 = tpu.vector_load %arg13[%swap3A_548, %swap3A_549] {strides = array<i32>} : memref<40x128xf32, #tpu.memory_space<vmem>>, vector<1x16xf32>,
        %swap3A_551 = vector.shape_cast %swap3A_550 : vector<1x16xf32> to vector<16xf32>
        %swap3A_552 = vector.shape_cast %add3A_547 : vector<16xf32> to vector<1x16xf32>
        tpu.vector_store %arg13[%swap3A_548, %swap3A_549], %swap3A_552 {add = true, strides = array<i32>} : memref<40x128xf32, #tpu.memory_space<vmem>>, vector<1x16xf32>,
        %get3A_553 = arith.index_cast %add3A_440 : i32 to index
        %get3A_554 = arith.constant 112 : index
        %get3A_555 = tpu.vector_load %arg18[%get3A_553, %get3A_554] {strides = array<i32>} : memref<40x128xf32, #tpu.memory_space<vmem>>, vector<1x16xf32>,
        %get3A_556 = vector.shape_cast %get3A_555 : vector<1x16xf32> to vector<16xf32>
        %add3A_557 = arith.constant 120 : i32
        %add3A_558 = arith.addi %add3A_557, %add3A_440 : i32
        %get3A_559 = arith.index_cast %add3A_558 : i32 to index
        %get3A_560 = arith.constant 112 : index
        %get3A_561 = tpu.vector_load %arg20[%get3A_559, %get3A_560] {strides = array<i32>} : memref<200x128xf32, #tpu.memory_space<vmem>>, vector<1x16xf32>,
        %get3A_562 = vector.shape_cast %get3A_561 : vector<1x16xf32> to vector<16xf32>
        %add3A_563 = arith.addf %get3A_556, %get3A_562 : vector<16xf32>
        %swap3A_564 = arith.index_cast %add3A_440 : i32 to index
        %swap3A_565 = arith.constant 112 : index
        %swap3A_566 = tpu.vector_load %arg13[%swap3A_564, %swap3A_565] {strides = array<i32>} : memref<40x128xf32, #tpu.memory_space<vmem>>, vector<1x16xf32>,
        %swap3A_567 = vector.shape_cast %swap3A_566 : vector<1x16xf32> to vector<16xf32>
        %swap3A_568 = vector.shape_cast %add3A_563 : vector<16xf32> to vector<1x16xf32>
        tpu.vector_store %arg13[%swap3A_564, %swap3A_565], %swap3A_568 {add = true, strides = array<i32>} : memref<40x128xf32, #tpu.memory_space<vmem>>, vector<1x16xf32>,
      }
      %scan3A_259 = arith.constant 40 : i32
      %add3A_260 = arith.addi %mul3A_2, %add3A_84 : i32
      %dma_start3A_261 = arith.constant 120 : i32
      %dma_start3A_262 = arith.constant 0 : i32
      %dma_start3A_263 = tpu.memref_slice %arg7[%add3A_260, %dma_start3A_261, %dma_start3A_262] : memref<1024x200x128xf32, #tpu.memory_space<hbm>> -> memref<1x40x128xf32, #tpu.memory_space<hbm>>
      %dma_start3A_264 = tpu.memref_squeeze %dma_start3A_263 : memref<1x40x128xf32, #tpu.memory_space<hbm>> -> memref<40x128xf32, #tpu.memory_space<hbm>>
      %dma_start3A_265 = arith.constant 120 : i32
      %dma_start3A_266 = arith.constant 0 : i32
      %dma_start3A_267 = tpu.memref_slice %arg7[%add3A_260, %dma_start3A_265, %dma_start3A_266] : memref<1024x200x128xf32, #tpu.memory_space<hbm>> -> memref<1x40x128xf32, #tpu.memory_space<hbm>>
      %dma_start3A_268 = tpu.memref_squeeze %dma_start3A_267 : memref<1x40x128xf32, #tpu.memory_space<hbm>> -> memref<40x128xf32, #tpu.memory_space<hbm>>
      tpu.enqueue_dma source(%arg13 : memref<40x128xf32, #tpu.memory_space<vmem>>) target(%dma_start3A_268 : memref<40x128xf32, #tpu.memory_space<hbm>>) target_semaphore(%arg29 : memref<!tpu.dma_semaphore, #tpu.memory_space<semaphore_mem>>)
      %add3A_269 = arith.constant 1 : i32
      %add3A_270 = arith.addi %add3A_84, %add3A_269 : i32
      %lt3A_271 = arith.constant 31 : i32
      %lt3A_272 = arith.cmpi slt, %add3A_84, %lt3A_271 : i32
      %convert_element_type3A_273 = arith.extui %lt3A_272 : i1 to i32
      %cond3A_274 = arith.constant 0 : i32
      %cond3A_275 = arith.cmpi ne, %convert_element_type3A_273, %cond3A_274 : i32
      scf.if %cond3A_275 {
        %dma_wait3A_304 = arith.constant 0 : i32
        %dma_wait3A_305 = arith.constant 0 : i32
        %dma_wait3A_306 = arith.constant 0 : i32
        %dma_wait3A_307 = tpu.memref_slice %arg7[%dma_wait3A_304, %dma_wait3A_305, %dma_wait3A_306] : memref<1024x200x128xf32, #tpu.memory_space<hbm>> -> memref<1x40x128xf32, #tpu.memory_space<hbm>>
        %dma_wait3A_308 = tpu.memref_squeeze %dma_wait3A_307 : memref<1x40x128xf32, #tpu.memory_space<hbm>> -> memref<40x128xf32, #tpu.memory_space<hbm>>
        %dma_wait3A_309 = arith.constant 0 : i32
        %dma_wait3A_310 = arith.constant 0 : i32
        %dma_wait3A_311 = tpu.memref_slice %arg7[%dma_wait3A_304, %dma_wait3A_309, %dma_wait3A_310] : memref<1024x200x128xf32, #tpu.memory_space<hbm>> -> memref<1x40x128xf32, #tpu.memory_space<hbm>>
        %dma_wait3A_312 = tpu.memref_squeeze %dma_wait3A_311 : memref<1x40x128xf32, #tpu.memory_space<hbm>> -> memref<40x128xf32, #tpu.memory_space<hbm>>
        tpu.wait_dma2 semaphore(%arg27 : memref<!tpu.dma_semaphore, #tpu.memory_space<semaphore_mem>>) src(%arg11 : memref<40x128xf32, #tpu.memory_space<vmem>>) dst(%dma_wait3A_312 : memref<40x128xf32, #tpu.memory_space<hbm>>)
        %mul3A_313 = arith.constant 5 : i32
        %mul3A_314 = arith.muli %add3A_270, %mul3A_313 : i32
        %add3A_315 = arith.constant 1 : i32
        %add3A_316 = arith.addi %mul3A_314, %add3A_315 : i32
        %dma_start3A_317 = arith.constant 0 : i32
        %dma_start3A_318 = tpu.memref_slice %arg8[%add3A_316, %dma_start3A_317] : memref<160x40xi32, #tpu.memory_space<vmem>> -> memref<1x40xi32, #tpu.memory_space<vmem>>
        %dma_start3A_319 = tpu.memref_squeeze %dma_start3A_318 : memref<1x40xi32, #tpu.memory_space<vmem>> -> memref<40xi32, #tpu.memory_space<vmem>>
        %dma_start3A_320 = arith.constant 0 : i32
        %dma_start3A_321 = arith.constant 0 : i32
        %dma_start3A_322 = tpu.memref_slice %arg4[%dma_start3A_320, %dma_start3A_321] : memref<100000x128xf32, #tpu.memory_space<hbm>> -> memref<100000x128xf32, #tpu.memory_space<hbm>>
        tpu.enqueue_indirect_dma source(%dma_start3A_322 : memref<100000x128xf32, #tpu.memory_space<hbm>>) target(%arg11 : memref<40x128xf32, #tpu.memory_space<vmem>>) offsets(%dma_start3A_319 : memref<40xi32, #tpu.memory_space<vmem>>) semaphore(%arg22 : memref<!tpu.dma_semaphore, #tpu.memory_space<semaphore_mem>>)
        %dma_start3A_323 = arith.constant 0 : i32
        %dma_start3A_324 = tpu.memref_slice %arg9[%add3A_316, %dma_start3A_323] : memref<160x40xi32, #tpu.memory_space<vmem>> -> memref<1x40xi32, #tpu.memory_space<vmem>>
        %dma_start3A_325 = tpu.memref_squeeze %dma_start3A_324 : memref<1x40xi32, #tpu.memory_space<vmem>> -> memref<40xi32, #tpu.memory_space<vmem>>
        %dma_start3A_326 = arith.constant 0 : i32
        %dma_start3A_327 = arith.constant 0 : i32
        %dma_start3A_328 = tpu.memref_slice %arg6[%dma_start3A_326, %dma_start3A_327] : memref<1000x128xf32, #tpu.memory_space<hbm>> -> memref<1000x128xf32, #tpu.memory_space<hbm>>
        tpu.enqueue_indirect_dma source(%dma_start3A_328 : memref<1000x128xf32, #tpu.memory_space<hbm>>) target(%arg16 : memref<40x128xf32, #tpu.memory_space<vmem>>) offsets(%dma_start3A_325 : memref<40xi32, #tpu.memory_space<vmem>>) semaphore(%arg22 : memref<!tpu.dma_semaphore, #tpu.memory_space<semaphore_mem>>)
      } else {
      }
      %dma_wait3A_276 = arith.constant 0 : i32
      %dma_wait3A_277 = arith.constant 0 : i32
      %dma_wait3A_278 = tpu.memref_slice %arg8[%dma_wait3A_276, %dma_wait3A_277] : memref<160x40xi32, #tpu.memory_space<vmem>> -> memref<1x40xi32, #tpu.memory_space<vmem>>
      %dma_wait3A_279 = tpu.memref_squeeze %dma_wait3A_278 : memref<1x40xi32, #tpu.memory_space<vmem>> -> memref<40xi32, #tpu.memory_space<vmem>>
      %dma_wait3A_280 = arith.constant 0 : i32
      %dma_wait3A_281 = arith.constant 0 : i32
      %dma_wait3A_282 = tpu.memref_slice %arg4[%dma_wait3A_280, %dma_wait3A_281] : memref<100000x128xf32, #tpu.memory_space<hbm>> -> memref<100000x128xf32, #tpu.memory_space<hbm>>
      tpu.wait_indirect_dma semaphore(%arg25 : memref<!tpu.dma_semaphore, #tpu.memory_space<semaphore_mem>>) src(%dma_wait3A_282 : memref<100000x128xf32, #tpu.memory_space<hbm>>) dst(%arg14 : memref<40x128xf32, #tpu.memory_space<vmem>>)
      %dma_wait3A_283 = arith.constant 0 : i32
      %dma_wait3A_284 = arith.constant 0 : i32
      %dma_wait3A_285 = tpu.memref_slice %arg9[%dma_wait3A_283, %dma_wait3A_284] : memref<160x40xi32, #tpu.memory_space<vmem>> -> memref<1x40xi32, #tpu.memory_space<vmem>>
      %dma_wait3A_286 = tpu.memref_squeeze %dma_wait3A_285 : memref<1x40xi32, #tpu.memory_space<vmem>> -> memref<40xi32, #tpu.memory_space<vmem>>
      %dma_wait3A_287 = arith.constant 0 : i32
      %dma_wait3A_288 = arith.constant 0 : i32
      %dma_wait3A_289 = tpu.memref_slice %arg6[%dma_wait3A_287, %dma_wait3A_288] : memref<1000x128xf32, #tpu.memory_space<hbm>> -> memref<1000x128xf32, #tpu.memory_space<hbm>>
      tpu.wait_indirect_dma semaphore(%arg25 : memref<!tpu.dma_semaphore, #tpu.memory_space<semaphore_mem>>) src(%dma_wait3A_289 : memref<1000x128xf32, #tpu.memory_space<hbm>>) dst(%arg19 : memref<40x128xf32, #tpu.memory_space<vmem>>)
      %scan3A_290 = arith.constant 0 : i32
      %scan3A_291 = arith.constant 40 : i32
      %scan3A_292 = arith.addi %scan3A_290, %scan3A_291 : i32
      %scan3A_293 = arith.constant 2 : i32
      scf.for %scan3A_304 = %scan3A_290 to %scan3A_292 step %scan3A_293  : i32 {
        %mul3A_305 = arith.constant 1 : i32
        %mul3A_306 = arith.muli %scan3A_304, %mul3A_305 : i32
        %add3A_307 = arith.constant 0 : i32
        %add3A_308 = arith.addi %add3A_307, %mul3A_306 : i32
        %get3A = arith.index_cast %add3A_308 : i32 to index
        %get3A_309 = arith.constant 0 : index
        %get3A_310 = tpu.vector_load %arg19[%get3A, %get3A_309] {strides = array<i32>} : memref<40x128xf32, #tpu.memory_space<vmem>>, vector<1x16xf32>,
        %get3A_311 = vector.shape_cast %get3A_310 : vector<1x16xf32> to vector<16xf32>
        %add3A_312 = arith.constant 160 : i32
        %add3A_313 = arith.addi %add3A_312, %add3A_308 : i32
        %get3A_314 = arith.index_cast %add3A_313 : i32 to index
        %get3A_315 = arith.constant 0 : index
        %get3A_316 = tpu.vector_load %arg20[%get3A_314, %get3A_315] {strides = array<i32>} : memref<200x128xf32, #tpu.memory_space<vmem>>, vector<1x16xf32>,
        %get3A_317 = vector.shape_cast %get3A_316 : vector<1x16xf32> to vector<16xf32>
        %add3A_318 = arith.addf %get3A_311, %get3A_317 : vector<16xf32>
        %swap3A = arith.index_cast %add3A_308 : i32 to index
        %swap3A_319 = arith.constant 0 : index
        %swap3A_320 = tpu.vector_load %arg14[%swap3A, %swap3A_319] {strides = array<i32>} : memref<40x128xf32, #tpu.memory_space<vmem>>, vector<1x16xf32>,
        %swap3A_321 = vector.shape_cast %swap3A_320 : vector<1x16xf32> to vector<16xf32>
        %swap3A_322 = vector.shape_cast %add3A_318 : vector<16xf32> to vector<1x16xf32>
        tpu.vector_store %arg14[%swap3A, %swap3A_319], %swap3A_322 {add = true, strides = array<i32>} : memref<40x128xf32, #tpu.memory_space<vmem>>, vector<1x16xf32>,
        %get3A_323 = arith.index_cast %add3A_308 : i32 to index
        %get3A_324 = arith.constant 16 : index
        %get3A_325 = tpu.vector_load %arg19[%get3A_323, %get3A_324] {strides = array<i32>} : memref<40x128xf32, #tpu.memory_space<vmem>>, vector<1x16xf32>,
        %get3A_326 = vector.shape_cast %get3A_325 : vector<1x16xf32> to vector<16xf32>
        %add3A_327 = arith.constant 160 : i32
        %add3A_328 = arith.addi %add3A_327, %add3A_308 : i32
        %get3A_329 = arith.index_cast %add3A_328 : i32 to index
        %get3A_330 = arith.constant 16 : index
        %get3A_331 = tpu.vector_load %arg20[%get3A_329, %get3A_330] {strides = array<i32>} : memref<200x128xf32, #tpu.memory_space<vmem>>, vector<1x16xf32>,
        %get3A_332 = vector.shape_cast %get3A_331 : vector<1x16xf32> to vector<16xf32>
        %add3A_333 = arith.addf %get3A_326, %get3A_332 : vector<16xf32>
        %swap3A_334 = arith.index_cast %add3A_308 : i32 to index
        %swap3A_335 = arith.constant 16 : index
        %swap3A_336 = tpu.vector_load %arg14[%swap3A_334, %swap3A_335] {strides = array<i32>} : memref<40x128xf32, #tpu.memory_space<vmem>>, vector<1x16xf32>,
        %swap3A_337 = vector.shape_cast %swap3A_336 : vector<1x16xf32> to vector<16xf32>
        %swap3A_338 = vector.shape_cast %add3A_333 : vector<16xf32> to vector<1x16xf32>
        tpu.vector_store %arg14[%swap3A_334, %swap3A_335], %swap3A_338 {add = true, strides = array<i32>} : memref<40x128xf32, #tpu.memory_space<vmem>>, vector<1x16xf32>,
        %get3A_339 = arith.index_cast %add3A_308 : i32 to index
        %get3A_340 = arith.constant 32 : index
        %get3A_341 = tpu.vector_load %arg19[%get3A_339, %get3A_340] {strides = array<i32>} : memref<40x128xf32, #tpu.memory_space<vmem>>, vector<1x16xf32>,
        %get3A_342 = vector.shape_cast %get3A_341 : vector<1x16xf32> to vector<16xf32>
        %add3A_343 = arith.constant 160 : i32
        %add3A_344 = arith.addi %add3A_343, %add3A_308 : i32
        %get3A_345 = arith.index_cast %add3A_344 : i32 to index
        %get3A_346 = arith.constant 32 : index
        %get3A_347 = tpu.vector_load %arg20[%get3A_345, %get3A_346] {strides = array<i32>} : memref<200x128xf32, #tpu.memory_space<vmem>>, vector<1x16xf32>,
        %get3A_348 = vector.shape_cast %get3A_347 : vector<1x16xf32> to vector<16xf32>
        %add3A_349 = arith.addf %get3A_342, %get3A_348 : vector<16xf32>
        %swap3A_350 = arith.index_cast %add3A_308 : i32 to index
        %swap3A_351 = arith.constant 32 : index
        %swap3A_352 = tpu.vector_load %arg14[%swap3A_350, %swap3A_351] {strides = array<i32>} : memref<40x128xf32, #tpu.memory_space<vmem>>, vector<1x16xf32>,
        %swap3A_353 = vector.shape_cast %swap3A_352 : vector<1x16xf32> to vector<16xf32>
        %swap3A_354 = vector.shape_cast %add3A_349 : vector<16xf32> to vector<1x16xf32>
        tpu.vector_store %arg14[%swap3A_350, %swap3A_351], %swap3A_354 {add = true, strides = array<i32>} : memref<40x128xf32, #tpu.memory_space<vmem>>, vector<1x16xf32>,
        %get3A_355 = arith.index_cast %add3A_308 : i32 to index
        %get3A_356 = arith.constant 48 : index
        %get3A_357 = tpu.vector_load %arg19[%get3A_355, %get3A_356] {strides = array<i32>} : memref<40x128xf32, #tpu.memory_space<vmem>>, vector<1x16xf32>,
        %get3A_358 = vector.shape_cast %get3A_357 : vector<1x16xf32> to vector<16xf32>
        %add3A_359 = arith.constant 160 : i32
        %add3A_360 = arith.addi %add3A_359, %add3A_308 : i32
        %get3A_361 = arith.index_cast %add3A_360 : i32 to index
        %get3A_362 = arith.constant 48 : index
        %get3A_363 = tpu.vector_load %arg20[%get3A_361, %get3A_362] {strides = array<i32>} : memref<200x128xf32, #tpu.memory_space<vmem>>, vector<1x16xf32>,
        %get3A_364 = vector.shape_cast %get3A_363 : vector<1x16xf32> to vector<16xf32>
        %add3A_365 = arith.addf %get3A_358, %get3A_364 : vector<16xf32>
        %swap3A_366 = arith.index_cast %add3A_308 : i32 to index
        %swap3A_367 = arith.constant 48 : index
        %swap3A_368 = tpu.vector_load %arg14[%swap3A_366, %swap3A_367] {strides = array<i32>} : memref<40x128xf32, #tpu.memory_space<vmem>>, vector<1x16xf32>,
        %swap3A_369 = vector.shape_cast %swap3A_368 : vector<1x16xf32> to vector<16xf32>
        %swap3A_370 = vector.shape_cast %add3A_365 : vector<16xf32> to vector<1x16xf32>
        tpu.vector_store %arg14[%swap3A_366, %swap3A_367], %swap3A_370 {add = true, strides = array<i32>} : memref<40x128xf32, #tpu.memory_space<vmem>>, vector<1x16xf32>,
        %get3A_371 = arith.index_cast %add3A_308 : i32 to index
        %get3A_372 = arith.constant 64 : index
        %get3A_373 = tpu.vector_load %arg19[%get3A_371, %get3A_372] {strides = array<i32>} : memref<40x128xf32, #tpu.memory_space<vmem>>, vector<1x16xf32>,
        %get3A_374 = vector.shape_cast %get3A_373 : vector<1x16xf32> to vector<16xf32>
        %add3A_375 = arith.constant 160 : i32
        %add3A_376 = arith.addi %add3A_375, %add3A_308 : i32
        %get3A_377 = arith.index_cast %add3A_376 : i32 to index
        %get3A_378 = arith.constant 64 : index
        %get3A_379 = tpu.vector_load %arg20[%get3A_377, %get3A_378] {strides = array<i32>} : memref<200x128xf32, #tpu.memory_space<vmem>>, vector<1x16xf32>,
        %get3A_380 = vector.shape_cast %get3A_379 : vector<1x16xf32> to vector<16xf32>
        %add3A_381 = arith.addf %get3A_374, %get3A_380 : vector<16xf32>
        %swap3A_382 = arith.index_cast %add3A_308 : i32 to index
        %swap3A_383 = arith.constant 64 : index
        %swap3A_384 = tpu.vector_load %arg14[%swap3A_382, %swap3A_383] {strides = array<i32>} : memref<40x128xf32, #tpu.memory_space<vmem>>, vector<1x16xf32>,
        %swap3A_385 = vector.shape_cast %swap3A_384 : vector<1x16xf32> to vector<16xf32>
        %swap3A_386 = vector.shape_cast %add3A_381 : vector<16xf32> to vector<1x16xf32>
        tpu.vector_store %arg14[%swap3A_382, %swap3A_383], %swap3A_386 {add = true, strides = array<i32>} : memref<40x128xf32, #tpu.memory_space<vmem>>, vector<1x16xf32>,
        %get3A_387 = arith.index_cast %add3A_308 : i32 to index
        %get3A_388 = arith.constant 80 : index
        %get3A_389 = tpu.vector_load %arg19[%get3A_387, %get3A_388] {strides = array<i32>} : memref<40x128xf32, #tpu.memory_space<vmem>>, vector<1x16xf32>,
        %get3A_390 = vector.shape_cast %get3A_389 : vector<1x16xf32> to vector<16xf32>
        %add3A_391 = arith.constant 160 : i32
        %add3A_392 = arith.addi %add3A_391, %add3A_308 : i32
        %get3A_393 = arith.index_cast %add3A_392 : i32 to index
        %get3A_394 = arith.constant 80 : index
        %get3A_395 = tpu.vector_load %arg20[%get3A_393, %get3A_394] {strides = array<i32>} : memref<200x128xf32, #tpu.memory_space<vmem>>, vector<1x16xf32>,
        %get3A_396 = vector.shape_cast %get3A_395 : vector<1x16xf32> to vector<16xf32>
        %add3A_397 = arith.addf %get3A_390, %get3A_396 : vector<16xf32>
        %swap3A_398 = arith.index_cast %add3A_308 : i32 to index
        %swap3A_399 = arith.constant 80 : index
        %swap3A_400 = tpu.vector_load %arg14[%swap3A_398, %swap3A_399] {strides = array<i32>} : memref<40x128xf32, #tpu.memory_space<vmem>>, vector<1x16xf32>,
        %swap3A_401 = vector.shape_cast %swap3A_400 : vector<1x16xf32> to vector<16xf32>
        %swap3A_402 = vector.shape_cast %add3A_397 : vector<16xf32> to vector<1x16xf32>
        tpu.vector_store %arg14[%swap3A_398, %swap3A_399], %swap3A_402 {add = true, strides = array<i32>} : memref<40x128xf32, #tpu.memory_space<vmem>>, vector<1x16xf32>,
        %get3A_403 = arith.index_cast %add3A_308 : i32 to index
        %get3A_404 = arith.constant 96 : index
        %get3A_405 = tpu.vector_load %arg19[%get3A_403, %get3A_404] {strides = array<i32>} : memref<40x128xf32, #tpu.memory_space<vmem>>, vector<1x16xf32>,
        %get3A_406 = vector.shape_cast %get3A_405 : vector<1x16xf32> to vector<16xf32>
        %add3A_407 = arith.constant 160 : i32
        %add3A_408 = arith.addi %add3A_407, %add3A_308 : i32
        %get3A_409 = arith.index_cast %add3A_408 : i32 to index
        %get3A_410 = arith.constant 96 : index
        %get3A_411 = tpu.vector_load %arg20[%get3A_409, %get3A_410] {strides = array<i32>} : memref<200x128xf32, #tpu.memory_space<vmem>>, vector<1x16xf32>,
        %get3A_412 = vector.shape_cast %get3A_411 : vector<1x16xf32> to vector<16xf32>
        %add3A_413 = arith.addf %get3A_406, %get3A_412 : vector<16xf32>
        %swap3A_414 = arith.index_cast %add3A_308 : i32 to index
        %swap3A_415 = arith.constant 96 : index
        %swap3A_416 = tpu.vector_load %arg14[%swap3A_414, %swap3A_415] {strides = array<i32>} : memref<40x128xf32, #tpu.memory_space<vmem>>, vector<1x16xf32>,
        %swap3A_417 = vector.shape_cast %swap3A_416 : vector<1x16xf32> to vector<16xf32>
        %swap3A_418 = vector.shape_cast %add3A_413 : vector<16xf32> to vector<1x16xf32>
        tpu.vector_store %arg14[%swap3A_414, %swap3A_415], %swap3A_418 {add = true, strides = array<i32>} : memref<40x128xf32, #tpu.memory_space<vmem>>, vector<1x16xf32>,
        %get3A_419 = arith.index_cast %add3A_308 : i32 to index
        %get3A_420 = arith.constant 112 : index
        %get3A_421 = tpu.vector_load %arg19[%get3A_419, %get3A_420] {strides = array<i32>} : memref<40x128xf32, #tpu.memory_space<vmem>>, vector<1x16xf32>,
        %get3A_422 = vector.shape_cast %get3A_421 : vector<1x16xf32> to vector<16xf32>
        %add3A_423 = arith.constant 160 : i32
        %add3A_424 = arith.addi %add3A_423, %add3A_308 : i32
        %get3A_425 = arith.index_cast %add3A_424 : i32 to index
        %get3A_426 = arith.constant 112 : index
        %get3A_427 = tpu.vector_load %arg20[%get3A_425, %get3A_426] {strides = array<i32>} : memref<200x128xf32, #tpu.memory_space<vmem>>, vector<1x16xf32>,
        %get3A_428 = vector.shape_cast %get3A_427 : vector<1x16xf32> to vector<16xf32>
        %add3A_429 = arith.addf %get3A_422, %get3A_428 : vector<16xf32>
        %swap3A_430 = arith.index_cast %add3A_308 : i32 to index
        %swap3A_431 = arith.constant 112 : index
        %swap3A_432 = tpu.vector_load %arg14[%swap3A_430, %swap3A_431] {strides = array<i32>} : memref<40x128xf32, #tpu.memory_space<vmem>>, vector<1x16xf32>,
        %swap3A_433 = vector.shape_cast %swap3A_432 : vector<1x16xf32> to vector<16xf32>
        %swap3A_434 = vector.shape_cast %add3A_429 : vector<16xf32> to vector<1x16xf32>
        tpu.vector_store %arg14[%swap3A_430, %swap3A_431], %swap3A_434 {add = true, strides = array<i32>} : memref<40x128xf32, #tpu.memory_space<vmem>>, vector<1x16xf32>,
        %scan3A_435 = arith.constant 1 : i32
        %scan3A_436 = arith.addi %scan3A_304, %scan3A_435 : i32
        %mul3A_437 = arith.constant 1 : i32
        %mul3A_438 = arith.muli %scan3A_436, %mul3A_437 : i32
        %add3A_439 = arith.constant 0 : i32
        %add3A_440 = arith.addi %add3A_439, %mul3A_438 : i32
        %get3A_441 = arith.index_cast %add3A_440 : i32 to index
        %get3A_442 = arith.constant 0 : index
        %get3A_443 = tpu.vector_load %arg19[%get3A_441, %get3A_442] {strides = array<i32>} : memref<40x128xf32, #tpu.memory_space<vmem>>, vector<1x16xf32>,
        %get3A_444 = vector.shape_cast %get3A_443 : vector<1x16xf32> to vector<16xf32>
        %add3A_445 = arith.constant 160 : i32
        %add3A_446 = arith.addi %add3A_445, %add3A_440 : i32
        %get3A_447 = arith.index_cast %add3A_446 : i32 to index
        %get3A_448 = arith.constant 0 : index
        %get3A_449 = tpu.vector_load %arg20[%get3A_447, %get3A_448] {strides = array<i32>} : memref<200x128xf32, #tpu.memory_space<vmem>>, vector<1x16xf32>,
        %get3A_450 = vector.shape_cast %get3A_449 : vector<1x16xf32> to vector<16xf32>
        %add3A_451 = arith.addf %get3A_444, %get3A_450 : vector<16xf32>
        %swap3A_452 = arith.index_cast %add3A_440 : i32 to index
        %swap3A_453 = arith.constant 0 : index
        %swap3A_454 = tpu.vector_load %arg14[%swap3A_452, %swap3A_453] {strides = array<i32>} : memref<40x128xf32, #tpu.memory_space<vmem>>, vector<1x16xf32>,
        %swap3A_455 = vector.shape_cast %swap3A_454 : vector<1x16xf32> to vector<16xf32>
        %swap3A_456 = vector.shape_cast %add3A_451 : vector<16xf32> to vector<1x16xf32>
        tpu.vector_store %arg14[%swap3A_452, %swap3A_453], %swap3A_456 {add = true, strides = array<i32>} : memref<40x128xf32, #tpu.memory_space<vmem>>, vector<1x16xf32>,
        %get3A_457 = arith.index_cast %add3A_440 : i32 to index
        %get3A_458 = arith.constant 16 : index
        %get3A_459 = tpu.vector_load %arg19[%get3A_457, %get3A_458] {strides = array<i32>} : memref<40x128xf32, #tpu.memory_space<vmem>>, vector<1x16xf32>,
        %get3A_460 = vector.shape_cast %get3A_459 : vector<1x16xf32> to vector<16xf32>
        %add3A_461 = arith.constant 160 : i32
        %add3A_462 = arith.addi %add3A_461, %add3A_440 : i32
        %get3A_463 = arith.index_cast %add3A_462 : i32 to index
        %get3A_464 = arith.constant 16 : index
        %get3A_465 = tpu.vector_load %arg20[%get3A_463, %get3A_464] {strides = array<i32>} : memref<200x128xf32, #tpu.memory_space<vmem>>, vector<1x16xf32>,
        %get3A_466 = vector.shape_cast %get3A_465 : vector<1x16xf32> to vector<16xf32>
        %add3A_467 = arith.addf %get3A_460, %get3A_466 : vector<16xf32>
        %swap3A_468 = arith.index_cast %add3A_440 : i32 to index
        %swap3A_469 = arith.constant 16 : index
        %swap3A_470 = tpu.vector_load %arg14[%swap3A_468, %swap3A_469] {strides = array<i32>} : memref<40x128xf32, #tpu.memory_space<vmem>>, vector<1x16xf32>,
        %swap3A_471 = vector.shape_cast %swap3A_470 : vector<1x16xf32> to vector<16xf32>
        %swap3A_472 = vector.shape_cast %add3A_467 : vector<16xf32> to vector<1x16xf32>
        tpu.vector_store %arg14[%swap3A_468, %swap3A_469], %swap3A_472 {add = true, strides = array<i32>} : memref<40x128xf32, #tpu.memory_space<vmem>>, vector<1x16xf32>,
        %get3A_473 = arith.index_cast %add3A_440 : i32 to index
        %get3A_474 = arith.constant 32 : index
        %get3A_475 = tpu.vector_load %arg19[%get3A_473, %get3A_474] {strides = array<i32>} : memref<40x128xf32, #tpu.memory_space<vmem>>, vector<1x16xf32>,
        %get3A_476 = vector.shape_cast %get3A_475 : vector<1x16xf32> to vector<16xf32>
        %add3A_477 = arith.constant 160 : i32
        %add3A_478 = arith.addi %add3A_477, %add3A_440 : i32
        %get3A_479 = arith.index_cast %add3A_478 : i32 to index
        %get3A_480 = arith.constant 32 : index
        %get3A_481 = tpu.vector_load %arg20[%get3A_479, %get3A_480] {strides = array<i32>} : memref<200x128xf32, #tpu.memory_space<vmem>>, vector<1x16xf32>,
        %get3A_482 = vector.shape_cast %get3A_481 : vector<1x16xf32> to vector<16xf32>
        %add3A_483 = arith.addf %get3A_476, %get3A_482 : vector<16xf32>
        %swap3A_484 = arith.index_cast %add3A_440 : i32 to index
        %swap3A_485 = arith.constant 32 : index
        %swap3A_486 = tpu.vector_load %arg14[%swap3A_484, %swap3A_485] {strides = array<i32>} : memref<40x128xf32, #tpu.memory_space<vmem>>, vector<1x16xf32>,
        %swap3A_487 = vector.shape_cast %swap3A_486 : vector<1x16xf32> to vector<16xf32>
        %swap3A_488 = vector.shape_cast %add3A_483 : vector<16xf32> to vector<1x16xf32>
        tpu.vector_store %arg14[%swap3A_484, %swap3A_485], %swap3A_488 {add = true, strides = array<i32>} : memref<40x128xf32, #tpu.memory_space<vmem>>, vector<1x16xf32>,
        %get3A_489 = arith.index_cast %add3A_440 : i32 to index
        %get3A_490 = arith.constant 48 : index
        %get3A_491 = tpu.vector_load %arg19[%get3A_489, %get3A_490] {strides = array<i32>} : memref<40x128xf32, #tpu.memory_space<vmem>>, vector<1x16xf32>,
        %get3A_492 = vector.shape_cast %get3A_491 : vector<1x16xf32> to vector<16xf32>
        %add3A_493 = arith.constant 160 : i32
        %add3A_494 = arith.addi %add3A_493, %add3A_440 : i32
        %get3A_495 = arith.index_cast %add3A_494 : i32 to index
        %get3A_496 = arith.constant 48 : index
        %get3A_497 = tpu.vector_load %arg20[%get3A_495, %get3A_496] {strides = array<i32>} : memref<200x128xf32, #tpu.memory_space<vmem>>, vector<1x16xf32>,
        %get3A_498 = vector.shape_cast %get3A_497 : vector<1x16xf32> to vector<16xf32>
        %add3A_499 = arith.addf %get3A_492, %get3A_498 : vector<16xf32>
        %swap3A_500 = arith.index_cast %add3A_440 : i32 to index
        %swap3A_501 = arith.constant 48 : index
        %swap3A_502 = tpu.vector_load %arg14[%swap3A_500, %swap3A_501] {strides = array<i32>} : memref<40x128xf32, #tpu.memory_space<vmem>>, vector<1x16xf32>,
        %swap3A_503 = vector.shape_cast %swap3A_502 : vector<1x16xf32> to vector<16xf32>
        %swap3A_504 = vector.shape_cast %add3A_499 : vector<16xf32> to vector<1x16xf32>
        tpu.vector_store %arg14[%swap3A_500, %swap3A_501], %swap3A_504 {add = true, strides = array<i32>} : memref<40x128xf32, #tpu.memory_space<vmem>>, vector<1x16xf32>,
        %get3A_505 = arith.index_cast %add3A_440 : i32 to index
        %get3A_506 = arith.constant 64 : index
        %get3A_507 = tpu.vector_load %arg19[%get3A_505, %get3A_506] {strides = array<i32>} : memref<40x128xf32, #tpu.memory_space<vmem>>, vector<1x16xf32>,
        %get3A_508 = vector.shape_cast %get3A_507 : vector<1x16xf32> to vector<16xf32>
        %add3A_509 = arith.constant 160 : i32
        %add3A_510 = arith.addi %add3A_509, %add3A_440 : i32
        %get3A_511 = arith.index_cast %add3A_510 : i32 to index
        %get3A_512 = arith.constant 64 : index
        %get3A_513 = tpu.vector_load %arg20[%get3A_511, %get3A_512] {strides = array<i32>} : memref<200x128xf32, #tpu.memory_space<vmem>>, vector<1x16xf32>,
        %get3A_514 = vector.shape_cast %get3A_513 : vector<1x16xf32> to vector<16xf32>
        %add3A_515 = arith.addf %get3A_508, %get3A_514 : vector<16xf32>
        %swap3A_516 = arith.index_cast %add3A_440 : i32 to index
        %swap3A_517 = arith.constant 64 : index
        %swap3A_518 = tpu.vector_load %arg14[%swap3A_516, %swap3A_517] {strides = array<i32>} : memref<40x128xf32, #tpu.memory_space<vmem>>, vector<1x16xf32>,
        %swap3A_519 = vector.shape_cast %swap3A_518 : vector<1x16xf32> to vector<16xf32>
        %swap3A_520 = vector.shape_cast %add3A_515 : vector<16xf32> to vector<1x16xf32>
        tpu.vector_store %arg14[%swap3A_516, %swap3A_517], %swap3A_520 {add = true, strides = array<i32>} : memref<40x128xf32, #tpu.memory_space<vmem>>, vector<1x16xf32>,
        %get3A_521 = arith.index_cast %add3A_440 : i32 to index
        %get3A_522 = arith.constant 80 : index
        %get3A_523 = tpu.vector_load %arg19[%get3A_521, %get3A_522] {strides = array<i32>} : memref<40x128xf32, #tpu.memory_space<vmem>>, vector<1x16xf32>,
        %get3A_524 = vector.shape_cast %get3A_523 : vector<1x16xf32> to vector<16xf32>
        %add3A_525 = arith.constant 160 : i32
        %add3A_526 = arith.addi %add3A_525, %add3A_440 : i32
        %get3A_527 = arith.index_cast %add3A_526 : i32 to index
        %get3A_528 = arith.constant 80 : index
        %get3A_529 = tpu.vector_load %arg20[%get3A_527, %get3A_528] {strides = array<i32>} : memref<200x128xf32, #tpu.memory_space<vmem>>, vector<1x16xf32>,
        %get3A_530 = vector.shape_cast %get3A_529 : vector<1x16xf32> to vector<16xf32>
        %add3A_531 = arith.addf %get3A_524, %get3A_530 : vector<16xf32>
        %swap3A_532 = arith.index_cast %add3A_440 : i32 to index
        %swap3A_533 = arith.constant 80 : index
        %swap3A_534 = tpu.vector_load %arg14[%swap3A_532, %swap3A_533] {strides = array<i32>} : memref<40x128xf32, #tpu.memory_space<vmem>>, vector<1x16xf32>,
        %swap3A_535 = vector.shape_cast %swap3A_534 : vector<1x16xf32> to vector<16xf32>
        %swap3A_536 = vector.shape_cast %add3A_531 : vector<16xf32> to vector<1x16xf32>
        tpu.vector_store %arg14[%swap3A_532, %swap3A_533], %swap3A_536 {add = true, strides = array<i32>} : memref<40x128xf32, #tpu.memory_space<vmem>>, vector<1x16xf32>,
        %get3A_537 = arith.index_cast %add3A_440 : i32 to index
        %get3A_538 = arith.constant 96 : index
        %get3A_539 = tpu.vector_load %arg19[%get3A_537, %get3A_538] {strides = array<i32>} : memref<40x128xf32, #tpu.memory_space<vmem>>, vector<1x16xf32>,
        %get3A_540 = vector.shape_cast %get3A_539 : vector<1x16xf32> to vector<16xf32>
        %add3A_541 = arith.constant 160 : i32
        %add3A_542 = arith.addi %add3A_541, %add3A_440 : i32
        %get3A_543 = arith.index_cast %add3A_542 : i32 to index
        %get3A_544 = arith.constant 96 : index
        %get3A_545 = tpu.vector_load %arg20[%get3A_543, %get3A_544] {strides = array<i32>} : memref<200x128xf32, #tpu.memory_space<vmem>>, vector<1x16xf32>,
        %get3A_546 = vector.shape_cast %get3A_545 : vector<1x16xf32> to vector<16xf32>
        %add3A_547 = arith.addf %get3A_540, %get3A_546 : vector<16xf32>
        %swap3A_548 = arith.index_cast %add3A_440 : i32 to index
        %swap3A_549 = arith.constant 96 : index
        %swap3A_550 = tpu.vector_load %arg14[%swap3A_548, %swap3A_549] {strides = array<i32>} : memref<40x128xf32, #tpu.memory_space<vmem>>, vector<1x16xf32>,
        %swap3A_551 = vector.shape_cast %swap3A_550 : vector<1x16xf32> to vector<16xf32>
        %swap3A_552 = vector.shape_cast %add3A_547 : vector<16xf32> to vector<1x16xf32>
        tpu.vector_store %arg14[%swap3A_548, %swap3A_549], %swap3A_552 {add = true, strides = array<i32>} : memref<40x128xf32, #tpu.memory_space<vmem>>, vector<1x16xf32>,
        %get3A_553 = arith.index_cast %add3A_440 : i32 to index
        %get3A_554 = arith.constant 112 : index
        %get3A_555 = tpu.vector_load %arg19[%get3A_553, %get3A_554] {strides = array<i32>} : memref<40x128xf32, #tpu.memory_space<vmem>>, vector<1x16xf32>,
        %get3A_556 = vector.shape_cast %get3A_555 : vector<1x16xf32> to vector<16xf32>
        %add3A_557 = arith.constant 160 : i32
        %add3A_558 = arith.addi %add3A_557, %add3A_440 : i32
        %get3A_559 = arith.index_cast %add3A_558 : i32 to index
        %get3A_560 = arith.constant 112 : index
        %get3A_561 = tpu.vector_load %arg20[%get3A_559, %get3A_560] {strides = array<i32>} : memref<200x128xf32, #tpu.memory_space<vmem>>, vector<1x16xf32>,
        %get3A_562 = vector.shape_cast %get3A_561 : vector<1x16xf32> to vector<16xf32>
        %add3A_563 = arith.addf %get3A_556, %get3A_562 : vector<16xf32>
        %swap3A_564 = arith.index_cast %add3A_440 : i32 to index
        %swap3A_565 = arith.constant 112 : index
        %swap3A_566 = tpu.vector_load %arg14[%swap3A_564, %swap3A_565] {strides = array<i32>} : memref<40x128xf32, #tpu.memory_space<vmem>>, vector<1x16xf32>,
        %swap3A_567 = vector.shape_cast %swap3A_566 : vector<1x16xf32> to vector<16xf32>
        %swap3A_568 = vector.shape_cast %add3A_563 : vector<16xf32> to vector<1x16xf32>
        tpu.vector_store %arg14[%swap3A_564, %swap3A_565], %swap3A_568 {add = true, strides = array<i32>} : memref<40x128xf32, #tpu.memory_space<vmem>>, vector<1x16xf32>,
      }
      %scan3A_294 = arith.constant 40 : i32
      %add3A_295 = arith.addi %mul3A_2, %add3A_84 : i32
      %dma_start3A_296 = arith.constant 160 : i32
      %dma_start3A_297 = arith.constant 0 : i32
      %dma_start3A_298 = tpu.memref_slice %arg7[%add3A_295, %dma_start3A_296, %dma_start3A_297] : memref<1024x200x128xf32, #tpu.memory_space<hbm>> -> memref<1x40x128xf32, #tpu.memory_space<hbm>>
      %dma_start3A_299 = tpu.memref_squeeze %dma_start3A_298 : memref<1x40x128xf32, #tpu.memory_space<hbm>> -> memref<40x128xf32, #tpu.memory_space<hbm>>
      %dma_start3A_300 = arith.constant 160 : i32
      %dma_start3A_301 = arith.constant 0 : i32
      %dma_start3A_302 = tpu.memref_slice %arg7[%add3A_295, %dma_start3A_300, %dma_start3A_301] : memref<1024x200x128xf32, #tpu.memory_space<hbm>> -> memref<1x40x128xf32, #tpu.memory_space<hbm>>
      %dma_start3A_303 = tpu.memref_squeeze %dma_start3A_302 : memref<1x40x128xf32, #tpu.memory_space<hbm>> -> memref<40x128xf32, #tpu.memory_space<hbm>>
      tpu.enqueue_dma source(%arg14 : memref<40x128xf32, #tpu.memory_space<vmem>>) target(%dma_start3A_303 : memref<40x128xf32, #tpu.memory_space<hbm>>) target_semaphore(%arg30 : memref<!tpu.dma_semaphore, #tpu.memory_space<semaphore_mem>>)
    }
    %scan3A_35 = arith.constant 32 : i32
    %dma_wait3A = arith.constant 0 : i32
    %dma_wait3A_36 = arith.constant 0 : i32
    %dma_wait3A_37 = arith.constant 0 : i32
    %dma_wait3A_38 = tpu.memref_slice %arg7[%dma_wait3A, %dma_wait3A_36, %dma_wait3A_37] : memref<1024x200x128xf32, #tpu.memory_space<hbm>> -> memref<1x40x128xf32, #tpu.memory_space<hbm>>
    %dma_wait3A_39 = tpu.memref_squeeze %dma_wait3A_38 : memref<1x40x128xf32, #tpu.memory_space<hbm>> -> memref<40x128xf32, #tpu.memory_space<hbm>>
    %dma_wait3A_40 = arith.constant 0 : i32
    %dma_wait3A_41 = arith.constant 0 : i32
    %dma_wait3A_42 = tpu.memref_slice %arg7[%dma_wait3A, %dma_wait3A_40, %dma_wait3A_41] : memref<1024x200x128xf32, #tpu.memory_space<hbm>> -> memref<1x40x128xf32, #tpu.memory_space<hbm>>
    %dma_wait3A_43 = tpu.memref_squeeze %dma_wait3A_42 : memref<1x40x128xf32, #tpu.memory_space<hbm>> -> memref<40x128xf32, #tpu.memory_space<hbm>>
    tpu.wait_dma2 semaphore(%arg26 : memref<!tpu.dma_semaphore, #tpu.memory_space<semaphore_mem>>) src(%arg10 : memref<40x128xf32, #tpu.memory_space<vmem>>) dst(%dma_wait3A_43 : memref<40x128xf32, #tpu.memory_space<hbm>>)
    %dma_wait3A_44 = arith.constant 0 : i32
    %dma_wait3A_45 = arith.constant 0 : i32
    %dma_wait3A_46 = arith.constant 0 : i32
    %dma_wait3A_47 = tpu.memref_slice %arg7[%dma_wait3A_44, %dma_wait3A_45, %dma_wait3A_46] : memref<1024x200x128xf32, #tpu.memory_space<hbm>> -> memref<1x40x128xf32, #tpu.memory_space<hbm>>
    %dma_wait3A_48 = tpu.memref_squeeze %dma_wait3A_47 : memref<1x40x128xf32, #tpu.memory_space<hbm>> -> memref<40x128xf32, #tpu.memory_space<hbm>>
    %dma_wait3A_49 = arith.constant 0 : i32
    %dma_wait3A_50 = arith.constant 0 : i32
    %dma_wait3A_51 = tpu.memref_slice %arg7[%dma_wait3A_44, %dma_wait3A_49, %dma_wait3A_50] : memref<1024x200x128xf32, #tpu.memory_space<hbm>> -> memref<1x40x128xf32, #tpu.memory_space<hbm>>
    %dma_wait3A_52 = tpu.memref_squeeze %dma_wait3A_51 : memref<1x40x128xf32, #tpu.memory_space<hbm>> -> memref<40x128xf32, #tpu.memory_space<hbm>>
    tpu.wait_dma2 semaphore(%arg27 : memref<!tpu.dma_semaphore, #tpu.memory_space<semaphore_mem>>) src(%arg11 : memref<40x128xf32, #tpu.memory_space<vmem>>) dst(%dma_wait3A_52 : memref<40x128xf32, #tpu.memory_space<hbm>>)
    %dma_wait3A_53 = arith.constant 0 : i32
    %dma_wait3A_54 = arith.constant 0 : i32
    %dma_wait3A_55 = arith.constant 0 : i32
    %dma_wait3A_56 = tpu.memref_slice %arg7[%dma_wait3A_53, %dma_wait3A_54, %dma_wait3A_55] : memref<1024x200x128xf32, #tpu.memory_space<hbm>> -> memref<1x40x128xf32, #tpu.memory_space<hbm>>
    %dma_wait3A_57 = tpu.memref_squeeze %dma_wait3A_56 : memref<1x40x128xf32, #tpu.memory_space<hbm>> -> memref<40x128xf32, #tpu.memory_space<hbm>>
    %dma_wait3A_58 = arith.constant 0 : i32
    %dma_wait3A_59 = arith.constant 0 : i32
    %dma_wait3A_60 = tpu.memref_slice %arg7[%dma_wait3A_53, %dma_wait3A_58, %dma_wait3A_59] : memref<1024x200x128xf32, #tpu.memory_space<hbm>> -> memref<1x40x128xf32, #tpu.memory_space<hbm>>
    %dma_wait3A_61 = tpu.memref_squeeze %dma_wait3A_60 : memref<1x40x128xf32, #tpu.memory_space<hbm>> -> memref<40x128xf32, #tpu.memory_space<hbm>>
    tpu.wait_dma2 semaphore(%arg28 : memref<!tpu.dma_semaphore, #tpu.memory_space<semaphore_mem>>) src(%arg12 : memref<40x128xf32, #tpu.memory_space<vmem>>) dst(%dma_wait3A_61 : memref<40x128xf32, #tpu.memory_space<hbm>>)
    %dma_wait3A_62 = arith.constant 0 : i32
    %dma_wait3A_63 = arith.constant 0 : i32
    %dma_wait3A_64 = arith.constant 0 : i32
    %dma_wait3A_65 = tpu.memref_slice %arg7[%dma_wait3A_62, %dma_wait3A_63, %dma_wait3A_64] : memref<1024x200x128xf32, #tpu.memory_space<hbm>> -> memref<1x40x128xf32, #tpu.memory_space<hbm>>
    %dma_wait3A_66 = tpu.memref_squeeze %dma_wait3A_65 : memref<1x40x128xf32, #tpu.memory_space<hbm>> -> memref<40x128xf32, #tpu.memory_space<hbm>>
    %dma_wait3A_67 = arith.constant 0 : i32
    %dma_wait3A_68 = arith.constant 0 : i32
    %dma_wait3A_69 = tpu.memref_slice %arg7[%dma_wait3A_62, %dma_wait3A_67, %dma_wait3A_68] : memref<1024x200x128xf32, #tpu.memory_space<hbm>> -> memref<1x40x128xf32, #tpu.memory_space<hbm>>
    %dma_wait3A_70 = tpu.memref_squeeze %dma_wait3A_69 : memref<1x40x128xf32, #tpu.memory_space<hbm>> -> memref<40x128xf32, #tpu.memory_space<hbm>>
    tpu.wait_dma2 semaphore(%arg29 : memref<!tpu.dma_semaphore, #tpu.memory_space<semaphore_mem>>) src(%arg13 : memref<40x128xf32, #tpu.memory_space<vmem>>) dst(%dma_wait3A_70 : memref<40x128xf32, #tpu.memory_space<hbm>>)
    %dma_wait3A_71 = arith.constant 0 : i32
    %dma_wait3A_72 = arith.constant 0 : i32
    %dma_wait3A_73 = arith.constant 0 : i32
    %dma_wait3A_74 = tpu.memref_slice %arg7[%dma_wait3A_71, %dma_wait3A_72, %dma_wait3A_73] : memref<1024x200x128xf32, #tpu.memory_space<hbm>> -> memref<1x40x128xf32, #tpu.memory_space<hbm>>
    %dma_wait3A_75 = tpu.memref_squeeze %dma_wait3A_74 : memref<1x40x128xf32, #tpu.memory_space<hbm>> -> memref<40x128xf32, #tpu.memory_space<hbm>>
    %dma_wait3A_76 = arith.constant 0 : i32
    %dma_wait3A_77 = arith.constant 0 : i32
    %dma_wait3A_78 = tpu.memref_slice %arg7[%dma_wait3A_71, %dma_wait3A_76, %dma_wait3A_77] : memref<1024x200x128xf32, #tpu.memory_space<hbm>> -> memref<1x40x128xf32, #tpu.memory_space<hbm>>
    %dma_wait3A_79 = tpu.memref_squeeze %dma_wait3A_78 : memref<1x40x128xf32, #tpu.memory_space<hbm>> -> memref<40x128xf32, #tpu.memory_space<hbm>>
    tpu.wait_dma2 semaphore(%arg30 : memref<!tpu.dma_semaphore, #tpu.memory_space<semaphore_mem>>) src(%arg14 : memref<40x128xf32, #tpu.memory_space<vmem>>) dst(%dma_wait3A_79 : memref<40x128xf32, #tpu.memory_space<hbm>>)
    return
  }
}

</mosaic_0001>

<sc_bundles>
// kernel: kernel.3.cloned.1.call-start
scs
__scs_entry_jumppad:
0x0: {  	(pc) =	sbr.rel $0x88, $3  }
0x1: {  	(tag) =	ssettag $0x0;
	lr =	simm.s32 $0x1  }
0x2: {  	[smem:$0x3F9C] =	sst lr;
	_ =	strace $0xD0000000  }
0x3: {  	_ = 	snop  }
0x4: {  	_ = 	snop  }
0x5: {  	_ = 	snop  }
0x6: {  	_ = 	snop  }
0x7: {  	_ = 	snop  }
__scs_overlays_trampoline_lowered:
0x8: {  	[smem:$0x3FAB] =	sst s0  }
0x9: {  	[smem:$0x3FAC] =	sst s1  }
0xa: {  	[smem:$0x3FAD] =	sst s2  }
0xb: {  	[smem:$0x3FAE] =	sst s3  }
0xc: {  	[smem:$0x3FAF] =	sst s4  }
0xd: {  	[smem:$0x3FB0] =	sst s5  }
0xe: {  	[smem:$0x3FB1] =	sst s6  }
0xf: {  	[smem:$0x3FB2] =	sst s7  }
0x10: {  	[smem:$0x3FB3] =	sst s8  }
0x11: {  	[smem:$0x3FB4] =	sst s9;
	s0 =	simm.s32 @!p0 $0x0  }
0x12: {  	s1 =	sld [smem:$0x3F9A];
	s0 =	simm.s32 @p0 $0x1  }
0x13: {  	[smem:$0x3FB5] =	sst s0;
	s0 =	simm.s32 @!p1 $0x0  }
0x14: {  	s2 =	sld [smem:$0x3F99];
	s0 =	simm.s32 @p1 $0x1  }
0x15: {  	[smem:$0x3FB6] =	sst s0;
	s0 =	simm.s32 @!p2 $0x0  }
0x16: {  	s3 =	sld [smem:$0x3FDB];
	s0 =	simm.s32 @p2 $0x1  }
0x17: {  	s4 =	simm.s32 $0x1BF5;
	[smem:$0x3FB8] =	sst s0  }
0x18: {  	s0 =	sld [smem:$0x3F9B];
	_ =	swait.ge [sflag:s4], $0x0  }
0x19: {  	s7 =	sld [smem:$0x3F9C]  }
0x1a: {  	s8 =	sadd.s32 $0xFFFFE003, lr  }
0x1b: {  	s9 =	sadd.s32 $0xFFFFFEF7, lr;
	s5 =	simm.s32 $0xFFFFFFFF;
	p2 =	slt.u32 s8, $0xFFFFF086  }
0x1c: {  	p1 =	slt.u32 s9, $0xF7A;
	s5 =	simm.s32 @!p2 $0x0  }
0x1d: {  	s5 =	simm.s32 @p1 $0x1;
	p0 =	seq.s32 s7, s2  }
0x1e: {  	s7 =	smul.u32 @!p0 $0xF7A, s2;
	p2 =	seq.s32 @!p0 s5, $0x0  }
0x1f: {  	s9 =	smul.u32 $0xF7A, s1;
	s8 =	simm.s32 @!p0 $0x1BF5;
	p2 =	por !p2, p0  }
0x20: {  	[sflag:s8] =	ssyncset.s32 @!p0 $0xFFFFF086;
	s6 =	sadd.s32 @!p0 s3, s7;
	s7 =	simm.s32 @!p0 $0x108  }
0x21: {  	s3 =	sadd.s32 s3, s9;
	s6 =	sadd.s32 @!p0 $0x88, s6;
	s7 =	simm.s32 @p2 $0x1082  }
0x22: {  	[simem:s7], [sflag:s8] =	dma.local @!p0 [hbm:s6], $0xF7A  }
0x23: {  	s9 =	sor.u32 $0xD0000000, s2;
	s6 =	simm.s32 $0x108;
	_ =	swait.ge @!p0 [sflag:s8], $0x0  }
0x24: {  	s3 =	sadd.s32 $0x88, s3;
	s6 =	simm.s32 @!p1 $0x1082;
	[sflag:s4] =	ssyncset.s32 $0xFFFFF086  }
0x25: {  	[simem:s6], [sflag:s4] =	dma.local [hbm:s3], $0xF7A  }
0x26: {  	[smem:$0x3F9C] =	sst s1;
	(tag) =	ssettag s2;
	_ =	strace s9  }
0x27: {  	s1 =	sld [smem:$0x3FAC]  }
0x28: {  	s2 =	sld [smem:$0x3FAD]  }
0x29: {  	s4 =	sld [smem:$0x3FAF]  }
0x2a: {  	p0 =	seq.s32 s5, $0x0;
	s5 =	sld [smem:$0x3FB0]  }
0x2b: {  	s6 =	sld [smem:$0x3FB1]  }
0x2c: {  	s7 =	sld [smem:$0x3FB2]  }
0x2d: {  	s3 =	simm.s32 $0x108;
	s8 =	sld [smem:$0x3FB3]  }
0x2e: {  	s3 =	simm.s32 @!p0 $0x1082;
	s9 =	sld [smem:$0x3FB4]  }
0x2f: {  	lr =	sadd.s32 s0, s3;
	s0 =	sld [smem:$0x3FAB]  }
0x30: {  	s3 =	sld [smem:$0x3FAE]  }
0x31: {  	[smem:$0x3FB7] =	sst s10  }
0x32: {  	s10 =	sld [smem:$0x3FB5];
	_ =	sdelay $0x3  }
0x33: {  	p0 =	seq.s32 s10, $0x1;
	s10 =	sld [smem:$0x3FB7];
	_ =	sdelay $0x3  }
0x34: {  	[smem:$0x3FB7] =	sst s10  }
0x35: {  	s10 =	sld [smem:$0x3FB6];
	_ =	sdelay $0x3  }
0x36: {  	p1 =	seq.s32 s10, $0x1;
	s10 =	sld [smem:$0x3FB7];
	_ =	sdelay $0x3  }
0x37: {  	[smem:$0x3FB7] =	sst s10  }
0x38: {  	s10 =	sld [smem:$0x3FB8]  }
0x39: {  	_ = 	snop;
	(pc) =	sbr.ind lr, $3  }
0x3a: {  	_ = 	snop  }
0x3b: {  	_ = 	snop  }
0x3c: {  	p2 =	seq.s32 s10, $0x1;
	s10 =	sld [smem:$0x3FB7]  }
0x3d: {  	_ =	shalt  }
0x3e: {  	_ =	shalt  }
0x3f: {  	_ =	shalt  }
0x40: {  	_ =	shalt  }
0x41: {  	_ =	shalt  }
0x42: {  	_ =	shalt  }
0x43: {  	_ =	shalt  }
0x44: {  	_ =	shalt  }
0x45: {  	_ =	shalt  }
0x46: {  	_ =	shalt  }
0x47: {  	_ =	shalt  }
0x48: {  	_ =	shalt  }
0x49: {  	_ =	shalt  }
0x4a: {  	_ =	shalt  }
0x4b: {  	_ =	shalt  }
0x4c: {  	_ =	shalt  }
0x4d: {  	_ =	shalt  }
0x4e: {  	_ =	shalt  }
0x4f: {  	_ =	shalt  }
0x50: {  	_ =	shalt  }
0x51: {  	_ =	shalt  }
0x52: {  	_ =	shalt  }
0x53: {  	_ =	shalt  }
0x54: {  	_ =	shalt  }
0x55: {  	_ =	shalt  }
0x56: {  	_ =	shalt  }
0x57: {  	_ =	shalt  }
0x58: {  	_ =	shalt  }
0x59: {  	_ =	shalt  }
0x5a: {  	_ =	shalt  }
0x5b: {  	_ =	shalt  }
0x5c: {  	_ =	shalt  }
0x5d: {  	_ =	shalt  }
0x5e: {  	_ =	shalt  }
0x5f: {  	_ =	shalt  }
0x60: {  	_ =	shalt  }
0x61: {  	_ =	shalt  }
0x62: {  	_ =	shalt  }
0x63: {  	_ =	shalt  }
0x64: {  	_ =	shalt  }
0x65: {  	_ =	shalt  }
0x66: {  	_ =	shalt  }
0x67: {  	_ =	shalt  }
0x68: {  	_ =	shalt  }
0x69: {  	_ =	shalt  }
0x6a: {  	_ =	shalt  }
0x6b: {  	_ =	shalt  }
0x6c: {  	_ =	shalt  }
0x6d: {  	_ =	shalt  }
0x6e: {  	_ =	shalt  }
0x6f: {  	_ =	shalt  }
0x70: {  	_ =	shalt  }
0x71: {  	_ =	shalt  }
0x72: {  	_ =	shalt  }
0x73: {  	_ =	shalt  }
0x74: {  	_ =	shalt  }
0x75: {  	_ =	shalt  }
0x76: {  	_ =	shalt  }
0x77: {  	_ =	shalt  }
0x78: {  	_ =	shalt  }
0x79: {  	_ =	shalt  }
0x7a: {  	_ =	shalt  }
0x7b: {  	_ =	shalt  }
0x7c: {  	_ =	shalt  }
0x7d: {  	_ =	shalt  }
0x7e: {  	_ =	shalt  }
0x7f: {  	_ =	shalt  }
0x80: {  	_ =	shalt  }
0x81: {  	_ =	shalt  }
0x82: {  	_ =	shalt  }
0x83: {  	_ =	shalt  }
0x84: {  	_ =	shalt  }
0x85: {  	_ =	shalt  }
0x86: {  	_ =	shalt  }
0x87: {  	_ =	shalt  }
.Lfunc_end0:
.L_simem_size_0:
called_computation_lowered:
.L_overlay_start_0:
0x88: {  	s2 =	sld [smem:$0x3FD9]  }
0x89: {  	s3 =	sld [smem:$0x3FFE];
	_ =	sdelay $0x1  }
0x8a: {  	s1 =	srdreg.scid  }
0x8b: {  	s0 =	sand.u32 $0x1, s1  }
0x8c: {  	s17 =	sshll.u32 s0, $0xA;
	s2 =	sadd.s32 s3, s2  }
0x8d: {  	s2 =	sadd.s32 s2, s17  }
0x8e: {  	[smem:$0x3FC3] =	sst s2  }
0x8f: {  	_ = 	snop  }
0x90: {  	s2 =	sld [smem:$0x3FC7]  }
0x91: {  	s18 =	sld [smem:$0x3FC6]  }
0x92: {  	s4 =	sld [smem:$0x3FC5]  }
0x93: {  	s5 =	sld [smem:$0x3FD0];
	(tm) =	ssettm $0x1  }
0x94: {  	s6 =	sld [smem:$0x3FFB];
	_ =	sdelay $0x3  }
0x95: {  	_ =	strace s6  }
0x96: {  	s6 =	sld [smem:$0x3FFC];
	_ =	sdelay $0x3  }
0x97: {  	_ =	strace s6  }
0x98: {  	s6 =	sld [smem:$0x3FFD];
	_ =	sdelay $0x3  }
0x99: {  	_ =	strace s6  }
0x9a: {  	_ =	strace $0x8FFFFFFF  }
0x9b: {  	s19 =	sld [smem:$0x3FDB];
	_ =	sdelay $0x1  }
0x9c: {  	s7 =	simm.s32 $_scs_section_size  }
0x9d: {  	s8 =	simm.s32 $_size__tile_overlayer_lowered;
	s9 =	simm.s32 $_tile_overlayer_lowered  }
0x9e: {  	s22 =	simm.s32 $0x1BFF;
	s21 =	sshll.u32 s9, $0x1;
	s6 =	sadd.s32 s7, s19  }
0x9f: {  	s10 =	simm.s32 $0x0;
	s20 =	sshll.u32 s8, $0x1;
	s8 =	sadd.s32 s21, s6  }
0xa0: {  	[timem:s10], [sflag:s22] =	dma.local [hbm:s8], s20  }
0xa1: {  	_ =	swait.ge [sflag:s22], s20  }
0xa2: {  	s7 =	ssub.s32 $0x0, s20;
	[sflag:s22] =	ssyncset.done $0x0  }
0xa3: {  	[sflag:s22] =	ssyncadd.s32 s7;
	_ =	sdelay $0x1  }
0xa4: {  	s23 =	simm.s32 $0x1B8B  }
0xa5: {  	_ =	swait.ge [sflag:s23], $0x1  }
0xa6: {  	[sflag:s23] =	ssyncset.done $0x0  }
0xa7: {  	s25 =	simm.s32 $0x1B8E;
	s24 =	sld [smem:$0x3FFE];
	[sflag:s23] =	ssyncadd.s32 $0xFFFFFFFF  }
0xa8: {  	s26 =	simm.s32 $execute0_lowered;
	[smem:$0x3FD2] =	sst s25  }
0xa9: {  	s8 =	sshll.u32 s26, $0x1;
	_ =	strace $0x80000046;
	[dreg:$0x1] =	wrdreg $0xFFFFFFFF  }
0xaa: {  	s28 =	simm.s32 $_size_execute0_lowered;
	s6 =	sadd.s32 s6, s8;
	[dreg:$0x0] =	wrdreg $0x0  }
0xab: {  	s8 =	sshll.u32 s28, $0x1;
	[dreg:$0x2] =	wrdreg s6  }
0xac: {  	[dreg:$0x3] =	wrdreg s8  }
0xad: {  	[dreg:$0x4] =	wrdreg $0xC0  }
0xae: {  	_ =	task [dreg:s10], $0x5FFFF  }
0xaf: {  	[dreg:$0x1] =	wrdreg $0xFFFFFFFF  }
0xb0: {  	[dreg:$0x0] =	wrdreg $0x60  }
0xb1: {  	[dreg:$0x2] =	wrdreg s24  }
0xb2: {  	[dreg:$0x3] =	wrdreg s2  }
0xb3: {  	[dreg:$0x4] =	wrdreg s18  }
0xb4: {  	[dreg:$0x5] =	wrdreg s4  }
0xb5: {  	[dreg:$0x6] =	wrdreg s5  }
0xb6: {  	[dreg:$0x7] =	wrdreg $0x9  }
0xb7: {  	_ =	task.clear_ibuf [dreg:s10], $0x8FFFF;
	_ =	strace $0x90000046  }
0xb8: {  	s29 =	simm.s32 $0x9;
	_ =	strace $0x80000048  }
0xb9: {  	_ =	swait.ge [sflag:s29], $0x1  }
0xba: {  	[sflag:s29] =	ssyncadd.s32 $0xFFFFFFFF  }
0xbb: {  	_ =	strace $0x90000048  }
0xbc: {  	_ =	sfence  }
0xbd: {  	s30 =	sld [smem:$0x0];
	_ =	sdelay $0x2  }
0xbe: {  	s31 =	sshll.u32 s1, $0xD;
	s1 =	sshrl.u32 s1, $0x2  }
0xbf: {  	s3 =	sand.u32 $0x4000, s31;
	s1 =	sadd.s32 s1, s30  }
0xc0: {  	s0 =	sor.u32 s3, s0;
	s1 =	sshll.u32 s1, $0x11  }
0xc1: {  	s0 =	sor.u32 s1, s0  }
0xc2: {  	s0 =	sadd.s32 $0x8F2B, s0  }
0xc3: {  	[sflag:s0] =	ssyncadd.remote.s32 $0x1  }
0xc4: {  	_ =	sfence.sel $0xFFFF  }
0xc5: {  	[dreg:$0x0] =	wrdreg $0xFFFFFFFF;
	(pc) =	sbr.abs _section_cstart, $3  }
0xc6: {  	[dreg:$0x1] =	wrdreg $0xFFFFFFFF  }
0xc7: {  	_ =	task.clear_ibuf [dreg:s10], $0x2FFFF;
	_ =	strace $0x9FFFFFFF  }
0xc8: {  	(tm) =	ssettm $0x7FFFFFFF  }
0xc9: {  	_ =	shalt  }
tec
execute0_lowered:
.L_overlay_start_1:
0x0: {  	(tag) =	ssettag $0x1  }
0x1: {  	s0 =	rddreg [dreg:$0x0]  }
0x2: {  	s1 =	rddreg [dreg:$0x1]  }
0x3: {  	s4 =	rddreg [dreg:$0x3]  }
0x4: {  	s2 =	srdreg.scid;
	s3 =	stileid.u32  }
0x5: {  	s5 =	rddreg [dreg:$0x4];
	s6 =	simm.s32 $0x0;
	s11 =	simm.s32 $0xB  }
0x6: {  	s14 =	simm.s32 $0x28;
	s15 =	simm.s32 $0x3200;
	s17 =	simm.s32 $0x4600  }
0x7: {  	s20 =	simm.s32 $0x5A00;
	s21 =	simm.s32 $0xBE00;
	s22 =	simm.s32 $0x1  }
0x8: {  	s23 =	simm.s32 $0x6E00;
	s24 =	simm.s32 $0xD200;
	s28 =	simm.s32 $0xE600  }
0x9: {  	s29 =	simm.s32 $0x3;
	s30 =	simm.s32 $0x4;
	s31 =	simm.s32 $0x5  }
0xa: {  	s13 =	simm.s32 $0x9;
	s2 =	sand.u32 $0x1, s2;
	s3 =	sshll.u32 s3, $0x1  }
0xb: {  	s16 =	simm.s32 $0xA;
	s3 =	sor.u32 s2, s3;
	s2 =	ssub.s32 $0x2, s2  }
0xc: {  	[smem:$0x7FF] =	sst s6;
	s7 =	smul.u32 $0x320, s3;
	s8 =	sshrl.u32 s2, $0x1  }
0xd: {  	s18 =	simm.s32 $0x0;
	_ =	strace $0x80000047;
	s2 =	ssub.s32 s2, s8  }
0xe: {  	s0 =	sadd.s32 s7, s0;
	s7 =	sshll.u32 s3, $0x5;
	s26 =	smax.u32 s2, $0x1  }
0xf: {  	s2 =	simm.s32 $0x8;
	s25 =	sadd.s32 $0x400, s0;
	[dreg:$0x8] =	wrdreg s26  }
0x10: {  	s0 =	sadd.s32 $0x6800, s0;
	s26 =	simm.s32 $0x8200;
	[dreg:$0x6] =	wrdreg s25  }
0x11: {  	[dreg:$0x7] =	wrdreg s0;
	s25 =	simm.s32 $0x2;
	s0 =	simm.s32 $0x7  }
.LBB2_1:
0x12: {  	s3 =	rddreg [dreg:$0x6]  }
0x13: {  	[tilespmem:s6], [sflag:$0xB] =	stream.linear.gather [hbm4b:s3+s6], $0x1900, $0x38;
	[tilespmem:$0x15E00] =	vst v63  }
0x14: {  	_ =	swait.ge [sflag:s11], $0x1900  }
0x15: {  	[sflag:s11] =	ssyncset.done $0x0  }
0x16: {  	s8 =	simm.s32 $0x1900;
	s12 =	rddreg [dreg:$0x7];
	[sflag:s11] =	ssyncadd.s32 $0xFFFFE700  }
0x17: {  	[tilespmem:s8], [sflag:$0xB] =	stream.linear.gather [hbm4b:s12+s6], $0x1900, $0x38;
	[tilespmem:$0x15E00] =	vst v63  }
0x18: {  	_ =	swait.ge [sflag:s11], $0x1900  }
0x19: {  	[sflag:s11] =	ssyncset.done $0x0  }
0x1a: {  	[sflag:s11] =	ssyncadd.s32 $0xFFFFE700  }
0x1b: {  	s9 =	simm.s32 $0xFA00;
	s19 =	rddreg [dreg:$0x2]  }
0x1c: {  	[tilespmem:s9], [sflag:$0xB] =	stream.linear.gather [hbm4b:s19+s6], $0x6400, $0x38;
	[tilespmem:$0x15E00] =	vst v63  }
0x1d: {  	_ =	swait.ge [sflag:s11], $0x6400  }
0x1e: {  	[sflag:s11] =	ssyncset.done $0x0  }
0x1f: {  	[sflag:s11] =	ssyncadd.s32 $0xFFFF9C00  }
0x20: {  	[tilespmem:s15], [sflag:$0x1] =	stream.indirect.gather [hbm4b:s1+s14], $0x80, s6, s14, $0xb8;
	[tilespmem:$0x15E00] =	vst v63  }
0x21: {  	s10 =	simm.s32 $0x9600  }
0x22: {  	[tilespmem:s10], [sflag:$0x1] =	stream.indirect.gather [hbm4b:s4+s14], $0x80, s8, s14, $0xb8;
	[tilespmem:$0x15E00] =	vst v63  }
0x23: {  	_ = 	snop  }
0x24: {  	[tilespmem:s17], [sflag:$0x2] =	stream.indirect.gather [hbm4b:s1+s14], $0x80, s14, s14, $0xb8;
	[tilespmem:$0x15E00] =	vst v63  }
0x25: {  	s12 =	simm.s32 $0x1928;
	s19 =	simm.s32 $0xAA00  }
0x26: {  	[tilespmem:s19], [sflag:$0x2] =	stream.indirect.gather [hbm4b:s4+s14], $0x80, s12, s14, $0xb8;
	[tilespmem:$0x15E00] =	vst v63  }
0x27: {  	s12 =	simm.s32 $0x0  }
.LBB2_2:
0x28: {  	p0 =	seq.s32 s12, $0x0  }
0x29: {  	s3 =	simm.s32 @!p0 $0x8  }
0x2a: {  	s8 =	smul.u32 $0xC8, s12;
	_ =	swait.ge @!p0 [sflag:s3], $0x1400  }
0x2b: {  	[sflag:s3] =	ssyncset.done @!p0 $0x0  }
0x2c: {  	s10 =	sadd.s32 $0x50, s8;
	[sflag:s3] =	ssyncadd.s32 @!p0 $0xFFFFEC00  }
0x2d: {  	[tilespmem:s20], [sflag:$0x3] =	stream.indirect.gather [hbm4b:s1+s14], $0x80, s10, s14, $0xb8;
	[tilespmem:$0x15E00] =	vst v63  }
0x2e: {  	s19 =	sadd.s32 $0x1950, s8  }
0x2f: {  	[tilespmem:s21], [sflag:$0x3] =	stream.indirect.gather [hbm4b:s4+s14], $0x80, s19, s14, $0xb8;
	[tilespmem:$0x15E00] =	vst v63  }
0x30: {  	_ =	swait.ge [sflag:s22], $0x1400  }
0x31: {  	[sflag:s22] =	ssyncset.done $0x0  }
0x32: {  	[sflag:s22] =	ssyncadd.s32 $0xFFFFEC00  }
0x33: {  	_ =	swait.ge [sflag:s22], $0x1400  }
0x34: {  	[sflag:s22] =	ssyncset.done $0x0  }
0x35: {  	s19 =	simm.s32 $0x0;
	[sflag:s22] =	ssyncadd.s32 $0xFFFFEC00  }
0x36: {  	v0 =	vld [tilespmem:s19+$0x96F0]  }
0x37: {  	v1 =	vld [tilespmem:s19+$0xFAF0]  }
0x38: {  	v2 =	vld [tilespmem:s19+$0x9600]  }
0x39: {  	v3 =	vld [tilespmem:s19+$0xFA00]  }
0x3a: {  	v4 =	vld [tilespmem:s19+$0x9610]  }
0x3b: {  	v5 =	vld [tilespmem:s19+$0xFA10]  }
0x3c: {  	v6 =	vld [tilespmem:s19+$0x9620]  }
0x3d: {  	v7 =	vld [tilespmem:s19+$0xFA30]  }
0x3e: {  	v8 =	vld [tilespmem:s19+$0x9640]  }
0x3f: {  	v9 =	vld [tilespmem:s19+$0xFA40]  }
0x40: {  	v10 =	vld [tilespmem:s19+$0x9650]  }
0x41: {  	v11 =	vld [tilespmem:s19+$0xFA50]  }
0x42: {  	v12 =	vld [tilespmem:s19+$0x9660]  }
0x43: {  	v13 =	vld [tilespmem:s19+$0xFA60]  }
0x44: {  	v14 =	vld [tilespmem:s19+$0x9670]  }
0x45: {  	v15 =	vld [tilespmem:s19+$0xFA70]  }
0x46: {  	v16 =	vld [tilespmem:s19+$0x9680]  }
0x47: {  	v17 =	vld [tilespmem:s19+$0xFA80]  }
0x48: {  	v18 =	vld [tilespmem:s19+$0x9690]  }
0x49: {  	v19 =	vld [tilespmem:s19+$0xFA90]  }
0x4a: {  	v20 =	vld [tilespmem:s19+$0x96A0]  }
0x4b: {  	v21 =	vld [tilespmem:s19+$0xFAA0]  }
0x4c: {  	v22 =	vld [tilespmem:s19+$0x96B0]  }
0x4d: {  	v23 =	vld [tilespmem:s19+$0xFAB0]  }
0x4e: {  	v24 =	vld [tilespmem:s19+$0x96C0]  }
0x4f: {  	v25 =	vld [tilespmem:s19+$0xFAC0]  }
0x50: {  	v26 =	vld [tilespmem:s19+$0x96D0]  }
0x51: {  	v27 =	vld [tilespmem:s19+$0xFAD0]  }
0x52: {  	v63 =	vld [tilespmem:s19+$0xFAE0];
	v0 =	vadd.f32 v1, v0  }
0x53: {  	v1 =	vld [tilespmem:s19+$0xFA20]  }
0x54: {  	v2 =	vadd.f32 v3, v2;
	[tilespmem:s19+$0x32F0] =	vst.add.f32.msk $0xffff, v0  }
0x55: {  	v0 =	vld [tilespmem:s19+$0x9630]  }
0x56: {  	[tilespmem:s19+$0x3200] =	vst.add.f32.msk $0xffff, v2;
	v2 =	vadd.f32 v9, v8  }
0x57: {  	v3 =	vld [tilespmem:s19+$0x96E0];
	v4 =	vadd.f32 v5, v4  }
0x58: {  	[tilespmem:s19+$0x3240] =	vst.add.f32.msk $0xffff, v2;
	v2 =	vadd.f32 v15, v14  }
0x59: {  	[tilespmem:s19+$0x3210] =	vst.add.f32.msk $0xffff, v4;
	v1 =	vadd.f32 v1, v6  }
0x5a: {  	[tilespmem:s19+$0x3270] =	vst.add.f32.msk $0xffff, v2;
	v2 =	vadd.f32 v21, v20  }
0x5b: {  	v0 =	vadd.f32 v7, v0;
	[tilespmem:s19+$0x3220] =	vst.add.f32.msk $0xffff, v1  }
0x5c: {  	v1 =	vadd.f32 v11, v10;
	[tilespmem:s19+$0x32A0] =	vst.add.f32.msk $0xffff, v2  }
0x5d: {  	[tilespmem:s19+$0x3230] =	vst.add.f32.msk $0xffff, v0;
	v0 =	vadd.f32 v13, v12  }
0x5e: {  	v2 =	vadd.f32 v27, v26;
	[tilespmem:s19+$0x3250] =	vst.add.f32.msk $0xffff, v1  }
0x5f: {  	[tilespmem:s19+$0x3260] =	vst.add.f32.msk $0xffff, v0;
	v0 =	vadd.f32 v19, v18  }
0x60: {  	v1 =	vadd.f32 v17, v16;
	[tilespmem:s19+$0x32D0] =	vst.add.f32.msk $0xffff, v2  }
0x61: {  	[tilespmem:s19+$0x3290] =	vst.add.f32.msk $0xffff, v0;
	v0 =	vadd.f32 v25, v24  }
0x62: {  	[tilespmem:s19+$0x3280] =	vst.add.f32.msk $0xffff, v1;
	v1 =	vadd.f32 v23, v22  }
0x63: {  	[tilespmem:s19+$0x32C0] =	vst.add.f32.msk $0xffff, v0;
	v0 =	vadd.f32 v63, v3  }
0x64: {  	s9 =	simm.s32 $0x0;
	s10 =	simm.s32 $0x400;
	[tilespmem:s19+$0x32B0] =	vst.add.f32.msk $0xffff, v1  }
.LBB2_3:
0x65: {  	[tilespmem:s19+$0x32E0] =	vst.add.f32.msk $0xffff, v0;
	s19 =	sshra.s32 s10, $0x2  }
0x66: {  	s9 =	sadd.s32 $0x2, s9;
	v0 =	vld [tilespmem:s19+$0x96F0]  }
0x67: {  	p1 =	slt.u32 s9, $0x26;
	v1 =	vld [tilespmem:s19+$0xFAF0]  }
0x68: {  	v2 =	vld [tilespmem:s19+$0x9600]  }
0x69: {  	v3 =	vld [tilespmem:s19+$0xFA00]  }
0x6a: {  	v4 =	vld [tilespmem:s19+$0x9610]  }
0x6b: {  	v5 =	vld [tilespmem:s19+$0xFA10]  }
0x6c: {  	v6 =	vld [tilespmem:s19+$0x9620];
	v0 =	vadd.f32 v1, v0  }
0x6d: {  	v1 =	vld [tilespmem:s19+$0xFA20]  }
0x6e: {  	v2 =	vadd.f32 v3, v2;
	[tilespmem:s19+$0x32F0] =	vst.add.f32.msk $0xffff, v0  }
0x6f: {  	v0 =	vld [tilespmem:s19+$0x9630]  }
0x70: {  	v3 =	vadd.f32 v5, v4;
	v4 =	vld [tilespmem:s19+$0xFA30]  }
0x71: {  	v5 =	vld [tilespmem:s19+$0x9640]  }
0x72: {  	v1 =	vadd.f32 v1, v6;
	v6 =	vld [tilespmem:s19+$0xFA40]  }
0x73: {  	v7 =	vld [tilespmem:s19+$0x9650]  }
0x74: {  	v8 =	vld [tilespmem:s19+$0xFA50]  }
0x75: {  	v0 =	vadd.f32 v4, v0;
	v4 =	vld [tilespmem:s19+$0x9660]  }
0x76: {  	v9 =	vld [tilespmem:s19+$0xFA60]  }
0x77: {  	v5 =	vadd.f32 v6, v5;
	v6 =	vld [tilespmem:s19+$0x9670]  }
0x78: {  	v10 =	vld [tilespmem:s19+$0xFA70]  }
0x79: {  	v7 =	vadd.f32 v8, v7;
	v8 =	vld [tilespmem:s19+$0x9680]  }
0x7a: {  	v11 =	vld [tilespmem:s19+$0xFA80]  }
0x7b: {  	v4 =	vadd.f32 v9, v4;
	v9 =	vld [tilespmem:s19+$0x9690]  }
0x7c: {  	v12 =	vld [tilespmem:s19+$0xFA90]  }
0x7d: {  	v6 =	vadd.f32 v10, v6;
	v10 =	vld [tilespmem:s19+$0x96A0]  }
0x7e: {  	v13 =	vld [tilespmem:s19+$0xFAA0]  }
0x7f: {  	v8 =	vadd.f32 v11, v8;
	v11 =	vld [tilespmem:s19+$0x96B0]  }
0x80: {  	v14 =	vld [tilespmem:s19+$0xFAB0]  }
0x81: {  	v9 =	vadd.f32 v12, v9;
	v12 =	vld [tilespmem:s19+$0x96C0]  }
0x82: {  	v15 =	vld [tilespmem:s19+$0xFAC0]  }
0x83: {  	v10 =	vadd.f32 v13, v10;
	v13 =	vld [tilespmem:s19+$0x96D0]  }
0x84: {  	v16 =	vld [tilespmem:s19+$0xFAD0]  }
0x85: {  	v11 =	vadd.f32 v14, v11;
	v14 =	vld [tilespmem:s19+$0x96E0]  }
0x86: {  	v17 =	vld [tilespmem:s19+$0xFAE0]  }
0x87: {  	[tilespmem:s19+$0x3200] =	vst.add.f32.msk $0xffff, v2;
	v2 =	vadd.f32 v15, v12  }
0x88: {  	[tilespmem:s19+$0x3210] =	vst.add.f32.msk $0xffff, v3  }
0x89: {  	[tilespmem:s19+$0x3220] =	vst.add.f32.msk $0xffff, v1;
	v1 =	vadd.f32 v16, v13  }
0x8a: {  	[tilespmem:s19+$0x3230] =	vst.add.f32.msk $0xffff, v0  }
0x8b: {  	[tilespmem:s19+$0x3240] =	vst.add.f32.msk $0xffff, v5;
	v0 =	vadd.f32 v17, v14  }
0x8c: {  	[tilespmem:s19+$0x3250] =	vst.add.f32.msk $0xffff, v7  }
0x8d: {  	[tilespmem:s19+$0x3260] =	vst.add.f32.msk $0xffff, v4  }
0x8e: {  	[tilespmem:s19+$0x3270] =	vst.add.f32.msk $0xffff, v6  }
0x8f: {  	[tilespmem:s19+$0x3280] =	vst.add.f32.msk $0xffff, v8  }
.Ltmp0:
0x90: {  	[tilespmem:s19+$0x3290] =	vst.add.f32.msk $0xffff, v9;
	(pc) =	sbr.rel @p1 .LBB2_3-.Ltmp0, $4  }
0x91: {  	[tilespmem:s19+$0x32A0] =	vst.add.f32.msk $0xffff, v10  }
0x92: {  	[tilespmem:s19+$0x32B0] =	vst.add.f32.msk $0xffff, v11  }
0x93: {  	[tilespmem:s19+$0x32C0] =	vst.add.f32.msk $0xffff, v2  }
0x94: {  	s10 =	sadd.s32 $0x400, s10;
	[tilespmem:s19+$0x32D0] =	vst.add.f32.msk $0xffff, v1  }
0x95: {  	s3 =	sadd.s32 s7, s12  }
0x96: {  	s3 =	smul.u32 $0x6400, s3;
	_ =	sdelay $0x1  }
0x97: {  	s3 =	sshrl.u32 s3, $0x3  }
0x98: {  	[tilespmem:s19+$0x32E0] =	vst.add.f32.msk $0xffff, v0;
	s19 =	sadd.s32 s5, s3;
	s3 =	simm.s32 @!p0 $0x9  }
0x99: {  	[hbm4b:s19+s6] =	stream.linear.scatter [tilespmem:s15], [sflag:$0x6], $0x1400, $0x38;
	[tilespmem:$0x15E00] =	vst v63  }
0x9a: {  	_ =	swait.ge @!p0 [sflag:s3], $0x1400  }
0x9b: {  	[sflag:s3] =	ssyncset.done @!p0 $0x0  }
0x9c: {  	s9 =	sadd.s32 $0x78, s8;
	[sflag:s3] =	ssyncadd.s32 @!p0 $0xFFFFEC00  }
0x9d: {  	[tilespmem:s23], [sflag:$0x4] =	stream.indirect.gather [hbm4b:s1+s14], $0x80, s9, s14, $0xb8;
	[tilespmem:$0x15E00] =	vst v63  }
0x9e: {  	s10 =	sadd.s32 $0x1978, s8  }
0x9f: {  	[tilespmem:s24], [sflag:$0x4] =	stream.indirect.gather [hbm4b:s4+s14], $0x80, s10, s14, $0xb8;
	[tilespmem:$0x15E00] =	vst v63  }
0xa0: {  	_ =	swait.ge [sflag:s25], $0x1400  }
0xa1: {  	[sflag:s25] =	ssyncset.done $0x0  }
0xa2: {  	[sflag:s25] =	ssyncadd.s32 $0xFFFFEC00  }
0xa3: {  	_ =	swait.ge [sflag:s25], $0x1400  }
0xa4: {  	[sflag:s25] =	ssyncset.done $0x0  }
0xa5: {  	s9 =	simm.s32 $0x0;
	[sflag:s25] =	ssyncadd.s32 $0xFFFFEC00  }
0xa6: {  	v0 =	vld [tilespmem:s9+$0xAAF0]  }
0xa7: {  	v1 =	vld [tilespmem:s9+$0x10EF0]  }
0xa8: {  	v2 =	vld [tilespmem:s9+$0xAA00]  }
0xa9: {  	v3 =	vld [tilespmem:s9+$0x10E00]  }
0xaa: {  	v4 =	vld [tilespmem:s9+$0xAA10]  }
0xab: {  	v5 =	vld [tilespmem:s9+$0x10E10]  }
0xac: {  	v6 =	vld [tilespmem:s9+$0xAA20]  }
0xad: {  	v7 =	vld [tilespmem:s9+$0x10E30]  }
0xae: {  	v8 =	vld [tilespmem:s9+$0xAA40]  }
0xaf: {  	v9 =	vld [tilespmem:s9+$0x10E40]  }
0xb0: {  	v10 =	vld [tilespmem:s9+$0xAA50]  }
0xb1: {  	v11 =	vld [tilespmem:s9+$0x10E50]  }
0xb2: {  	v12 =	vld [tilespmem:s9+$0xAA60]  }
0xb3: {  	v13 =	vld [tilespmem:s9+$0x10E60]  }
0xb4: {  	v14 =	vld [tilespmem:s9+$0xAA70]  }
0xb5: {  	v15 =	vld [tilespmem:s9+$0x10E70]  }
0xb6: {  	v16 =	vld [tilespmem:s9+$0xAA80]  }
0xb7: {  	v17 =	vld [tilespmem:s9+$0x10E80]  }
0xb8: {  	v18 =	vld [tilespmem:s9+$0xAA90]  }
0xb9: {  	v19 =	vld [tilespmem:s9+$0x10E90]  }
0xba: {  	v20 =	vld [tilespmem:s9+$0xAAA0]  }
0xbb: {  	v21 =	vld [tilespmem:s9+$0x10EA0]  }
0xbc: {  	v22 =	vld [tilespmem:s9+$0xAAB0]  }
0xbd: {  	v23 =	vld [tilespmem:s9+$0x10EB0]  }
0xbe: {  	v24 =	vld [tilespmem:s9+$0xAAC0]  }
0xbf: {  	v25 =	vld [tilespmem:s9+$0x10EC0]  }
0xc0: {  	v26 =	vld [tilespmem:s9+$0xAAD0]  }
0xc1: {  	v27 =	vld [tilespmem:s9+$0x10ED0]  }
0xc2: {  	v63 =	vld [tilespmem:s9+$0x10EE0];
	v0 =	vadd.f32 v1, v0  }
0xc3: {  	v1 =	vld [tilespmem:s9+$0x10E20]  }
0xc4: {  	v2 =	vadd.f32 v3, v2;
	[tilespmem:s9+$0x46F0] =	vst.add.f32.msk $0xffff, v0  }
0xc5: {  	v0 =	vld [tilespmem:s9+$0xAA30]  }
0xc6: {  	[tilespmem:s9+$0x4600] =	vst.add.f32.msk $0xffff, v2;
	v2 =	vadd.f32 v9, v8  }
0xc7: {  	v3 =	vld [tilespmem:s9+$0xAAE0];
	v4 =	vadd.f32 v5, v4  }
0xc8: {  	[tilespmem:s9+$0x4640] =	vst.add.f32.msk $0xffff, v2;
	v2 =	vadd.f32 v15, v14  }
0xc9: {  	[tilespmem:s9+$0x4610] =	vst.add.f32.msk $0xffff, v4;
	v1 =	vadd.f32 v1, v6  }
0xca: {  	[tilespmem:s9+$0x4670] =	vst.add.f32.msk $0xffff, v2;
	v2 =	vadd.f32 v21, v20  }
0xcb: {  	v0 =	vadd.f32 v7, v0;
	[tilespmem:s9+$0x4620] =	vst.add.f32.msk $0xffff, v1  }
0xcc: {  	v1 =	vadd.f32 v11, v10;
	[tilespmem:s9+$0x46A0] =	vst.add.f32.msk $0xffff, v2  }
0xcd: {  	[tilespmem:s9+$0x4630] =	vst.add.f32.msk $0xffff, v0;
	v0 =	vadd.f32 v13, v12  }
0xce: {  	v2 =	vadd.f32 v27, v26;
	[tilespmem:s9+$0x4650] =	vst.add.f32.msk $0xffff, v1  }
0xcf: {  	[tilespmem:s9+$0x4660] =	vst.add.f32.msk $0xffff, v0;
	v0 =	vadd.f32 v19, v18  }
0xd0: {  	v1 =	vadd.f32 v17, v16;
	[tilespmem:s9+$0x46D0] =	vst.add.f32.msk $0xffff, v2  }
0xd1: {  	[tilespmem:s9+$0x4690] =	vst.add.f32.msk $0xffff, v0;
	v0 =	vadd.f32 v25, v24  }
0xd2: {  	[tilespmem:s9+$0x4680] =	vst.add.f32.msk $0xffff, v1;
	v1 =	vadd.f32 v23, v22  }
0xd3: {  	[tilespmem:s9+$0x46C0] =	vst.add.f32.msk $0xffff, v0;
	v0 =	vadd.f32 v63, v3  }
0xd4: {  	s3 =	simm.s32 $0x400;
	s10 =	simm.s32 $0x0;
	[tilespmem:s9+$0x46B0] =	vst.add.f32.msk $0xffff, v1  }
.LBB2_5:
0xd5: {  	[tilespmem:s9+$0x46E0] =	vst.add.f32.msk $0xffff, v0;
	s9 =	sshra.s32 s3, $0x2  }
0xd6: {  	s10 =	sadd.s32 $0x2, s10;
	v0 =	vld [tilespmem:s9+$0xAAF0]  }
0xd7: {  	p1 =	slt.u32 s10, $0x26;
	v1 =	vld [tilespmem:s9+$0x10EF0]  }
0xd8: {  	v2 =	vld [tilespmem:s9+$0xAA00]  }
0xd9: {  	v3 =	vld [tilespmem:s9+$0x10E00]  }
0xda: {  	v4 =	vld [tilespmem:s9+$0xAA10]  }
0xdb: {  	v5 =	vld [tilespmem:s9+$0x10E10]  }
0xdc: {  	v6 =	vld [tilespmem:s9+$0xAA20];
	v0 =	vadd.f32 v1, v0  }
0xdd: {  	v1 =	vld [tilespmem:s9+$0x10E20]  }
0xde: {  	v2 =	vadd.f32 v3, v2;
	[tilespmem:s9+$0x46F0] =	vst.add.f32.msk $0xffff, v0  }
0xdf: {  	v0 =	vld [tilespmem:s9+$0xAA30]  }
0xe0: {  	v3 =	vadd.f32 v5, v4;
	v4 =	vld [tilespmem:s9+$0x10E30]  }
0xe1: {  	v5 =	vld [tilespmem:s9+$0xAA40]  }
0xe2: {  	v1 =	vadd.f32 v1, v6;
	v6 =	vld [tilespmem:s9+$0x10E40]  }
0xe3: {  	v7 =	vld [tilespmem:s9+$0xAA50]  }
0xe4: {  	v8 =	vld [tilespmem:s9+$0x10E50]  }
0xe5: {  	v0 =	vadd.f32 v4, v0;
	v4 =	vld [tilespmem:s9+$0xAA60]  }
0xe6: {  	v9 =	vld [tilespmem:s9+$0x10E60]  }
0xe7: {  	v5 =	vadd.f32 v6, v5;
	v6 =	vld [tilespmem:s9+$0xAA70]  }
0xe8: {  	v10 =	vld [tilespmem:s9+$0x10E70]  }
0xe9: {  	v7 =	vadd.f32 v8, v7;
	v8 =	vld [tilespmem:s9+$0xAA80]  }
0xea: {  	v11 =	vld [tilespmem:s9+$0x10E80]  }
0xeb: {  	v4 =	vadd.f32 v9, v4;
	v9 =	vld [tilespmem:s9+$0xAA90]  }
0xec: {  	v12 =	vld [tilespmem:s9+$0x10E90]  }
0xed: {  	v6 =	vadd.f32 v10, v6;
	v10 =	vld [tilespmem:s9+$0xAAA0]  }
0xee: {  	v13 =	vld [tilespmem:s9+$0x10EA0]  }
0xef: {  	v8 =	vadd.f32 v11, v8;
	v11 =	vld [tilespmem:s9+$0xAAB0]  }
0xf0: {  	v14 =	vld [tilespmem:s9+$0x10EB0]  }
0xf1: {  	v9 =	vadd.f32 v12, v9;
	v12 =	vld [tilespmem:s9+$0xAAC0]  }
0xf2: {  	v15 =	vld [tilespmem:s9+$0x10EC0]  }
0xf3: {  	v10 =	vadd.f32 v13, v10;
	v13 =	vld [tilespmem:s9+$0xAAD0]  }
0xf4: {  	v16 =	vld [tilespmem:s9+$0x10ED0]  }
0xf5: {  	v11 =	vadd.f32 v14, v11;
	v14 =	vld [tilespmem:s9+$0xAAE0]  }
0xf6: {  	v17 =	vld [tilespmem:s9+$0x10EE0]  }
0xf7: {  	[tilespmem:s9+$0x4600] =	vst.add.f32.msk $0xffff, v2;
	v2 =	vadd.f32 v15, v12  }
0xf8: {  	[tilespmem:s9+$0x4610] =	vst.add.f32.msk $0xffff, v3  }
0xf9: {  	[tilespmem:s9+$0x4620] =	vst.add.f32.msk $0xffff, v1;
	v1 =	vadd.f32 v16, v13  }
0xfa: {  	[tilespmem:s9+$0x4630] =	vst.add.f32.msk $0xffff, v0  }
0xfb: {  	[tilespmem:s9+$0x4640] =	vst.add.f32.msk $0xffff, v5;
	v0 =	vadd.f32 v17, v14  }
0xfc: {  	[tilespmem:s9+$0x4650] =	vst.add.f32.msk $0xffff, v7  }
0xfd: {  	[tilespmem:s9+$0x4660] =	vst.add.f32.msk $0xffff, v4  }
0xfe: {  	[tilespmem:s9+$0x4670] =	vst.add.f32.msk $0xffff, v6  }
0xff: {  	[tilespmem:s9+$0x4680] =	vst.add.f32.msk $0xffff, v8  }
.Ltmp1:
0x100: {  	[tilespmem:s9+$0x4690] =	vst.add.f32.msk $0xffff, v9;
	(pc) =	sbr.rel @p1 .LBB2_5-.Ltmp1, $4  }
0x101: {  	[tilespmem:s9+$0x46A0] =	vst.add.f32.msk $0xffff, v10  }
0x102: {  	[tilespmem:s9+$0x46B0] =	vst.add.f32.msk $0xffff, v11  }
0x103: {  	[tilespmem:s9+$0x46C0] =	vst.add.f32.msk $0xffff, v2  }
0x104: {  	s3 =	sadd.s32 $0x400, s3;
	[tilespmem:s9+$0x46D0] =	vst.add.f32.msk $0xffff, v1  }
0x105: {  	[tilespmem:s9+$0x46E0] =	vst.add.f32.msk $0xffff, v0;
	s3 =	sadd.s32 $0x280, s19  }
0x106: {  	[hbm4b:s3+s6] =	stream.linear.scatter [tilespmem:s17], [sflag:$0x7], $0x1400, $0x38;
	[tilespmem:$0x15E00] =	vst v63  }
0x107: {  	s3 =	simm.s32 @!p0 $0xA  }
0x108: {  	_ =	swait.ge @!p0 [sflag:s3], $0x1400  }
0x109: {  	[sflag:s3] =	ssyncset.done @!p0 $0x0  }
0x10a: {  	s9 =	sadd.s32 $0xA0, s8;
	[sflag:s3] =	ssyncadd.s32 @!p0 $0xFFFFEC00  }
0x10b: {  	[tilespmem:s26], [sflag:$0x5] =	stream.indirect.gather [hbm4b:s1+s14], $0x80, s9, s14, $0xb8;
	[tilespmem:$0x15E00] =	vst v63  }
0x10c: {  	s10 =	sadd.s32 $0x19A0, s8  }
0x10d: {  	[tilespmem:s28], [sflag:$0x5] =	stream.indirect.gather [hbm4b:s4+s14], $0x80, s10, s14, $0xb8;
	[tilespmem:$0x15E00] =	vst v63  }
0x10e: {  	_ =	swait.ge [sflag:s29], $0x1400  }
0x10f: {  	[sflag:s29] =	ssyncset.done $0x0  }
0x110: {  	[sflag:s29] =	ssyncadd.s32 $0xFFFFEC00  }
0x111: {  	_ =	swait.ge [sflag:s29], $0x1400  }
0x112: {  	[sflag:s29] =	ssyncset.done $0x0  }
0x113: {  	s8 =	simm.s32 $0x0;
	[sflag:s29] =	ssyncadd.s32 $0xFFFFEC00  }
0x114: {  	v0 =	vld [tilespmem:s8+$0xBEF0]  }
0x115: {  	v1 =	vld [tilespmem:s8+$0x122F0]  }
0x116: {  	v2 =	vld [tilespmem:s8+$0xBE00]  }
0x117: {  	v3 =	vld [tilespmem:s8+$0x12200]  }
0x118: {  	v4 =	vld [tilespmem:s8+$0xBE10]  }
0x119: {  	v5 =	vld [tilespmem:s8+$0x12210]  }
0x11a: {  	v6 =	vld [tilespmem:s8+$0xBE20]  }
0x11b: {  	v7 =	vld [tilespmem:s8+$0x12230]  }
0x11c: {  	v8 =	vld [tilespmem:s8+$0xBE40]  }
0x11d: {  	v9 =	vld [tilespmem:s8+$0x12240]  }
0x11e: {  	v10 =	vld [tilespmem:s8+$0xBE50]  }
0x11f: {  	v11 =	vld [tilespmem:s8+$0x12250]  }
0x120: {  	v12 =	vld [tilespmem:s8+$0xBE60]  }
0x121: {  	v13 =	vld [tilespmem:s8+$0x12260]  }
0x122: {  	v14 =	vld [tilespmem:s8+$0xBE70]  }
0x123: {  	v15 =	vld [tilespmem:s8+$0x12270]  }
0x124: {  	v16 =	vld [tilespmem:s8+$0xBE80]  }
0x125: {  	v17 =	vld [tilespmem:s8+$0x12280]  }
0x126: {  	v18 =	vld [tilespmem:s8+$0xBE90]  }
0x127: {  	v19 =	vld [tilespmem:s8+$0x12290]  }
0x128: {  	v20 =	vld [tilespmem:s8+$0xBEA0]  }
0x129: {  	v21 =	vld [tilespmem:s8+$0x122A0]  }
0x12a: {  	v22 =	vld [tilespmem:s8+$0xBEB0]  }
0x12b: {  	v23 =	vld [tilespmem:s8+$0x122B0]  }
0x12c: {  	v24 =	vld [tilespmem:s8+$0xBEC0]  }
0x12d: {  	v25 =	vld [tilespmem:s8+$0x122C0]  }
0x12e: {  	v26 =	vld [tilespmem:s8+$0xBED0]  }
0x12f: {  	v27 =	vld [tilespmem:s8+$0x122D0]  }
0x130: {  	v63 =	vld [tilespmem:s8+$0x122E0];
	v0 =	vadd.f32 v1, v0  }
0x131: {  	v1 =	vld [tilespmem:s8+$0x12220]  }
0x132: {  	v2 =	vadd.f32 v3, v2;
	[tilespmem:s8+$0x5AF0] =	vst.add.f32.msk $0xffff, v0  }
0x133: {  	v0 =	vld [tilespmem:s8+$0xBE30]  }
0x134: {  	[tilespmem:s8+$0x5A00] =	vst.add.f32.msk $0xffff, v2;
	v2 =	vadd.f32 v9, v8  }
0x135: {  	v3 =	vld [tilespmem:s8+$0xBEE0];
	v4 =	vadd.f32 v5, v4  }
0x136: {  	[tilespmem:s8+$0x5A40] =	vst.add.f32.msk $0xffff, v2;
	v2 =	vadd.f32 v15, v14  }
0x137: {  	[tilespmem:s8+$0x5A10] =	vst.add.f32.msk $0xffff, v4;
	v1 =	vadd.f32 v1, v6  }
0x138: {  	[tilespmem:s8+$0x5A70] =	vst.add.f32.msk $0xffff, v2;
	v2 =	vadd.f32 v21, v20  }
0x139: {  	v0 =	vadd.f32 v7, v0;
	[tilespmem:s8+$0x5A20] =	vst.add.f32.msk $0xffff, v1  }
0x13a: {  	v1 =	vadd.f32 v11, v10;
	[tilespmem:s8+$0x5AA0] =	vst.add.f32.msk $0xffff, v2  }
0x13b: {  	[tilespmem:s8+$0x5A30] =	vst.add.f32.msk $0xffff, v0;
	v0 =	vadd.f32 v13, v12  }
0x13c: {  	v2 =	vadd.f32 v27, v26;
	[tilespmem:s8+$0x5A50] =	vst.add.f32.msk $0xffff, v1  }
0x13d: {  	[tilespmem:s8+$0x5A60] =	vst.add.f32.msk $0xffff, v0;
	v0 =	vadd.f32 v19, v18  }
0x13e: {  	v1 =	vadd.f32 v17, v16;
	[tilespmem:s8+$0x5AD0] =	vst.add.f32.msk $0xffff, v2  }
0x13f: {  	[tilespmem:s8+$0x5A90] =	vst.add.f32.msk $0xffff, v0;
	v0 =	vadd.f32 v25, v24  }
0x140: {  	[tilespmem:s8+$0x5A80] =	vst.add.f32.msk $0xffff, v1;
	v1 =	vadd.f32 v23, v22  }
0x141: {  	[tilespmem:s8+$0x5AC0] =	vst.add.f32.msk $0xffff, v0;
	v0 =	vadd.f32 v63, v3  }
0x142: {  	s3 =	simm.s32 $0x400;
	s9 =	simm.s32 $0x0;
	[tilespmem:s8+$0x5AB0] =	vst.add.f32.msk $0xffff, v1  }
.LBB2_7:
0x143: {  	[tilespmem:s8+$0x5AE0] =	vst.add.f32.msk $0xffff, v0;
	s8 =	sshra.s32 s3, $0x2  }
0x144: {  	s9 =	sadd.s32 $0x2, s9;
	v0 =	vld [tilespmem:s8+$0xBEF0]  }
0x145: {  	p0 =	slt.u32 s9, $0x26;
	v1 =	vld [tilespmem:s8+$0x122F0]  }
0x146: {  	v2 =	vld [tilespmem:s8+$0xBE00]  }
0x147: {  	v3 =	vld [tilespmem:s8+$0x12200]  }
0x148: {  	v4 =	vld [tilespmem:s8+$0xBE10]  }
0x149: {  	v5 =	vld [tilespmem:s8+$0x12210]  }
0x14a: {  	v6 =	vld [tilespmem:s8+$0xBE20];
	v0 =	vadd.f32 v1, v0  }
0x14b: {  	v1 =	vld [tilespmem:s8+$0x12220]  }
0x14c: {  	v2 =	vadd.f32 v3, v2;
	[tilespmem:s8+$0x5AF0] =	vst.add.f32.msk $0xffff, v0  }
0x14d: {  	v0 =	vld [tilespmem:s8+$0xBE30]  }
0x14e: {  	v3 =	vadd.f32 v5, v4;
	v4 =	vld [tilespmem:s8+$0x12230]  }
0x14f: {  	v5 =	vld [tilespmem:s8+$0xBE40]  }
0x150: {  	v1 =	vadd.f32 v1, v6;
	v6 =	vld [tilespmem:s8+$0x12240]  }
0x151: {  	v7 =	vld [tilespmem:s8+$0xBE50]  }
0x152: {  	v8 =	vld [tilespmem:s8+$0x12250]  }
0x153: {  	v0 =	vadd.f32 v4, v0;
	v4 =	vld [tilespmem:s8+$0xBE60]  }
0x154: {  	v9 =	vld [tilespmem:s8+$0x12260]  }
0x155: {  	v5 =	vadd.f32 v6, v5;
	v6 =	vld [tilespmem:s8+$0xBE70]  }
0x156: {  	v10 =	vld [tilespmem:s8+$0x12270]  }
0x157: {  	v7 =	vadd.f32 v8, v7;
	v8 =	vld [tilespmem:s8+$0xBE80]  }
0x158: {  	v11 =	vld [tilespmem:s8+$0x12280]  }
0x159: {  	v4 =	vadd.f32 v9, v4;
	v9 =	vld [tilespmem:s8+$0xBE90]  }
0x15a: {  	v12 =	vld [tilespmem:s8+$0x12290]  }
0x15b: {  	v6 =	vadd.f32 v10, v6;
	v10 =	vld [tilespmem:s8+$0xBEA0]  }
0x15c: {  	v13 =	vld [tilespmem:s8+$0x122A0]  }
0x15d: {  	v8 =	vadd.f32 v11, v8;
	v11 =	vld [tilespmem:s8+$0xBEB0]  }
0x15e: {  	v14 =	vld [tilespmem:s8+$0x122B0]  }
0x15f: {  	v9 =	vadd.f32 v12, v9;
	v12 =	vld [tilespmem:s8+$0xBEC0]  }
0x160: {  	v15 =	vld [tilespmem:s8+$0x122C0]  }
0x161: {  	v10 =	vadd.f32 v13, v10;
	v13 =	vld [tilespmem:s8+$0xBED0]  }
0x162: {  	v16 =	vld [tilespmem:s8+$0x122D0]  }
0x163: {  	v11 =	vadd.f32 v14, v11;
	v14 =	vld [tilespmem:s8+$0xBEE0]  }
0x164: {  	v17 =	vld [tilespmem:s8+$0x122E0]  }
0x165: {  	[tilespmem:s8+$0x5A00] =	vst.add.f32.msk $0xffff, v2;
	v2 =	vadd.f32 v15, v12  }
0x166: {  	[tilespmem:s8+$0x5A10] =	vst.add.f32.msk $0xffff, v3  }
0x167: {  	[tilespmem:s8+$0x5A20] =	vst.add.f32.msk $0xffff, v1;
	v1 =	vadd.f32 v16, v13  }
0x168: {  	[tilespmem:s8+$0x5A30] =	vst.add.f32.msk $0xffff, v0  }
0x169: {  	[tilespmem:s8+$0x5A40] =	vst.add.f32.msk $0xffff, v5;
	v0 =	vadd.f32 v17, v14  }
0x16a: {  	[tilespmem:s8+$0x5A50] =	vst.add.f32.msk $0xffff, v7  }
0x16b: {  	[tilespmem:s8+$0x5A60] =	vst.add.f32.msk $0xffff, v4  }
0x16c: {  	[tilespmem:s8+$0x5A70] =	vst.add.f32.msk $0xffff, v6  }
0x16d: {  	[tilespmem:s8+$0x5A80] =	vst.add.f32.msk $0xffff, v8  }
.Ltmp2:
0x16e: {  	[tilespmem:s8+$0x5A90] =	vst.add.f32.msk $0xffff, v9;
	(pc) =	sbr.rel @p0 .LBB2_7-.Ltmp2, $4  }
0x16f: {  	[tilespmem:s8+$0x5AA0] =	vst.add.f32.msk $0xffff, v10  }
0x170: {  	[tilespmem:s8+$0x5AB0] =	vst.add.f32.msk $0xffff, v11  }
0x171: {  	[tilespmem:s8+$0x5AC0] =	vst.add.f32.msk $0xffff, v2  }
0x172: {  	s3 =	sadd.s32 $0x400, s3;
	[tilespmem:s8+$0x5AD0] =	vst.add.f32.msk $0xffff, v1  }
0x173: {  	[tilespmem:s8+$0x5AE0] =	vst.add.f32.msk $0xffff, v0;
	s3 =	sadd.s32 $0x500, s19;
	p0 =	seq.s32 s12, $0x1F  }
0x174: {  	[hbm4b:s3+s6] =	stream.linear.scatter [tilespmem:s20], [sflag:$0x8], $0x1400, $0x38;
	[tilespmem:$0x15E00] =	vst v63  }
0x175: {  	s3 =	simm.s32 @!p0 $0x6  }
0x176: {  	s12 =	sadd.s32 $0x1, s12;
	_ =	swait.ge @!p0 [sflag:s3], $0x1400  }
0x177: {  	s8 =	smul.u32 @!p0 $0xC8, s12;
	[sflag:s3] =	ssyncset.done @!p0 $0x0  }
0x178: {  	s9 =	simm.s32 @!p0 $0x3200;
	[sflag:s3] =	ssyncadd.s32 @!p0 $0xFFFFEC00;
	s3 =	simm.s32 @!p0 $0x28  }
0x179: {  	[tilespmem:s9], [sflag:$0x1] =	stream.indirect.gather @!p0 [hbm4b:s1+s3], $0x80, s8, s3, $0xb8;
	[tilespmem:$0x15E00] =	vst v63  }
0x17a: {  	s10 =	simm.s32 @!p0 $0x9600;
	s9 =	sadd.s32 @!p0 $0x1900, s8  }
0x17b: {  	[tilespmem:s10], [sflag:$0x1] =	stream.indirect.gather @!p0 [hbm4b:s4+s3], $0x80, s9, s3, $0xb8;
	[tilespmem:$0x15E00] =	vst v63  }
0x17c: {  	_ =	swait.ge [sflag:s30], $0x1400  }
0x17d: {  	[sflag:s30] =	ssyncset.done $0x0  }
0x17e: {  	[sflag:s30] =	ssyncadd.s32 $0xFFFFEC00  }
0x17f: {  	_ =	swait.ge [sflag:s30], $0x1400  }
0x180: {  	[sflag:s30] =	ssyncset.done $0x0  }
0x181: {  	s9 =	simm.s32 $0x0;
	[sflag:s30] =	ssyncadd.s32 $0xFFFFEC00  }
0x182: {  	v0 =	vld [tilespmem:s9+$0xD2F0]  }
0x183: {  	v1 =	vld [tilespmem:s9+$0x136F0]  }
0x184: {  	v2 =	vld [tilespmem:s9+$0xD200]  }
0x185: {  	v3 =	vld [tilespmem:s9+$0x13600]  }
0x186: {  	v4 =	vld [tilespmem:s9+$0xD210]  }
0x187: {  	v5 =	vld [tilespmem:s9+$0x13610]  }
0x188: {  	v6 =	vld [tilespmem:s9+$0xD220]  }
0x189: {  	v7 =	vld [tilespmem:s9+$0x13630]  }
0x18a: {  	v8 =	vld [tilespmem:s9+$0xD240]  }
0x18b: {  	v9 =	vld [tilespmem:s9+$0x13640]  }
0x18c: {  	v10 =	vld [tilespmem:s9+$0xD250]  }
0x18d: {  	v11 =	vld [tilespmem:s9+$0x13650]  }
0x18e: {  	v12 =	vld [tilespmem:s9+$0xD260]  }
0x18f: {  	v13 =	vld [tilespmem:s9+$0x13660]  }
0x190: {  	v14 =	vld [tilespmem:s9+$0xD270]  }
0x191: {  	v15 =	vld [tilespmem:s9+$0x13670]  }
0x192: {  	v16 =	vld [tilespmem:s9+$0xD280]  }
0x193: {  	v17 =	vld [tilespmem:s9+$0x13680]  }
0x194: {  	v18 =	vld [tilespmem:s9+$0xD290]  }
0x195: {  	v19 =	vld [tilespmem:s9+$0x13690]  }
0x196: {  	v20 =	vld [tilespmem:s9+$0xD2A0]  }
0x197: {  	v21 =	vld [tilespmem:s9+$0x136A0]  }
0x198: {  	v22 =	vld [tilespmem:s9+$0xD2B0]  }
0x199: {  	v23 =	vld [tilespmem:s9+$0x136B0]  }
0x19a: {  	v24 =	vld [tilespmem:s9+$0xD2C0]  }
0x19b: {  	v25 =	vld [tilespmem:s9+$0x136C0]  }
0x19c: {  	v26 =	vld [tilespmem:s9+$0xD2D0]  }
0x19d: {  	v27 =	vld [tilespmem:s9+$0x136D0]  }
0x19e: {  	v63 =	vld [tilespmem:s9+$0x136E0];
	v0 =	vadd.f32 v1, v0  }
0x19f: {  	v1 =	vld [tilespmem:s9+$0x13620]  }
0x1a0: {  	v2 =	vadd.f32 v3, v2;
	[tilespmem:s9+$0x6EF0] =	vst.add.f32.msk $0xffff, v0  }
0x1a1: {  	v0 =	vld [tilespmem:s9+$0xD230]  }
0x1a2: {  	[tilespmem:s9+$0x6E00] =	vst.add.f32.msk $0xffff, v2;
	v2 =	vadd.f32 v9, v8  }
0x1a3: {  	v3 =	vld [tilespmem:s9+$0xD2E0];
	v4 =	vadd.f32 v5, v4  }
0x1a4: {  	[tilespmem:s9+$0x6E40] =	vst.add.f32.msk $0xffff, v2;
	v2 =	vadd.f32 v15, v14  }
0x1a5: {  	[tilespmem:s9+$0x6E10] =	vst.add.f32.msk $0xffff, v4;
	v1 =	vadd.f32 v1, v6  }
0x1a6: {  	[tilespmem:s9+$0x6E70] =	vst.add.f32.msk $0xffff, v2;
	v2 =	vadd.f32 v21, v20  }
0x1a7: {  	v0 =	vadd.f32 v7, v0;
	[tilespmem:s9+$0x6E20] =	vst.add.f32.msk $0xffff, v1  }
0x1a8: {  	v1 =	vadd.f32 v11, v10;
	[tilespmem:s9+$0x6EA0] =	vst.add.f32.msk $0xffff, v2  }
0x1a9: {  	[tilespmem:s9+$0x6E30] =	vst.add.f32.msk $0xffff, v0;
	v0 =	vadd.f32 v13, v12  }
0x1aa: {  	v2 =	vadd.f32 v27, v26;
	[tilespmem:s9+$0x6E50] =	vst.add.f32.msk $0xffff, v1  }
0x1ab: {  	[tilespmem:s9+$0x6E60] =	vst.add.f32.msk $0xffff, v0;
	v0 =	vadd.f32 v19, v18  }
0x1ac: {  	v1 =	vadd.f32 v17, v16;
	[tilespmem:s9+$0x6ED0] =	vst.add.f32.msk $0xffff, v2  }
0x1ad: {  	[tilespmem:s9+$0x6E90] =	vst.add.f32.msk $0xffff, v0;
	v0 =	vadd.f32 v25, v24  }
0x1ae: {  	[tilespmem:s9+$0x6E80] =	vst.add.f32.msk $0xffff, v1;
	v1 =	vadd.f32 v23, v22  }
0x1af: {  	[tilespmem:s9+$0x6EC0] =	vst.add.f32.msk $0xffff, v0;
	v0 =	vadd.f32 v63, v3  }
0x1b0: {  	s10 =	simm.s32 $0x0;
	s3 =	simm.s32 $0x400;
	[tilespmem:s9+$0x6EB0] =	vst.add.f32.msk $0xffff, v1  }
.LBB2_9:
0x1b1: {  	[tilespmem:s9+$0x6EE0] =	vst.add.f32.msk $0xffff, v0;
	s9 =	sshra.s32 s3, $0x2  }
0x1b2: {  	s10 =	sadd.s32 $0x2, s10;
	v0 =	vld [tilespmem:s9+$0xD2F0]  }
0x1b3: {  	p1 =	slt.u32 s10, $0x26;
	v1 =	vld [tilespmem:s9+$0x136F0]  }
0x1b4: {  	v2 =	vld [tilespmem:s9+$0xD200]  }
0x1b5: {  	v3 =	vld [tilespmem:s9+$0x13600]  }
0x1b6: {  	v4 =	vld [tilespmem:s9+$0xD210]  }
0x1b7: {  	v5 =	vld [tilespmem:s9+$0x13610]  }
0x1b8: {  	v6 =	vld [tilespmem:s9+$0xD220];
	v0 =	vadd.f32 v1, v0  }
0x1b9: {  	v1 =	vld [tilespmem:s9+$0x13620]  }
0x1ba: {  	v2 =	vadd.f32 v3, v2;
	[tilespmem:s9+$0x6EF0] =	vst.add.f32.msk $0xffff, v0  }
0x1bb: {  	v0 =	vld [tilespmem:s9+$0xD230]  }
0x1bc: {  	v3 =	vadd.f32 v5, v4;
	v4 =	vld [tilespmem:s9+$0x13630]  }
0x1bd: {  	v5 =	vld [tilespmem:s9+$0xD240]  }
0x1be: {  	v1 =	vadd.f32 v1, v6;
	v6 =	vld [tilespmem:s9+$0x13640]  }
0x1bf: {  	v7 =	vld [tilespmem:s9+$0xD250]  }
0x1c0: {  	v8 =	vld [tilespmem:s9+$0x13650]  }
0x1c1: {  	v0 =	vadd.f32 v4, v0;
	v4 =	vld [tilespmem:s9+$0xD260]  }
0x1c2: {  	v9 =	vld [tilespmem:s9+$0x13660]  }
0x1c3: {  	v5 =	vadd.f32 v6, v5;
	v6 =	vld [tilespmem:s9+$0xD270]  }
0x1c4: {  	v10 =	vld [tilespmem:s9+$0x13670]  }
0x1c5: {  	v7 =	vadd.f32 v8, v7;
	v8 =	vld [tilespmem:s9+$0xD280]  }
0x1c6: {  	v11 =	vld [tilespmem:s9+$0x13680]  }
0x1c7: {  	v4 =	vadd.f32 v9, v4;
	v9 =	vld [tilespmem:s9+$0xD290]  }
0x1c8: {  	v12 =	vld [tilespmem:s9+$0x13690]  }
0x1c9: {  	v6 =	vadd.f32 v10, v6;
	v10 =	vld [tilespmem:s9+$0xD2A0]  }
0x1ca: {  	v13 =	vld [tilespmem:s9+$0x136A0]  }
0x1cb: {  	v8 =	vadd.f32 v11, v8;
	v11 =	vld [tilespmem:s9+$0xD2B0]  }
0x1cc: {  	v14 =	vld [tilespmem:s9+$0x136B0]  }
0x1cd: {  	v9 =	vadd.f32 v12, v9;
	v12 =	vld [tilespmem:s9+$0xD2C0]  }
0x1ce: {  	v15 =	vld [tilespmem:s9+$0x136C0]  }
0x1cf: {  	v10 =	vadd.f32 v13, v10;
	v13 =	vld [tilespmem:s9+$0xD2D0]  }
0x1d0: {  	v16 =	vld [tilespmem:s9+$0x136D0]  }
0x1d1: {  	v11 =	vadd.f32 v14, v11;
	v14 =	vld [tilespmem:s9+$0xD2E0]  }
0x1d2: {  	v17 =	vld [tilespmem:s9+$0x136E0]  }
0x1d3: {  	[tilespmem:s9+$0x6E00] =	vst.add.f32.msk $0xffff, v2;
	v2 =	vadd.f32 v15, v12  }
0x1d4: {  	[tilespmem:s9+$0x6E10] =	vst.add.f32.msk $0xffff, v3  }
0x1d5: {  	[tilespmem:s9+$0x6E20] =	vst.add.f32.msk $0xffff, v1;
	v1 =	vadd.f32 v16, v13  }
0x1d6: {  	[tilespmem:s9+$0x6E30] =	vst.add.f32.msk $0xffff, v0  }
0x1d7: {  	[tilespmem:s9+$0x6E40] =	vst.add.f32.msk $0xffff, v5;
	v0 =	vadd.f32 v17, v14  }
0x1d8: {  	[tilespmem:s9+$0x6E50] =	vst.add.f32.msk $0xffff, v7  }
0x1d9: {  	[tilespmem:s9+$0x6E60] =	vst.add.f32.msk $0xffff, v4  }
0x1da: {  	[tilespmem:s9+$0x6E70] =	vst.add.f32.msk $0xffff, v6  }
0x1db: {  	[tilespmem:s9+$0x6E80] =	vst.add.f32.msk $0xffff, v8  }
.Ltmp3:
0x1dc: {  	[tilespmem:s9+$0x6E90] =	vst.add.f32.msk $0xffff, v9;
	(pc) =	sbr.rel @p1 .LBB2_9-.Ltmp3, $4  }
0x1dd: {  	[tilespmem:s9+$0x6EA0] =	vst.add.f32.msk $0xffff, v10  }
0x1de: {  	[tilespmem:s9+$0x6EB0] =	vst.add.f32.msk $0xffff, v11  }
0x1df: {  	[tilespmem:s9+$0x6EC0] =	vst.add.f32.msk $0xffff, v2  }
0x1e0: {  	s3 =	sadd.s32 $0x400, s3;
	[tilespmem:s9+$0x6ED0] =	vst.add.f32.msk $0xffff, v1  }
0x1e1: {  	[tilespmem:s9+$0x6EE0] =	vst.add.f32.msk $0xffff, v0;
	s3 =	sadd.s32 $0x780, s19  }
0x1e2: {  	[hbm4b:s3+s6] =	stream.linear.scatter [tilespmem:s23], [sflag:$0x9], $0x1400, $0x38;
	[tilespmem:$0x15E00] =	vst v63  }
0x1e3: {  	s3 =	simm.s32 @!p0 $0x7  }
0x1e4: {  	_ =	swait.ge @!p0 [sflag:s3], $0x1400  }
0x1e5: {  	s9 =	simm.s32 @!p0 $0x28;
	[sflag:s3] =	ssyncset.done @!p0 $0x0  }
0x1e6: {  	s10 =	simm.s32 @!p0 $0x4600;
	[sflag:s3] =	ssyncadd.s32 @!p0 $0xFFFFEC00;
	s3 =	sadd.s32 @!p0 $0x28, s8  }
0x1e7: {  	[tilespmem:s10], [sflag:$0x2] =	stream.indirect.gather @!p0 [hbm4b:s1+s9], $0x80, s3, s9, $0xb8;
	[tilespmem:$0x15E00] =	vst v63  }
0x1e8: {  	s3 =	sadd.s32 @!p0 $0x1928, s8;
	s8 =	simm.s32 @!p0 $0xAA00  }
0x1e9: {  	[tilespmem:s8], [sflag:$0x2] =	stream.indirect.gather @!p0 [hbm4b:s4+s9], $0x80, s3, s9, $0xb8;
	[tilespmem:$0x15E00] =	vst v63  }
0x1ea: {  	_ =	swait.ge [sflag:s31], $0x1400  }
0x1eb: {  	[sflag:s31] =	ssyncset.done $0x0  }
0x1ec: {  	[sflag:s31] =	ssyncadd.s32 $0xFFFFEC00  }
0x1ed: {  	_ =	swait.ge [sflag:s31], $0x1400  }
0x1ee: {  	[sflag:s31] =	ssyncset.done $0x0  }
0x1ef: {  	s8 =	simm.s32 $0x0;
	[sflag:s31] =	ssyncadd.s32 $0xFFFFEC00  }
0x1f0: {  	v0 =	vld [tilespmem:s8+$0xE6F0]  }
0x1f1: {  	v1 =	vld [tilespmem:s8+$0x14AF0]  }
0x1f2: {  	v2 =	vld [tilespmem:s8+$0xE600]  }
0x1f3: {  	v3 =	vld [tilespmem:s8+$0x14A00]  }
0x1f4: {  	v4 =	vld [tilespmem:s8+$0xE610]  }
0x1f5: {  	v5 =	vld [tilespmem:s8+$0x14A10]  }
0x1f6: {  	v6 =	vld [tilespmem:s8+$0xE620]  }
0x1f7: {  	v7 =	vld [tilespmem:s8+$0x14A30]  }
0x1f8: {  	v8 =	vld [tilespmem:s8+$0xE640]  }
0x1f9: {  	v9 =	vld [tilespmem:s8+$0x14A40]  }
0x1fa: {  	v10 =	vld [tilespmem:s8+$0xE650]  }
0x1fb: {  	v11 =	vld [tilespmem:s8+$0x14A50]  }
0x1fc: {  	v12 =	vld [tilespmem:s8+$0xE660]  }
0x1fd: {  	v13 =	vld [tilespmem:s8+$0x14A60]  }
0x1fe: {  	v14 =	vld [tilespmem:s8+$0xE670]  }
0x1ff: {  	v15 =	vld [tilespmem:s8+$0x14A70]  }
0x200: {  	v16 =	vld [tilespmem:s8+$0xE680]  }
0x201: {  	v17 =	vld [tilespmem:s8+$0x14A80]  }
0x202: {  	v18 =	vld [tilespmem:s8+$0xE690]  }
0x203: {  	v19 =	vld [tilespmem:s8+$0x14A90]  }
0x204: {  	v20 =	vld [tilespmem:s8+$0xE6A0]  }
0x205: {  	v21 =	vld [tilespmem:s8+$0x14AA0]  }
0x206: {  	v22 =	vld [tilespmem:s8+$0xE6B0]  }
0x207: {  	v23 =	vld [tilespmem:s8+$0x14AB0]  }
0x208: {  	v24 =	vld [tilespmem:s8+$0xE6C0]  }
0x209: {  	v25 =	vld [tilespmem:s8+$0x14AC0]  }
0x20a: {  	v26 =	vld [tilespmem:s8+$0xE6D0]  }
0x20b: {  	v27 =	vld [tilespmem:s8+$0x14AD0]  }
0x20c: {  	v63 =	vld [tilespmem:s8+$0x14AE0];
	v0 =	vadd.f32 v1, v0  }
0x20d: {  	v1 =	vld [tilespmem:s8+$0x14A20]  }
0x20e: {  	v2 =	vadd.f32 v3, v2;
	[tilespmem:s8+$0x82F0] =	vst.add.f32.msk $0xffff, v0  }
0x20f: {  	v0 =	vld [tilespmem:s8+$0xE630]  }
0x210: {  	[tilespmem:s8+$0x8200] =	vst.add.f32.msk $0xffff, v2;
	v2 =	vadd.f32 v9, v8  }
0x211: {  	v3 =	vld [tilespmem:s8+$0xE6E0];
	v4 =	vadd.f32 v5, v4  }
0x212: {  	[tilespmem:s8+$0x8240] =	vst.add.f32.msk $0xffff, v2;
	v2 =	vadd.f32 v15, v14  }
0x213: {  	[tilespmem:s8+$0x8210] =	vst.add.f32.msk $0xffff, v4;
	v1 =	vadd.f32 v1, v6  }
0x214: {  	[tilespmem:s8+$0x8270] =	vst.add.f32.msk $0xffff, v2;
	v2 =	vadd.f32 v21, v20  }
0x215: {  	v0 =	vadd.f32 v7, v0;
	[tilespmem:s8+$0x8220] =	vst.add.f32.msk $0xffff, v1  }
0x216: {  	v1 =	vadd.f32 v11, v10;
	[tilespmem:s8+$0x82A0] =	vst.add.f32.msk $0xffff, v2  }
0x217: {  	[tilespmem:s8+$0x8230] =	vst.add.f32.msk $0xffff, v0;
	v0 =	vadd.f32 v13, v12  }
0x218: {  	v2 =	vadd.f32 v27, v26;
	[tilespmem:s8+$0x8250] =	vst.add.f32.msk $0xffff, v1  }
0x219: {  	[tilespmem:s8+$0x8260] =	vst.add.f32.msk $0xffff, v0;
	v0 =	vadd.f32 v19, v18  }
0x21a: {  	v1 =	vadd.f32 v17, v16;
	[tilespmem:s8+$0x82D0] =	vst.add.f32.msk $0xffff, v2  }
0x21b: {  	[tilespmem:s8+$0x8290] =	vst.add.f32.msk $0xffff, v0;
	v0 =	vadd.f32 v25, v24  }
0x21c: {  	[tilespmem:s8+$0x8280] =	vst.add.f32.msk $0xffff, v1;
	v1 =	vadd.f32 v23, v22  }
0x21d: {  	[tilespmem:s8+$0x82C0] =	vst.add.f32.msk $0xffff, v0;
	v0 =	vadd.f32 v63, v3  }
0x21e: {  	s9 =	simm.s32 $0x0;
	s3 =	simm.s32 $0x400;
	[tilespmem:s8+$0x82B0] =	vst.add.f32.msk $0xffff, v1  }
.LBB2_11:
0x21f: {  	[tilespmem:s8+$0x82E0] =	vst.add.f32.msk $0xffff, v0;
	s8 =	sshra.s32 s3, $0x2  }
0x220: {  	s9 =	sadd.s32 $0x2, s9;
	v0 =	vld [tilespmem:s8+$0xE6F0]  }
0x221: {  	p0 =	slt.u32 s9, $0x26;
	v1 =	vld [tilespmem:s8+$0x14AF0]  }
0x222: {  	v2 =	vld [tilespmem:s8+$0xE600]  }
0x223: {  	v3 =	vld [tilespmem:s8+$0x14A00]  }
0x224: {  	v4 =	vld [tilespmem:s8+$0xE610]  }
0x225: {  	v5 =	vld [tilespmem:s8+$0x14A10]  }
0x226: {  	v6 =	vld [tilespmem:s8+$0xE620];
	v0 =	vadd.f32 v1, v0  }
0x227: {  	v1 =	vld [tilespmem:s8+$0x14A20]  }
0x228: {  	v2 =	vadd.f32 v3, v2;
	[tilespmem:s8+$0x82F0] =	vst.add.f32.msk $0xffff, v0  }
0x229: {  	v0 =	vld [tilespmem:s8+$0xE630]  }
0x22a: {  	v3 =	vadd.f32 v5, v4;
	v4 =	vld [tilespmem:s8+$0x14A30]  }
0x22b: {  	v5 =	vld [tilespmem:s8+$0xE640]  }
0x22c: {  	v1 =	vadd.f32 v1, v6;
	v6 =	vld [tilespmem:s8+$0x14A40]  }
0x22d: {  	v7 =	vld [tilespmem:s8+$0xE650]  }
0x22e: {  	v8 =	vld [tilespmem:s8+$0x14A50]  }
0x22f: {  	v0 =	vadd.f32 v4, v0;
	v4 =	vld [tilespmem:s8+$0xE660]  }
0x230: {  	v9 =	vld [tilespmem:s8+$0x14A60]  }
0x231: {  	v5 =	vadd.f32 v6, v5;
	v6 =	vld [tilespmem:s8+$0xE670]  }
0x232: {  	v10 =	vld [tilespmem:s8+$0x14A70]  }
0x233: {  	v7 =	vadd.f32 v8, v7;
	v8 =	vld [tilespmem:s8+$0xE680]  }
0x234: {  	v11 =	vld [tilespmem:s8+$0x14A80]  }
0x235: {  	v4 =	vadd.f32 v9, v4;
	v9 =	vld [tilespmem:s8+$0xE690]  }
0x236: {  	v12 =	vld [tilespmem:s8+$0x14A90]  }
0x237: {  	v6 =	vadd.f32 v10, v6;
	v10 =	vld [tilespmem:s8+$0xE6A0]  }
0x238: {  	v13 =	vld [tilespmem:s8+$0x14AA0]  }
0x239: {  	v8 =	vadd.f32 v11, v8;
	v11 =	vld [tilespmem:s8+$0xE6B0]  }
0x23a: {  	v14 =	vld [tilespmem:s8+$0x14AB0]  }
0x23b: {  	v9 =	vadd.f32 v12, v9;
	v12 =	vld [tilespmem:s8+$0xE6C0]  }
0x23c: {  	v15 =	vld [tilespmem:s8+$0x14AC0]  }
0x23d: {  	v10 =	vadd.f32 v13, v10;
	v13 =	vld [tilespmem:s8+$0xE6D0]  }
0x23e: {  	v16 =	vld [tilespmem:s8+$0x14AD0]  }
0x23f: {  	v11 =	vadd.f32 v14, v11;
	v14 =	vld [tilespmem:s8+$0xE6E0]  }
0x240: {  	v17 =	vld [tilespmem:s8+$0x14AE0]  }
0x241: {  	[tilespmem:s8+$0x8200] =	vst.add.f32.msk $0xffff, v2;
	v2 =	vadd.f32 v15, v12  }
0x242: {  	[tilespmem:s8+$0x8210] =	vst.add.f32.msk $0xffff, v3  }
0x243: {  	[tilespmem:s8+$0x8220] =	vst.add.f32.msk $0xffff, v1;
	v1 =	vadd.f32 v16, v13  }
0x244: {  	[tilespmem:s8+$0x8230] =	vst.add.f32.msk $0xffff, v0  }
0x245: {  	[tilespmem:s8+$0x8240] =	vst.add.f32.msk $0xffff, v5;
	v0 =	vadd.f32 v17, v14  }
0x246: {  	[tilespmem:s8+$0x8250] =	vst.add.f32.msk $0xffff, v7  }
0x247: {  	[tilespmem:s8+$0x8260] =	vst.add.f32.msk $0xffff, v4  }
0x248: {  	[tilespmem:s8+$0x8270] =	vst.add.f32.msk $0xffff, v6  }
0x249: {  	[tilespmem:s8+$0x8280] =	vst.add.f32.msk $0xffff, v8  }
.Ltmp4:
0x24a: {  	[tilespmem:s8+$0x8290] =	vst.add.f32.msk $0xffff, v9;
	(pc) =	sbr.rel @p0 .LBB2_11-.Ltmp4, $4  }
0x24b: {  	[tilespmem:s8+$0x82A0] =	vst.add.f32.msk $0xffff, v10  }
0x24c: {  	[tilespmem:s8+$0x82B0] =	vst.add.f32.msk $0xffff, v11  }
0x24d: {  	[tilespmem:s8+$0x82C0] =	vst.add.f32.msk $0xffff, v2  }
0x24e: {  	s3 =	sadd.s32 $0x400, s3;
	[tilespmem:s8+$0x82D0] =	vst.add.f32.msk $0xffff, v1  }
0x24f: {  	p0 =	sne.s32 s12, $0x20  }
.Ltmp5:
0x250: {  	_ = 	snop;
	(pc) =	sbr.rel @p0 .LBB2_2-.Ltmp5, $3  }
0x251: {  	_ =	sdelay $0x1  }
0x252: {  	[tilespmem:s8+$0x82E0] =	vst.add.f32.msk $0xffff, v0;
	s3 =	sadd.s32 $0xA00, s19  }
0x253: {  	[hbm4b:s3+s6] =	stream.linear.scatter [tilespmem:s26], [sflag:$0xA], $0x1400, $0x38;
	[tilespmem:$0x15E00] =	vst v63  }
0x254: {  	s3 =	simm.s32 $0x6  }
0x255: {  	_ =	swait.ge [sflag:s3], $0x1400  }
0x256: {  	[sflag:s3] =	ssyncset.done $0x0  }
0x257: {  	[sflag:s3] =	ssyncadd.s32 $0xFFFFEC00  }
0x258: {  	_ =	swait.ge [sflag:s0], $0x1400  }
0x259: {  	[sflag:s0] =	ssyncset.done $0x0  }
0x25a: {  	[sflag:s0] =	ssyncadd.s32 $0xFFFFEC00  }
0x25b: {  	_ =	swait.ge [sflag:s2], $0x1400  }
0x25c: {  	[sflag:s2] =	ssyncset.done $0x0  }
0x25d: {  	[sflag:s2] =	ssyncadd.s32 $0xFFFFEC00  }
0x25e: {  	_ =	swait.ge [sflag:s13], $0x1400  }
0x25f: {  	[sflag:s13] =	ssyncset.done $0x0  }
0x260: {  	[sflag:s13] =	ssyncadd.s32 $0xFFFFEC00  }
0x261: {  	_ =	swait.ge [sflag:s16], $0x1400  }
0x262: {  	s18 =	sadd.s32 $0x1, s18;
	s19 =	rddreg [dreg:$0x8]  }
0x263: {  	p0 =	sne.s32 s18, s19  }
.Ltmp6:
0x264: {  	_ = 	snop;
	(pc) =	sbr.rel @p0 .LBB2_1-.Ltmp6, $3  }
0x265: {  	_ =	sdelay $0x1  }
0x266: {  	[sflag:s16] =	ssyncset.done $0x0  }
0x267: {  	[sflag:s16] =	ssyncadd.s32 $0xFFFFEC00  }
0x268: {  	_ =	sfence.sel $0x180000  }
0x269: {  	[bflag:$0x0] =	sbarrier.arrive $0xFFFF  }
0x26a: {  	_ =	strace $0x90000047  }
0x26b: {  	s0 =	stileid.u32;
	[bflag:$0x2] =	sbarrier.arrive $0xFFFF  }
0x26c: {  	p0 =	sne.s32 s0, $0x0;
	s0 =	rddreg [dreg:$0x5]  }
0x26d: {  	s0 =	sadd.s32 @!p0 $0x100000, s0  }
0x26e: {  	[sflag:s0] =	ssyncadd.tile.s32 @!p0 $0x1;
	_ =	shalt  }
.Lfunc_end2:
_tile_overlayer_lowered:
.L_overlay_start_2:
0x26f: {  	(tag) =	ssettag $0x2  }
0x270: {  	s0 =	rddreg [dreg:$0x0];
	s2 =	stileid.u32  }
0x271: {  	s1 =	rddreg [dreg:$0x1];
	p0 =	sne.s32 s2, $0x0  }
0x272: {  	s3 =	rddreg [dreg:$0x2];
	[bflag:$0x3] =	sbarrier.arrive $0xFFFF;
	s2 =	simm.s32 @!p0 $0x1C0B  }
0x273: {  	[timem:s3], [sflag:s2] =	dma.local @!p0 [hbm:s0], s1  }
0x274: {  	s0 =	simm.s32 @!p0 $0xB  }
0x275: {  	_ =	swait.ge @!p0 [sflag:s0], s1  }
0x276: {  	s1 =	ssub.s32 @!p0 $0x0, s1;
	[sflag:s0] =	ssyncset.done @!p0 $0x0  }
0x277: {  	[sflag:s0] =	ssyncadd.s32 @!p0 s1  }
0x278: {  	[bflag:$0x3] =	sbarrier.arrive $0xFFFF  }
0x279: {  	_ =	shalt  }

</sc_bundles>
